<compile_context>
chip_gen: v7x
topology: tpu7x:2x2x1
jax: 0.10.2.dev20260603
libtpu: 0.0.44.dev20260713+nightly
codegen_flags: <defaults>
</compile_context>

<pallas_src>
import functools

import jax
import jax.numpy as jnp
from jax import lax
from jax.experimental import pallas as pl
from jax.experimental.pallas import tpu as pltpu
from jax.experimental.pallas import tpu_sc as plsc

N = 50000
E = 800000
DD = 1536
HID = 200
F1 = 512
F2 = 128
NCORE = 2
NSUB = 16
LANES = 16

EPT = 51200
SB = 2048
NITER = SB // LANES
NSB = EPT // SB
E_PAD = EPT * NSUB
GB = 128
NBMAX = SB // GB

CHUNK1 = 2304
NCHUNK1 = 22
NPAD1 = CHUNK1 * NCHUNK1
CHUNK2 = 8448
NCHUNK2 = 6
NPAD2 = CHUNK2 * NCHUNK2

BM = 512


def _make_seg_body(CHUNK, NCHUNK, WS):
    rows_t = CHUNK // NSUB
    GBK = 128 // WS
    gsh = GBK.bit_length() - 1

    def body(feat, srce, dste, zeros, out, srcs, dsts, srcm, dstm,
             srcx0, srcx1, dstx0, dstx1, rows0, rows1, acc,
             semg0, semg1, sems0, sems1):
        srcx = (srcx0, srcx1)
        dstx = (dstx0, dstx1)
        rows = (rows0, rows1)
        cid = lax.axis_index("c")
        sid = lax.axis_index("s")

        edge_base = sid * EPT
        r0 = sid * rows_t
        iota = lax.iota(jnp.int32, LANES)
        zpad = jnp.zeros((LANES,), jnp.int32)
        tspread = 128 // WS
        qq = iota // WS if WS > 1 else iota
        rr = iota - qq * WS
        semg = (semg0, semg1)
        sems = (sems0, sems1)

        def expand(b, p):
            if WS > 1:
                bsp = jnp.zeros((LANES,), jnp.int32) + b
                for k in range(128 // LANES):
                    ki = k * (LANES // WS) + qq
                    sv = plsc.load_gather(srcm, [bsp, ki])
                    dv = plsc.load_gather(dstm, [bsp, ki])
                    srcx[p][0, pl.ds(k * LANES, LANES)] = sv * WS + rr
                    dstx[p][0, pl.ds(k * LANES, LANES)] = dv * WS + rr

        def sidx(b, p):
            return srcx[p].at[0] if WS > 1 else srcm.at[b]

        def didx(b, p):
            return dstx[p].at[0] if WS > 1 else dstm.at[b]

        def g_start(b, p):
            expand(b, p)
            return pltpu.async_copy(feat.at[sidx(b, p)], rows[p], semg[p])

        def s_start(b, p):
            return pltpu.async_copy(rows[p], acc.at[didx(b, p)],
                                    sems[p], add=True)

        def chunk_body(ci, carry):
            base = (ci * NCORE + cid) * CHUNK
            pltpu.sync_copy(zeros, acc.at[pl.ds(r0 * WS, rows_t * WS)])
            plsc.subcore_barrier()

            def sb_body(sb, c2):
                eb = edge_base + sb * SB
                pltpu.sync_copy(srce.at[pl.ds(eb, SB)], srcs)
                pltpu.sync_copy(dste.at[pl.ds(eb, SB)], dsts)

                def filt(i, cnt):
                    d = dsts[pl.ds(i * LANES, LANES)]
                    s = srcs[pl.ds(i * LANES, LANES)]
                    dl = d - base
                    m = (dl >= 0) & (dl < CHUNK)
                    pos = cnt + plsc.cumsum(m.astype(jnp.int32)) - 1
                    hi = pos >> gsh
                    lo = pos & (GBK - 1)
                    plsc.store_scatter(srcm, [hi, lo], s, mask=m)
                    plsc.store_scatter(dstm, [hi, lo], dl, mask=m)
                    return pos[LANES - 1] + 1

                cnt = lax.fori_loop(0, NITER, filt, 0)
                for j in range(2 * (GBK // LANES) if GBK >= LANES else 2):
                    pos = cnt + j * LANES + iota
                    hi = pos >> gsh
                    lo = pos & (GBK - 1)
                    tpad = CHUNK + (pos & (tspread - 1))
                    plsc.store_scatter(srcm, [hi, lo], pos & (tspread - 1))
                    plsc.store_scatter(dstm, [hi, lo], tpad)
                nb = ((cnt + 2 * GBK - 1) // (2 * GBK)) * 2

                def pair(g, c4):
                    b0 = 2 * g
                    d0 = g_start(b0, 0)
                    d1 = g_start(b0 + 1, 1)
                    d0.wait()
                    s0 = s_start(b0, 0)
                    d1.wait()
                    s1 = s_start(b0 + 1, 1)
                    s0.wait()
                    s1.wait()
                    return c4
                lax.fori_loop(0, nb >> 1, pair, 0)
                return c2
            lax.fori_loop(0, NSB, sb_body, 0)
            plsc.subcore_barrier()
            pltpu.sync_copy(acc.at[pl.ds(r0 * WS, rows_t * WS)],
                            out.at[pl.ds((base + r0) * WS, rows_t * WS)])
            return carry
        lax.fori_loop(0, NCHUNK // NCORE, chunk_body, 0)

    return body


def _seg(feat, src_p, dst_p, CHUNK, NCHUNK, WS):
    rows_t = CHUNK // NSUB
    GBK = 128 // WS
    nba = SB // GBK + 2
    k = functools.partial(
        pl.kernel,
        out_type=jax.ShapeDtypeStruct((CHUNK * NCHUNK * WS, 128),
                                      jnp.float32),
        mesh=plsc.VectorSubcoreMesh(core_axis_name="c", subcore_axis_name="s",
                                    num_cores=NCORE, num_subcores=NSUB),
        compiler_params=pltpu.CompilerParams(needs_layout_passes=False),
        scratch_types=[
            pltpu.VMEM((SB,), jnp.int32),
            pltpu.VMEM((SB,), jnp.int32),
            pltpu.VMEM((nba, GBK), jnp.int32),
            pltpu.VMEM((nba, GBK), jnp.int32),
            pltpu.VMEM((1, 128), jnp.int32),
            pltpu.VMEM((1, 128), jnp.int32),
            pltpu.VMEM((1, 128), jnp.int32),
            pltpu.VMEM((1, 128), jnp.int32),
            pltpu.VMEM((128, 128), jnp.float32),
            pltpu.VMEM((128, 128), jnp.float32),
            pltpu.VMEM_SHARED(((CHUNK + 128 // WS) * WS, 128), jnp.float32),
            pltpu.SemaphoreType.DMA,
            pltpu.SemaphoreType.DMA,
            pltpu.SemaphoreType.DMA,
            pltpu.SemaphoreType.DMA,
        ],
    )(_make_seg_body(CHUNK, NCHUNK, WS))
    zeros = jnp.zeros((rows_t * WS, 128), jnp.float32)
    return k(feat, src_p, dst_p, zeros)


def _seg1(feat, src_p, dst_p):
    return _seg(feat, src_p, dst_p, CHUNK1, NCHUNK1, 4)


def _seg2(feat, src_p, dst_p):
    return _seg(feat, src_p, dst_p, CHUNK2, NCHUNK2, 1)


def _mm_body(xb, wb, ob):
    y = jnp.dot(xb[...], wb[...], preferred_element_type=jnp.float32)
    ob[...] = y.reshape(ob.shape)


def _l2_body(ab, b1b, wb, ob):
    a = ab[...].reshape(BM, F1)
    h = jnp.maximum(a + b1b[...], 0.0)
    ob[...] = jnp.dot(h, wb[...], preferred_element_type=jnp.float32)


def _vote_body(pb, b2b, ob):
    s = pb[...] + b2b[...]
    a, b = s[:, 0:1], s[:, 1:2]
    c, d = s[:, 2:3], s[:, 3:4]
    p0 = jax.nn.sigmoid(a - b) + jax.nn.sigmoid(c - d)
    p1 = jax.nn.sigmoid(b - a) + jax.nn.sigmoid(d - c)
    ob[...] = 0.5 * jnp.concatenate([p0, p1], axis=1)


def _cdiv(a, b):
    return (a + b - 1) // b


def kernel(x, edge_index, W1a, b1a, W2a, b2a, W1b, b1b, W2b, b2b):
    f32 = jnp.float32
    src = edge_index[0]
    dst = edge_index[1]

    Wcat = jnp.zeros((DD, F1), f32).at[:768, :HID].set(W1a)
    Wcat = Wcat.at[768:, HID:2 * HID].set(W1b)
    b1cat = jnp.zeros((1, F1), f32).at[0, :HID].set(b1a)
    b1cat = b1cat.at[0, HID:2 * HID].set(b1b)
    W2cat = jnp.zeros((F1, F2), f32).at[:HID, 0:2].set(W2a)
    W2cat = W2cat.at[HID:2 * HID, 2:4].set(W2b)
    b2cat = jnp.zeros((1, F2), f32).at[0, 0:2].set(b2a).at[0, 2:4].set(b2b)

    pad = E_PAD - E
    src_p = jnp.concatenate([src, jnp.zeros((pad,), jnp.int32)])
    dst_p = jnp.concatenate([dst, jnp.full((pad,), 1 << 20, jnp.int32)])

    proj = pl.pallas_call(
        _mm_body,
        grid=(_cdiv(N, BM),),
        in_specs=[pl.BlockSpec((BM, DD), lambda i: (i, 0)),
                  pl.BlockSpec((DD, F1), lambda i: (0, 0))],
        out_specs=pl.BlockSpec((4 * BM, 128), lambda i: (i, 0)),
        out_shape=jax.ShapeDtypeStruct((4 * _cdiv(N, BM) * BM, 128), f32),
    )(x, Wcat)

    agg1 = _seg1(proj, src_p, dst_p)

    z = pl.pallas_call(
        _l2_body,
        grid=(NPAD1 // BM,),
        in_specs=[pl.BlockSpec((4 * BM, 128), lambda i: (i, 0)),
                  pl.BlockSpec((1, F1), lambda i: (0, 0)),
                  pl.BlockSpec((F1, F2), lambda i: (0, 0))],
        out_specs=pl.BlockSpec((BM, F2), lambda i: (i, 0)),
        out_shape=jax.ShapeDtypeStruct((NPAD1, F2), f32),
    )(agg1, b1cat, W2cat)

    agg2 = _seg2(z, src_p, dst_p)

    out = pl.pallas_call(
        _vote_body,
        grid=(_cdiv(N, BM),),
        in_specs=[pl.BlockSpec((BM, F2), lambda i: (i, 0)),
                  pl.BlockSpec((1, F2), lambda i: (0, 0))],
        out_specs=pl.BlockSpec((BM, 2), lambda i: (i, 0)),
        out_shape=jax.ShapeDtypeStruct((N, 2), f32),
    )(agg2, b2cat)

    return out

# --- scband reference (transcript-rebuilt; emitter-appended) ---
"""Pipeline reference for scband-voting-text-gcnmodel-4612794876575 (READ-ONLY COPY).

The authoritative reference and input builder live on the scoring server;
editing this copy changes nothing except your own understanding.
"""

import jax, jax.numpy as jnp
import numpy as np

N = 50000
E = 800000
D_EXPERT = 768
HID = 200
NC = 2


def setup_inputs(seed: int = 0) -> dict:
    key = jax.random.key(seed)
    ks = jax.random.split(key, 10)
    x = jax.random.normal(ks[0], (N, 2 * D_EXPERT), dtype=jnp.float32)
    edge_index = jax.random.randint(ks[1], (2, E), 0, N, dtype=jnp.int32)
    s1 = 1.0 / np.sqrt(D_EXPERT)
    s2 = 1.0 / np.sqrt(HID)
    W1a = jax.random.normal(ks[2], (D_EXPERT, HID), dtype=jnp.float32) * s1
    b1a = jnp.zeros((HID,), dtype=jnp.float32)
    W2a = jax.random.normal(ks[3], (HID, NC), dtype=jnp.float32) * s2
    b2a = jnp.zeros((NC,), dtype=jnp.float32)
    W1b = jax.random.normal(ks[4], (D_EXPERT, HID), dtype=jnp.float32) * s1
    b1b = jnp.zeros((HID,), dtype=jnp.float32)
    W2b = jax.random.normal(ks[5], (HID, NC), dtype=jnp.float32) * s2
    b2b = jnp.zeros((NC,), dtype=jnp.float32)
    return {"x": x, "edge_index": edge_index,
            "W1a": W1a, "b1a": b1a, "W2a": W2a, "b2a": b2a,
            "W1b": W1b, "b1b": b1b, "W2b": W2b, "b2b": b2b}


def reference(x, edge_index, W1a, b1a, W2a, b2a, W1b, b1b, W2b, b2b):
    src = edge_index[0]
    dst = edge_index[1]

    def gcn(h, W, b):
        # GCNConv: A @ (h @ W) + b, adjacency given as binary edge list
        proj = h @ W
        msgs = proj[src]                      # gather  [E, d_out]
        agg = jax.ops.segment_sum(msgs, dst, num_segments=N)  # scatter-add
        return agg + b

    x1 = x[:, :D_EXPERT]
    x2 = x[:, D_EXPERT:]

    h1 = jax.nn.relu(gcn(x1, W1a, b1a))
    # dropout is identity at inference
    p1 = jax.nn.softmax(gcn(h1, W2a, b2a), axis=-1)

    h2 = jax.nn.relu(gcn(x2, W1b, b1b))
    p2 = jax.nn.softmax(gcn(h2, W2b, b2b), axis=-1)

    return (p1 + p2) / 2.0

if __name__ == "__main__":
    import jax
    _d = setup_inputs()
    print(jax.jit(kernel)(*tuple(_d.values())))

</pallas_src>

<mosaic_0001>
#map = affine_map<(d0, d1) -> (0, 0)>
#map1 = affine_map<(d0, d1) -> (0)>
module attributes {stable_mosaic.version = 14 : i64} {
  func.func @body(%arg0: i32, %arg1: i32, %arg2: memref<50688x128xf32, #tpu.memory_space<hbm>>, %arg3: memref<819200xi32, #tpu.memory_space<hbm>>, %arg4: memref<819200xi32, #tpu.memory_space<hbm>>, %arg5: memref<528x128xf32, #tpu.memory_space<hbm>>, %arg6: memref<50688x128xf32, #tpu.memory_space<hbm>>, %arg7: memref<2048xi32, #tpu.memory_space<vmem>>, %arg8: memref<2048xi32, #tpu.memory_space<vmem>>, %arg9: memref<18x128xi32, #tpu.memory_space<vmem>>, %arg10: memref<18x128xi32, #tpu.memory_space<vmem>>, %arg11: memref<1x128xi32, #tpu.memory_space<vmem>>, %arg12: memref<1x128xi32, #tpu.memory_space<vmem>>, %arg13: memref<1x128xi32, #tpu.memory_space<vmem>>, %arg14: memref<1x128xi32, #tpu.memory_space<vmem>>, %arg15: memref<128x128xf32, #tpu.memory_space<vmem>>, %arg16: memref<128x128xf32, #tpu.memory_space<vmem>>, %arg17: memref<8576x128xf32, #tpu.memory_space<vmem_shared>>, %arg18: memref<!tpu.dma_semaphore, #tpu.memory_space<semaphore_mem>>, %arg19: memref<!tpu.dma_semaphore, #tpu.memory_space<semaphore_mem>>, %arg20: memref<!tpu.dma_semaphore, #tpu.memory_space<semaphore_mem>>, %arg21: memref<!tpu.dma_semaphore, #tpu.memory_space<semaphore_mem>>) attributes {dimension_semantics = [#tpu.dimension_semantics<core_parallel>, #tpu.dimension_semantics<subcore_parallel>], iteration_bounds = array<i64: 2, 16>, scalar_prefetch = 0 : i64, scratch_operands = 15 : i64, tpu.core_type = #tpu.core_type<sc_vector_subcore>, window_params = [{transform_indices = #map}, {transform_indices = #map1}, {transform_indices = #map1}, {transform_indices = #map}, {transform_indices = #map}]} {
    %mul3A = arith.constant 51200 : i32
    %mul3A_0 = arith.muli %arg1, %mul3A : i32
    %mul3A_1 = arith.constant 528 : i32
    %mul3A_2 = arith.muli %arg1, %mul3A_1 : i32
    %iota3A = tpu.iota {dimensions = array<i32: 0>} : vector<16xi32>
    %broadcast_in_dim3A = arith.constant 0 : i32
    %broadcast_in_dim3A_3 = vector.broadcast %broadcast_in_dim3A : i32 to vector<16xi32>
    %mul3A_4 = arith.constant 1 : i32
    %mul3A_5 = vector.broadcast %mul3A_4 : i32 to vector<16xi32>
    %mul3A_6 = arith.muli %iota3A, %mul3A_5 : vector<16xi32>
    %sub3A = arith.subi %iota3A, %mul3A_6 : vector<16xi32>
    %scan3A = arith.constant 0 : i32
    %scan3A_7 = arith.constant 0 : i32
    %scan3A_8 = arith.constant 3 : i32
    %scan3A_9 = arith.addi %scan3A_7, %scan3A_8 : i32
    %scan3A_10 = arith.constant 1 : i32
    scf.for %scan3A_12 = %scan3A_7 to %scan3A_9 step %scan3A_10  : i32 {
      %mul3A_13 = arith.constant 2 : i32
      %mul3A_14 = arith.muli %scan3A_12, %mul3A_13 : i32
      %add3A = arith.addi %mul3A_14, %arg0 : i32
      %mul3A_15 = arith.constant 8448 : i32
      %mul3A_16 = arith.muli %add3A, %mul3A_15 : i32
      %mul3A_17 = arith.constant 1 : i32
      %mul3A_18 = arith.muli %mul3A_2, %mul3A_17 : i32
      "tpu.region"() ({
        %run_scoped3A = tpu.sem_alloc : memref<!tpu.dma_semaphore, #tpu.memory_space<semaphore_mem>>
        %dma_start3A = arith.constant 0 : i32
        %dma_start3A_31 = tpu.memref_slice %arg17[%mul3A_18, %dma_start3A] : memref<8576x128xf32, #tpu.memory_space<vmem_shared>> -> memref<528x128xf32, #tpu.memory_space<vmem_shared>>
        tpu.enqueue_dma source(%arg5 : memref<528x128xf32, #tpu.memory_space<hbm>>) target(%dma_start3A_31 : memref<528x128xf32, #tpu.memory_space<vmem_shared>>) target_semaphore(%run_scoped3A : memref<!tpu.dma_semaphore, #tpu.memory_space<semaphore_mem>>)
        %dma_wait3A = arith.constant 0 : i32
        %dma_wait3A_32 = tpu.memref_slice %arg17[%mul3A_18, %dma_wait3A] : memref<8576x128xf32, #tpu.memory_space<vmem_shared>> -> memref<528x128xf32, #tpu.memory_space<vmem_shared>>
        tpu.wait_dma2 semaphore(%run_scoped3A : memref<!tpu.dma_semaphore, #tpu.memory_space<semaphore_mem>>) src(%arg5 : memref<528x128xf32, #tpu.memory_space<hbm>>) dst(%dma_wait3A_32 : memref<528x128xf32, #tpu.memory_space<vmem_shared>>)
        tpu.yield
      }) : () -> ()
      %barrier3A = arith.constant 0 : index
      tpu.barrier barrier_id(%barrier3A)
      %scan3A_19 = arith.constant 0 : i32
      %scan3A_20 = arith.constant 0 : i32
      %scan3A_21 = arith.constant 25 : i32
      %scan3A_22 = arith.addi %scan3A_20, %scan3A_21 : i32
      %scan3A_23 = arith.constant 1 : i32
      scf.for %scan3A_31 = %scan3A_20 to %scan3A_22 step %scan3A_23  : i32 {
        %mul3A_32 = arith.constant 2048 : i32
        %mul3A_33 = arith.muli %scan3A_31, %mul3A_32 : i32
        %add3A_34 = arith.addi %mul3A_0, %mul3A_33 : i32
        "tpu.region"() ({
          %run_scoped3A = tpu.sem_alloc : memref<!tpu.dma_semaphore, #tpu.memory_space<semaphore_mem>>
          %dma_start3A = tpu.memref_slice %arg3[%add3A_34] : memref<819200xi32, #tpu.memory_space<hbm>> -> memref<2048xi32, #tpu.memory_space<hbm>>
          %dma_start3A_379 = tpu.memref_slice %arg3[%add3A_34] : memref<819200xi32, #tpu.memory_space<hbm>> -> memref<2048xi32, #tpu.memory_space<hbm>>
          tpu.enqueue_dma source(%dma_start3A_379 : memref<2048xi32, #tpu.memory_space<hbm>>) target(%arg7 : memref<2048xi32, #tpu.memory_space<vmem>>) target_semaphore(%run_scoped3A : memref<!tpu.dma_semaphore, #tpu.memory_space<semaphore_mem>>)
          %dma_wait3A = tpu.memref_slice %arg3[%add3A_34] : memref<819200xi32, #tpu.memory_space<hbm>> -> memref<2048xi32, #tpu.memory_space<hbm>>
          %dma_wait3A_380 = tpu.memref_slice %arg3[%add3A_34] : memref<819200xi32, #tpu.memory_space<hbm>> -> memref<2048xi32, #tpu.memory_space<hbm>>
          tpu.wait_dma2 semaphore(%run_scoped3A : memref<!tpu.dma_semaphore, #tpu.memory_space<semaphore_mem>>) src(%dma_wait3A_380 : memref<2048xi32, #tpu.memory_space<hbm>>) dst(%arg7 : memref<2048xi32, #tpu.memory_space<vmem>>)
          tpu.yield
        }) : () -> ()
        "tpu.region"() ({
          %run_scoped3A = tpu.sem_alloc : memref<!tpu.dma_semaphore, #tpu.memory_space<semaphore_mem>>
          %dma_start3A = tpu.memref_slice %arg4[%add3A_34] : memref<819200xi32, #tpu.memory_space<hbm>> -> memref<2048xi32, #tpu.memory_space<hbm>>
          %dma_start3A_379 = tpu.memref_slice %arg4[%add3A_34] : memref<819200xi32, #tpu.memory_space<hbm>> -> memref<2048xi32, #tpu.memory_space<hbm>>
          tpu.enqueue_dma source(%dma_start3A_379 : memref<2048xi32, #tpu.memory_space<hbm>>) target(%arg8 : memref<2048xi32, #tpu.memory_space<vmem>>) target_semaphore(%run_scoped3A : memref<!tpu.dma_semaphore, #tpu.memory_space<semaphore_mem>>)
          %dma_wait3A = tpu.memref_slice %arg4[%add3A_34] : memref<819200xi32, #tpu.memory_space<hbm>> -> memref<2048xi32, #tpu.memory_space<hbm>>
          %dma_wait3A_380 = tpu.memref_slice %arg4[%add3A_34] : memref<819200xi32, #tpu.memory_space<hbm>> -> memref<2048xi32, #tpu.memory_space<hbm>>
          tpu.wait_dma2 semaphore(%run_scoped3A : memref<!tpu.dma_semaphore, #tpu.memory_space<semaphore_mem>>) src(%dma_wait3A_380 : memref<2048xi32, #tpu.memory_space<hbm>>) dst(%arg8 : memref<2048xi32, #tpu.memory_space<vmem>>)
          tpu.yield
        }) : () -> ()
        %scan3A_35 = arith.constant 0 : i32
        %scan3A_36 = arith.constant 0 : i32
        %scan3A_37 = arith.constant 128 : i32
        %scan3A_38 = arith.addi %scan3A_36, %scan3A_37 : i32
        %scan3A_39 = arith.constant 1 : i32
        %scan3A_40 = scf.for %scan3A_379 = %scan3A_36 to %scan3A_38 step %scan3A_39 iter_args(%scan3A_380 = %scan3A_35) -> (i32)  : i32 {
          %mul3A_381 = arith.constant 16 : i32
          %mul3A_382 = arith.muli %scan3A_379, %mul3A_381 : i32
          %get3A = arith.index_cast %mul3A_382 : i32 to index
          %get3A_383 = tpu.vector_load %arg8[%get3A] {strides = array<i32>} : memref<2048xi32, #tpu.memory_space<vmem>>, vector<16xi32>,
          %mul3A_384 = arith.constant 16 : i32
          %mul3A_385 = arith.muli %scan3A_379, %mul3A_384 : i32
          %get3A_386 = arith.index_cast %mul3A_385 : i32 to index
          %get3A_387 = tpu.vector_load %arg7[%get3A_386] {strides = array<i32>} : memref<2048xi32, #tpu.memory_space<vmem>>, vector<16xi32>,
          %sub3A_388 = vector.broadcast %mul3A_16 : i32 to vector<16xi32>
          %sub3A_389 = arith.subi %get3A_383, %sub3A_388 : vector<16xi32>
          %ge3A = arith.constant 0 : i32
          %ge3A_390 = vector.broadcast %ge3A : i32 to vector<16xi32>
          %ge3A_391 = arith.cmpi sge, %sub3A_389, %ge3A_390 : vector<16xi32>
          %lt3A = arith.constant 8448 : i32
          %lt3A_392 = vector.broadcast %lt3A : i32 to vector<16xi32>
          %lt3A_393 = arith.cmpi slt, %sub3A_389, %lt3A_392 : vector<16xi32>
          %and3A_394 = arith.andi %ge3A_391, %lt3A_393 : vector<16xi1>
          %convert_element_type3A = arith.extui %and3A_394 : vector<16xi1> to vector<16xi32>
          %broadcast_in_dim3A_395 = arith.constant true
          %broadcast_in_dim3A_396 = vector.broadcast %broadcast_in_dim3A_395 : i1 to vector<16xi1>
          %masked_cumsum3A = tpu.scan <sum>, %convert_element_type3A masked %broadcast_in_dim3A_396 : vector<16xi32>, vector<16xi1> -> vector<16xi32>
          %add3A_397 = vector.broadcast %scan3A_380 : i32 to vector<16xi32>
          %add3A_398 = arith.addi %add3A_397, %masked_cumsum3A : vector<16xi32>
          %sub3A_399 = arith.constant 1 : i32
          %sub3A_400 = vector.broadcast %sub3A_399 : i32 to vector<16xi32>
          %sub3A_401 = arith.subi %add3A_398, %sub3A_400 : vector<16xi32>
          %shift_right_arithmetic3A_402 = arith.constant 7 : i32
          %shift_right_arithmetic3A_403 = vector.broadcast %shift_right_arithmetic3A_402 : i32 to vector<16xi32>
          %shift_right_arithmetic3A_404 = arith.shrsi %sub3A_401, %shift_right_arithmetic3A_403 : vector<16xi32>
          %and3A_405 = arith.constant 127 : i32
          %and3A_406 = vector.broadcast %and3A_405 : i32 to vector<16xi32>
          %and3A_407 = arith.andi %sub3A_401, %and3A_406 : vector<16xi32>
          tpu.vector_store_idx %arg9[%shift_right_arithmetic3A_404, %and3A_407], %get3A_387 masked %and3A_394 : memref<18x128xi32, #tpu.memory_space<vmem>>[vector<16xi32>, vector<16xi32>], vector<16xi32>, vector<16xi1>
          tpu.vector_store_idx %arg10[%shift_right_arithmetic3A_404, %and3A_407], %sub3A_389 masked %and3A_394 : memref<18x128xi32, #tpu.memory_space<vmem>>[vector<16xi32>, vector<16xi32>], vector<16xi32>, vector<16xi1>
          %slice3A = vector.extract_strided_slice %sub3A_401 {offsets = [15], sizes = [1], strides = [1]} : vector<16xi32> to vector<1xi32>
          %squeeze3A = vector.extract %slice3A[0] : i32 from vector<1xi32>
          %add3A_408 = arith.constant 1 : i32
          %add3A_409 = arith.addi %squeeze3A, %add3A_408 : i32
          scf.yield %add3A_409 : i32
        }
        %scan3A_41 = arith.constant 128 : i32
        %add3A_42 = arith.constant 0 : i32
        %add3A_43 = arith.addi %scan3A_40, %add3A_42 : i32
        %add3A_44 = vector.broadcast %add3A_43 : i32 to vector<16xi32>
        %add3A_45 = arith.addi %add3A_44, %iota3A : vector<16xi32>
        %shift_right_arithmetic3A = arith.constant 7 : i32
        %shift_right_arithmetic3A_46 = vector.broadcast %shift_right_arithmetic3A : i32 to vector<16xi32>
        %shift_right_arithmetic3A_47 = arith.shrsi %add3A_45, %shift_right_arithmetic3A_46 : vector<16xi32>
        %and3A = arith.constant 127 : i32
        %and3A_48 = vector.broadcast %and3A : i32 to vector<16xi32>
        %and3A_49 = arith.andi %add3A_45, %and3A_48 : vector<16xi32>
        %and3A_50 = arith.constant 127 : i32
        %and3A_51 = vector.broadcast %and3A_50 : i32 to vector<16xi32>
        %and3A_52 = arith.andi %add3A_45, %and3A_51 : vector<16xi32>
        %add3A_53 = arith.constant 8448 : i32
        %add3A_54 = vector.broadcast %add3A_53 : i32 to vector<16xi32>
        %add3A_55 = arith.addi %add3A_54, %and3A_52 : vector<16xi32>
        %and3A_56 = arith.constant 127 : i32
        %and3A_57 = vector.broadcast %and3A_56 : i32 to vector<16xi32>
        %and3A_58 = arith.andi %add3A_45, %and3A_57 : vector<16xi32>
        tpu.vector_store_idx %arg9[%shift_right_arithmetic3A_47, %and3A_49], %and3A_58 : memref<18x128xi32, #tpu.memory_space<vmem>>[vector<16xi32>, vector<16xi32>], vector<16xi32>,
        tpu.vector_store_idx %arg10[%shift_right_arithmetic3A_47, %and3A_49], %add3A_55 : memref<18x128xi32, #tpu.memory_space<vmem>>[vector<16xi32>, vector<16xi32>], vector<16xi32>,
        %add3A_59 = arith.constant 16 : i32
        %add3A_60 = arith.addi %scan3A_40, %add3A_59 : i32
        %add3A_61 = vector.broadcast %add3A_60 : i32 to vector<16xi32>
        %add3A_62 = arith.addi %add3A_61, %iota3A : vector<16xi32>
        %shift_right_arithmetic3A_63 = arith.constant 7 : i32
        %shift_right_arithmetic3A_64 = vector.broadcast %shift_right_arithmetic3A_63 : i32 to vector<16xi32>
        %shift_right_arithmetic3A_65 = arith.shrsi %add3A_62, %shift_right_arithmetic3A_64 : vector<16xi32>
        %and3A_66 = arith.constant 127 : i32
        %and3A_67 = vector.broadcast %and3A_66 : i32 to vector<16xi32>
        %and3A_68 = arith.andi %add3A_62, %and3A_67 : vector<16xi32>
        %and3A_69 = arith.constant 127 : i32
        %and3A_70 = vector.broadcast %and3A_69 : i32 to vector<16xi32>
        %and3A_71 = arith.andi %add3A_62, %and3A_70 : vector<16xi32>
        %add3A_72 = arith.constant 8448 : i32
        %add3A_73 = vector.broadcast %add3A_72 : i32 to vector<16xi32>
        %add3A_74 = arith.addi %add3A_73, %and3A_71 : vector<16xi32>
        %and3A_75 = arith.constant 127 : i32
        %and3A_76 = vector.broadcast %and3A_75 : i32 to vector<16xi32>
        %and3A_77 = arith.andi %add3A_62, %and3A_76 : vector<16xi32>
        tpu.vector_store_idx %arg9[%shift_right_arithmetic3A_65, %and3A_68], %and3A_77 : memref<18x128xi32, #tpu.memory_space<vmem>>[vector<16xi32>, vector<16xi32>], vector<16xi32>,
        tpu.vector_store_idx %arg10[%shift_right_arithmetic3A_65, %and3A_68], %add3A_74 : memref<18x128xi32, #tpu.memory_space<vmem>>[vector<16xi32>, vector<16xi32>], vector<16xi32>,
        %add3A_78 = arith.constant 32 : i32
        %add3A_79 = arith.addi %scan3A_40, %add3A_78 : i32
        %add3A_80 = vector.broadcast %add3A_79 : i32 to vector<16xi32>
        %add3A_81 = arith.addi %add3A_80, %iota3A : vector<16xi32>
        %shift_right_arithmetic3A_82 = arith.constant 7 : i32
        %shift_right_arithmetic3A_83 = vector.broadcast %shift_right_arithmetic3A_82 : i32 to vector<16xi32>
        %shift_right_arithmetic3A_84 = arith.shrsi %add3A_81, %shift_right_arithmetic3A_83 : vector<16xi32>
        %and3A_85 = arith.constant 127 : i32
        %and3A_86 = vector.broadcast %and3A_85 : i32 to vector<16xi32>
        %and3A_87 = arith.andi %add3A_81, %and3A_86 : vector<16xi32>
        %and3A_88 = arith.constant 127 : i32
        %and3A_89 = vector.broadcast %and3A_88 : i32 to vector<16xi32>
        %and3A_90 = arith.andi %add3A_81, %and3A_89 : vector<16xi32>
        %add3A_91 = arith.constant 8448 : i32
        %add3A_92 = vector.broadcast %add3A_91 : i32 to vector<16xi32>
        %add3A_93 = arith.addi %add3A_92, %and3A_90 : vector<16xi32>
        %and3A_94 = arith.constant 127 : i32
        %and3A_95 = vector.broadcast %and3A_94 : i32 to vector<16xi32>
        %and3A_96 = arith.andi %add3A_81, %and3A_95 : vector<16xi32>
        tpu.vector_store_idx %arg9[%shift_right_arithmetic3A_84, %and3A_87], %and3A_96 : memref<18x128xi32, #tpu.memory_space<vmem>>[vector<16xi32>, vector<16xi32>], vector<16xi32>,
        tpu.vector_store_idx %arg10[%shift_right_arithmetic3A_84, %and3A_87], %add3A_93 : memref<18x128xi32, #tpu.memory_space<vmem>>[vector<16xi32>, vector<16xi32>], vector<16xi32>,
        %add3A_97 = arith.constant 48 : i32
        %add3A_98 = arith.addi %scan3A_40, %add3A_97 : i32
        %add3A_99 = vector.broadcast %add3A_98 : i32 to vector<16xi32>
        %add3A_100 = arith.addi %add3A_99, %iota3A : vector<16xi32>
        %shift_right_arithmetic3A_101 = arith.constant 7 : i32
        %shift_right_arithmetic3A_102 = vector.broadcast %shift_right_arithmetic3A_101 : i32 to vector<16xi32>
        %shift_right_arithmetic3A_103 = arith.shrsi %add3A_100, %shift_right_arithmetic3A_102 : vector<16xi32>
        %and3A_104 = arith.constant 127 : i32
        %and3A_105 = vector.broadcast %and3A_104 : i32 to vector<16xi32>
        %and3A_106 = arith.andi %add3A_100, %and3A_105 : vector<16xi32>
        %and3A_107 = arith.constant 127 : i32
        %and3A_108 = vector.broadcast %and3A_107 : i32 to vector<16xi32>
        %and3A_109 = arith.andi %add3A_100, %and3A_108 : vector<16xi32>
        %add3A_110 = arith.constant 8448 : i32
        %add3A_111 = vector.broadcast %add3A_110 : i32 to vector<16xi32>
        %add3A_112 = arith.addi %add3A_111, %and3A_109 : vector<16xi32>
        %and3A_113 = arith.constant 127 : i32
        %and3A_114 = vector.broadcast %and3A_113 : i32 to vector<16xi32>
        %and3A_115 = arith.andi %add3A_100, %and3A_114 : vector<16xi32>
        tpu.vector_store_idx %arg9[%shift_right_arithmetic3A_103, %and3A_106], %and3A_115 : memref<18x128xi32, #tpu.memory_space<vmem>>[vector<16xi32>, vector<16xi32>], vector<16xi32>,
        tpu.vector_store_idx %arg10[%shift_right_arithmetic3A_103, %and3A_106], %add3A_112 : memref<18x128xi32, #tpu.memory_space<vmem>>[vector<16xi32>, vector<16xi32>], vector<16xi32>,
        %add3A_116 = arith.constant 64 : i32
        %add3A_117 = arith.addi %scan3A_40, %add3A_116 : i32
        %add3A_118 = vector.broadcast %add3A_117 : i32 to vector<16xi32>
        %add3A_119 = arith.addi %add3A_118, %iota3A : vector<16xi32>
        %shift_right_arithmetic3A_120 = arith.constant 7 : i32
        %shift_right_arithmetic3A_121 = vector.broadcast %shift_right_arithmetic3A_120 : i32 to vector<16xi32>
        %shift_right_arithmetic3A_122 = arith.shrsi %add3A_119, %shift_right_arithmetic3A_121 : vector<16xi32>
        %and3A_123 = arith.constant 127 : i32
        %and3A_124 = vector.broadcast %and3A_123 : i32 to vector<16xi32>
        %and3A_125 = arith.andi %add3A_119, %and3A_124 : vector<16xi32>
        %and3A_126 = arith.constant 127 : i32
        %and3A_127 = vector.broadcast %and3A_126 : i32 to vector<16xi32>
        %and3A_128 = arith.andi %add3A_119, %and3A_127 : vector<16xi32>
        %add3A_129 = arith.constant 8448 : i32
        %add3A_130 = vector.broadcast %add3A_129 : i32 to vector<16xi32>
        %add3A_131 = arith.addi %add3A_130, %and3A_128 : vector<16xi32>
        %and3A_132 = arith.constant 127 : i32
        %and3A_133 = vector.broadcast %and3A_132 : i32 to vector<16xi32>
        %and3A_134 = arith.andi %add3A_119, %and3A_133 : vector<16xi32>
        tpu.vector_store_idx %arg9[%shift_right_arithmetic3A_122, %and3A_125], %and3A_134 : memref<18x128xi32, #tpu.memory_space<vmem>>[vector<16xi32>, vector<16xi32>], vector<16xi32>,
        tpu.vector_store_idx %arg10[%shift_right_arithmetic3A_122, %and3A_125], %add3A_131 : memref<18x128xi32, #tpu.memory_space<vmem>>[vector<16xi32>, vector<16xi32>], vector<16xi32>,
        %add3A_135 = arith.constant 80 : i32
        %add3A_136 = arith.addi %scan3A_40, %add3A_135 : i32
        %add3A_137 = vector.broadcast %add3A_136 : i32 to vector<16xi32>
        %add3A_138 = arith.addi %add3A_137, %iota3A : vector<16xi32>
        %shift_right_arithmetic3A_139 = arith.constant 7 : i32
        %shift_right_arithmetic3A_140 = vector.broadcast %shift_right_arithmetic3A_139 : i32 to vector<16xi32>
        %shift_right_arithmetic3A_141 = arith.shrsi %add3A_138, %shift_right_arithmetic3A_140 : vector<16xi32>
        %and3A_142 = arith.constant 127 : i32
        %and3A_143 = vector.broadcast %and3A_142 : i32 to vector<16xi32>
        %and3A_144 = arith.andi %add3A_138, %and3A_143 : vector<16xi32>
        %and3A_145 = arith.constant 127 : i32
        %and3A_146 = vector.broadcast %and3A_145 : i32 to vector<16xi32>
        %and3A_147 = arith.andi %add3A_138, %and3A_146 : vector<16xi32>
        %add3A_148 = arith.constant 8448 : i32
        %add3A_149 = vector.broadcast %add3A_148 : i32 to vector<16xi32>
        %add3A_150 = arith.addi %add3A_149, %and3A_147 : vector<16xi32>
        %and3A_151 = arith.constant 127 : i32
        %and3A_152 = vector.broadcast %and3A_151 : i32 to vector<16xi32>
        %and3A_153 = arith.andi %add3A_138, %and3A_152 : vector<16xi32>
        tpu.vector_store_idx %arg9[%shift_right_arithmetic3A_141, %and3A_144], %and3A_153 : memref<18x128xi32, #tpu.memory_space<vmem>>[vector<16xi32>, vector<16xi32>], vector<16xi32>,
        tpu.vector_store_idx %arg10[%shift_right_arithmetic3A_141, %and3A_144], %add3A_150 : memref<18x128xi32, #tpu.memory_space<vmem>>[vector<16xi32>, vector<16xi32>], vector<16xi32>,
        %add3A_154 = arith.constant 96 : i32
        %add3A_155 = arith.addi %scan3A_40, %add3A_154 : i32
        %add3A_156 = vector.broadcast %add3A_155 : i32 to vector<16xi32>
        %add3A_157 = arith.addi %add3A_156, %iota3A : vector<16xi32>
        %shift_right_arithmetic3A_158 = arith.constant 7 : i32
        %shift_right_arithmetic3A_159 = vector.broadcast %shift_right_arithmetic3A_158 : i32 to vector<16xi32>
        %shift_right_arithmetic3A_160 = arith.shrsi %add3A_157, %shift_right_arithmetic3A_159 : vector<16xi32>
        %and3A_161 = arith.constant 127 : i32
        %and3A_162 = vector.broadcast %and3A_161 : i32 to vector<16xi32>
        %and3A_163 = arith.andi %add3A_157, %and3A_162 : vector<16xi32>
        %and3A_164 = arith.constant 127 : i32
        %and3A_165 = vector.broadcast %and3A_164 : i32 to vector<16xi32>
        %and3A_166 = arith.andi %add3A_157, %and3A_165 : vector<16xi32>
        %add3A_167 = arith.constant 8448 : i32
        %add3A_168 = vector.broadcast %add3A_167 : i32 to vector<16xi32>
        %add3A_169 = arith.addi %add3A_168, %and3A_166 : vector<16xi32>
        %and3A_170 = arith.constant 127 : i32
        %and3A_171 = vector.broadcast %and3A_170 : i32 to vector<16xi32>
        %and3A_172 = arith.andi %add3A_157, %and3A_171 : vector<16xi32>
        tpu.vector_store_idx %arg9[%shift_right_arithmetic3A_160, %and3A_163], %and3A_172 : memref<18x128xi32, #tpu.memory_space<vmem>>[vector<16xi32>, vector<16xi32>], vector<16xi32>,
        tpu.vector_store_idx %arg10[%shift_right_arithmetic3A_160, %and3A_163], %add3A_169 : memref<18x128xi32, #tpu.memory_space<vmem>>[vector<16xi32>, vector<16xi32>], vector<16xi32>,
        %add3A_173 = arith.constant 112 : i32
        %add3A_174 = arith.addi %scan3A_40, %add3A_173 : i32
        %add3A_175 = vector.broadcast %add3A_174 : i32 to vector<16xi32>
        %add3A_176 = arith.addi %add3A_175, %iota3A : vector<16xi32>
        %shift_right_arithmetic3A_177 = arith.constant 7 : i32
        %shift_right_arithmetic3A_178 = vector.broadcast %shift_right_arithmetic3A_177 : i32 to vector<16xi32>
        %shift_right_arithmetic3A_179 = arith.shrsi %add3A_176, %shift_right_arithmetic3A_178 : vector<16xi32>
        %and3A_180 = arith.constant 127 : i32
        %and3A_181 = vector.broadcast %and3A_180 : i32 to vector<16xi32>
        %and3A_182 = arith.andi %add3A_176, %and3A_181 : vector<16xi32>
        %and3A_183 = arith.constant 127 : i32
        %and3A_184 = vector.broadcast %and3A_183 : i32 to vector<16xi32>
        %and3A_185 = arith.andi %add3A_176, %and3A_184 : vector<16xi32>
        %add3A_186 = arith.constant 8448 : i32
        %add3A_187 = vector.broadcast %add3A_186 : i32 to vector<16xi32>
        %add3A_188 = arith.addi %add3A_187, %and3A_185 : vector<16xi32>
        %and3A_189 = arith.constant 127 : i32
        %and3A_190 = vector.broadcast %and3A_189 : i32 to vector<16xi32>
        %and3A_191 = arith.andi %add3A_176, %and3A_190 : vector<16xi32>
        tpu.vector_store_idx %arg9[%shift_right_arithmetic3A_179, %and3A_182], %and3A_191 : memref<18x128xi32, #tpu.memory_space<vmem>>[vector<16xi32>, vector<16xi32>], vector<16xi32>,
        tpu.vector_store_idx %arg10[%shift_right_arithmetic3A_179, %and3A_182], %add3A_188 : memref<18x128xi32, #tpu.memory_space<vmem>>[vector<16xi32>, vector<16xi32>], vector<16xi32>,
        %add3A_192 = arith.constant 128 : i32
        %add3A_193 = arith.addi %scan3A_40, %add3A_192 : i32
        %add3A_194 = vector.broadcast %add3A_193 : i32 to vector<16xi32>
        %add3A_195 = arith.addi %add3A_194, %iota3A : vector<16xi32>
        %shift_right_arithmetic3A_196 = arith.constant 7 : i32
        %shift_right_arithmetic3A_197 = vector.broadcast %shift_right_arithmetic3A_196 : i32 to vector<16xi32>
        %shift_right_arithmetic3A_198 = arith.shrsi %add3A_195, %shift_right_arithmetic3A_197 : vector<16xi32>
        %and3A_199 = arith.constant 127 : i32
        %and3A_200 = vector.broadcast %and3A_199 : i32 to vector<16xi32>
        %and3A_201 = arith.andi %add3A_195, %and3A_200 : vector<16xi32>
        %and3A_202 = arith.constant 127 : i32
        %and3A_203 = vector.broadcast %and3A_202 : i32 to vector<16xi32>
        %and3A_204 = arith.andi %add3A_195, %and3A_203 : vector<16xi32>
        %add3A_205 = arith.constant 8448 : i32
        %add3A_206 = vector.broadcast %add3A_205 : i32 to vector<16xi32>
        %add3A_207 = arith.addi %add3A_206, %and3A_204 : vector<16xi32>
        %and3A_208 = arith.constant 127 : i32
        %and3A_209 = vector.broadcast %and3A_208 : i32 to vector<16xi32>
        %and3A_210 = arith.andi %add3A_195, %and3A_209 : vector<16xi32>
        tpu.vector_store_idx %arg9[%shift_right_arithmetic3A_198, %and3A_201], %and3A_210 : memref<18x128xi32, #tpu.memory_space<vmem>>[vector<16xi32>, vector<16xi32>], vector<16xi32>,
        tpu.vector_store_idx %arg10[%shift_right_arithmetic3A_198, %and3A_201], %add3A_207 : memref<18x128xi32, #tpu.memory_space<vmem>>[vector<16xi32>, vector<16xi32>], vector<16xi32>,
        %add3A_211 = arith.constant 144 : i32
        %add3A_212 = arith.addi %scan3A_40, %add3A_211 : i32
        %add3A_213 = vector.broadcast %add3A_212 : i32 to vector<16xi32>
        %add3A_214 = arith.addi %add3A_213, %iota3A : vector<16xi32>
        %shift_right_arithmetic3A_215 = arith.constant 7 : i32
        %shift_right_arithmetic3A_216 = vector.broadcast %shift_right_arithmetic3A_215 : i32 to vector<16xi32>
        %shift_right_arithmetic3A_217 = arith.shrsi %add3A_214, %shift_right_arithmetic3A_216 : vector<16xi32>
        %and3A_218 = arith.constant 127 : i32
        %and3A_219 = vector.broadcast %and3A_218 : i32 to vector<16xi32>
        %and3A_220 = arith.andi %add3A_214, %and3A_219 : vector<16xi32>
        %and3A_221 = arith.constant 127 : i32
        %and3A_222 = vector.broadcast %and3A_221 : i32 to vector<16xi32>
        %and3A_223 = arith.andi %add3A_214, %and3A_222 : vector<16xi32>
        %add3A_224 = arith.constant 8448 : i32
        %add3A_225 = vector.broadcast %add3A_224 : i32 to vector<16xi32>
        %add3A_226 = arith.addi %add3A_225, %and3A_223 : vector<16xi32>
        %and3A_227 = arith.constant 127 : i32
        %and3A_228 = vector.broadcast %and3A_227 : i32 to vector<16xi32>
        %and3A_229 = arith.andi %add3A_214, %and3A_228 : vector<16xi32>
        tpu.vector_store_idx %arg9[%shift_right_arithmetic3A_217, %and3A_220], %and3A_229 : memref<18x128xi32, #tpu.memory_space<vmem>>[vector<16xi32>, vector<16xi32>], vector<16xi32>,
        tpu.vector_store_idx %arg10[%shift_right_arithmetic3A_217, %and3A_220], %add3A_226 : memref<18x128xi32, #tpu.memory_space<vmem>>[vector<16xi32>, vector<16xi32>], vector<16xi32>,
        %add3A_230 = arith.constant 160 : i32
        %add3A_231 = arith.addi %scan3A_40, %add3A_230 : i32
        %add3A_232 = vector.broadcast %add3A_231 : i32 to vector<16xi32>
        %add3A_233 = arith.addi %add3A_232, %iota3A : vector<16xi32>
        %shift_right_arithmetic3A_234 = arith.constant 7 : i32
        %shift_right_arithmetic3A_235 = vector.broadcast %shift_right_arithmetic3A_234 : i32 to vector<16xi32>
        %shift_right_arithmetic3A_236 = arith.shrsi %add3A_233, %shift_right_arithmetic3A_235 : vector<16xi32>
        %and3A_237 = arith.constant 127 : i32
        %and3A_238 = vector.broadcast %and3A_237 : i32 to vector<16xi32>
        %and3A_239 = arith.andi %add3A_233, %and3A_238 : vector<16xi32>
        %and3A_240 = arith.constant 127 : i32
        %and3A_241 = vector.broadcast %and3A_240 : i32 to vector<16xi32>
        %and3A_242 = arith.andi %add3A_233, %and3A_241 : vector<16xi32>
        %add3A_243 = arith.constant 8448 : i32
        %add3A_244 = vector.broadcast %add3A_243 : i32 to vector<16xi32>
        %add3A_245 = arith.addi %add3A_244, %and3A_242 : vector<16xi32>
        %and3A_246 = arith.constant 127 : i32
        %and3A_247 = vector.broadcast %and3A_246 : i32 to vector<16xi32>
        %and3A_248 = arith.andi %add3A_233, %and3A_247 : vector<16xi32>
        tpu.vector_store_idx %arg9[%shift_right_arithmetic3A_236, %and3A_239], %and3A_248 : memref<18x128xi32, #tpu.memory_space<vmem>>[vector<16xi32>, vector<16xi32>], vector<16xi32>,
        tpu.vector_store_idx %arg10[%shift_right_arithmetic3A_236, %and3A_239], %add3A_245 : memref<18x128xi32, #tpu.memory_space<vmem>>[vector<16xi32>, vector<16xi32>], vector<16xi32>,
        %add3A_249 = arith.constant 176 : i32
        %add3A_250 = arith.addi %scan3A_40, %add3A_249 : i32
        %add3A_251 = vector.broadcast %add3A_250 : i32 to vector<16xi32>
        %add3A_252 = arith.addi %add3A_251, %iota3A : vector<16xi32>
        %shift_right_arithmetic3A_253 = arith.constant 7 : i32
        %shift_right_arithmetic3A_254 = vector.broadcast %shift_right_arithmetic3A_253 : i32 to vector<16xi32>
        %shift_right_arithmetic3A_255 = arith.shrsi %add3A_252, %shift_right_arithmetic3A_254 : vector<16xi32>
        %and3A_256 = arith.constant 127 : i32
        %and3A_257 = vector.broadcast %and3A_256 : i32 to vector<16xi32>
        %and3A_258 = arith.andi %add3A_252, %and3A_257 : vector<16xi32>
        %and3A_259 = arith.constant 127 : i32
        %and3A_260 = vector.broadcast %and3A_259 : i32 to vector<16xi32>
        %and3A_261 = arith.andi %add3A_252, %and3A_260 : vector<16xi32>
        %add3A_262 = arith.constant 8448 : i32
        %add3A_263 = vector.broadcast %add3A_262 : i32 to vector<16xi32>
        %add3A_264 = arith.addi %add3A_263, %and3A_261 : vector<16xi32>
        %and3A_265 = arith.constant 127 : i32
        %and3A_266 = vector.broadcast %and3A_265 : i32 to vector<16xi32>
        %and3A_267 = arith.andi %add3A_252, %and3A_266 : vector<16xi32>
        tpu.vector_store_idx %arg9[%shift_right_arithmetic3A_255, %and3A_258], %and3A_267 : memref<18x128xi32, #tpu.memory_space<vmem>>[vector<16xi32>, vector<16xi32>], vector<16xi32>,
        tpu.vector_store_idx %arg10[%shift_right_arithmetic3A_255, %and3A_258], %add3A_264 : memref<18x128xi32, #tpu.memory_space<vmem>>[vector<16xi32>, vector<16xi32>], vector<16xi32>,
        %add3A_268 = arith.constant 192 : i32
        %add3A_269 = arith.addi %scan3A_40, %add3A_268 : i32
        %add3A_270 = vector.broadcast %add3A_269 : i32 to vector<16xi32>
        %add3A_271 = arith.addi %add3A_270, %iota3A : vector<16xi32>
        %shift_right_arithmetic3A_272 = arith.constant 7 : i32
        %shift_right_arithmetic3A_273 = vector.broadcast %shift_right_arithmetic3A_272 : i32 to vector<16xi32>
        %shift_right_arithmetic3A_274 = arith.shrsi %add3A_271, %shift_right_arithmetic3A_273 : vector<16xi32>
        %and3A_275 = arith.constant 127 : i32
        %and3A_276 = vector.broadcast %and3A_275 : i32 to vector<16xi32>
        %and3A_277 = arith.andi %add3A_271, %and3A_276 : vector<16xi32>
        %and3A_278 = arith.constant 127 : i32
        %and3A_279 = vector.broadcast %and3A_278 : i32 to vector<16xi32>
        %and3A_280 = arith.andi %add3A_271, %and3A_279 : vector<16xi32>
        %add3A_281 = arith.constant 8448 : i32
        %add3A_282 = vector.broadcast %add3A_281 : i32 to vector<16xi32>
        %add3A_283 = arith.addi %add3A_282, %and3A_280 : vector<16xi32>
        %and3A_284 = arith.constant 127 : i32
        %and3A_285 = vector.broadcast %and3A_284 : i32 to vector<16xi32>
        %and3A_286 = arith.andi %add3A_271, %and3A_285 : vector<16xi32>
        tpu.vector_store_idx %arg9[%shift_right_arithmetic3A_274, %and3A_277], %and3A_286 : memref<18x128xi32, #tpu.memory_space<vmem>>[vector<16xi32>, vector<16xi32>], vector<16xi32>,
        tpu.vector_store_idx %arg10[%shift_right_arithmetic3A_274, %and3A_277], %add3A_283 : memref<18x128xi32, #tpu.memory_space<vmem>>[vector<16xi32>, vector<16xi32>], vector<16xi32>,
        %add3A_287 = arith.constant 208 : i32
        %add3A_288 = arith.addi %scan3A_40, %add3A_287 : i32
        %add3A_289 = vector.broadcast %add3A_288 : i32 to vector<16xi32>
        %add3A_290 = arith.addi %add3A_289, %iota3A : vector<16xi32>
        %shift_right_arithmetic3A_291 = arith.constant 7 : i32
        %shift_right_arithmetic3A_292 = vector.broadcast %shift_right_arithmetic3A_291 : i32 to vector<16xi32>
        %shift_right_arithmetic3A_293 = arith.shrsi %add3A_290, %shift_right_arithmetic3A_292 : vector<16xi32>
        %and3A_294 = arith.constant 127 : i32
        %and3A_295 = vector.broadcast %and3A_294 : i32 to vector<16xi32>
        %and3A_296 = arith.andi %add3A_290, %and3A_295 : vector<16xi32>
        %and3A_297 = arith.constant 127 : i32
        %and3A_298 = vector.broadcast %and3A_297 : i32 to vector<16xi32>
        %and3A_299 = arith.andi %add3A_290, %and3A_298 : vector<16xi32>
        %add3A_300 = arith.constant 8448 : i32
        %add3A_301 = vector.broadcast %add3A_300 : i32 to vector<16xi32>
        %add3A_302 = arith.addi %add3A_301, %and3A_299 : vector<16xi32>
        %and3A_303 = arith.constant 127 : i32
        %and3A_304 = vector.broadcast %and3A_303 : i32 to vector<16xi32>
        %and3A_305 = arith.andi %add3A_290, %and3A_304 : vector<16xi32>
        tpu.vector_store_idx %arg9[%shift_right_arithmetic3A_293, %and3A_296], %and3A_305 : memref<18x128xi32, #tpu.memory_space<vmem>>[vector<16xi32>, vector<16xi32>], vector<16xi32>,
        tpu.vector_store_idx %arg10[%shift_right_arithmetic3A_293, %and3A_296], %add3A_302 : memref<18x128xi32, #tpu.memory_space<vmem>>[vector<16xi32>, vector<16xi32>], vector<16xi32>,
        %add3A_306 = arith.constant 224 : i32
        %add3A_307 = arith.addi %scan3A_40, %add3A_306 : i32
        %add3A_308 = vector.broadcast %add3A_307 : i32 to vector<16xi32>
        %add3A_309 = arith.addi %add3A_308, %iota3A : vector<16xi32>
        %shift_right_arithmetic3A_310 = arith.constant 7 : i32
        %shift_right_arithmetic3A_311 = vector.broadcast %shift_right_arithmetic3A_310 : i32 to vector<16xi32>
        %shift_right_arithmetic3A_312 = arith.shrsi %add3A_309, %shift_right_arithmetic3A_311 : vector<16xi32>
        %and3A_313 = arith.constant 127 : i32
        %and3A_314 = vector.broadcast %and3A_313 : i32 to vector<16xi32>
        %and3A_315 = arith.andi %add3A_309, %and3A_314 : vector<16xi32>
        %and3A_316 = arith.constant 127 : i32
        %and3A_317 = vector.broadcast %and3A_316 : i32 to vector<16xi32>
        %and3A_318 = arith.andi %add3A_309, %and3A_317 : vector<16xi32>
        %add3A_319 = arith.constant 8448 : i32
        %add3A_320 = vector.broadcast %add3A_319 : i32 to vector<16xi32>
        %add3A_321 = arith.addi %add3A_320, %and3A_318 : vector<16xi32>
        %and3A_322 = arith.constant 127 : i32
        %and3A_323 = vector.broadcast %and3A_322 : i32 to vector<16xi32>
        %and3A_324 = arith.andi %add3A_309, %and3A_323 : vector<16xi32>
        tpu.vector_store_idx %arg9[%shift_right_arithmetic3A_312, %and3A_315], %and3A_324 : memref<18x128xi32, #tpu.memory_space<vmem>>[vector<16xi32>, vector<16xi32>], vector<16xi32>,
        tpu.vector_store_idx %arg10[%shift_right_arithmetic3A_312, %and3A_315], %add3A_321 : memref<18x128xi32, #tpu.memory_space<vmem>>[vector<16xi32>, vector<16xi32>], vector<16xi32>,
        %add3A_325 = arith.constant 240 : i32
        %add3A_326 = arith.addi %scan3A_40, %add3A_325 : i32
        %add3A_327 = vector.broadcast %add3A_326 : i32 to vector<16xi32>
        %add3A_328 = arith.addi %add3A_327, %iota3A : vector<16xi32>
        %shift_right_arithmetic3A_329 = arith.constant 7 : i32
        %shift_right_arithmetic3A_330 = vector.broadcast %shift_right_arithmetic3A_329 : i32 to vector<16xi32>
        %shift_right_arithmetic3A_331 = arith.shrsi %add3A_328, %shift_right_arithmetic3A_330 : vector<16xi32>
        %and3A_332 = arith.constant 127 : i32
        %and3A_333 = vector.broadcast %and3A_332 : i32 to vector<16xi32>
        %and3A_334 = arith.andi %add3A_328, %and3A_333 : vector<16xi32>
        %and3A_335 = arith.constant 127 : i32
        %and3A_336 = vector.broadcast %and3A_335 : i32 to vector<16xi32>
        %and3A_337 = arith.andi %add3A_328, %and3A_336 : vector<16xi32>
        %add3A_338 = arith.constant 8448 : i32
        %add3A_339 = vector.broadcast %add3A_338 : i32 to vector<16xi32>
        %add3A_340 = arith.addi %add3A_339, %and3A_337 : vector<16xi32>
        %and3A_341 = arith.constant 127 : i32
        %and3A_342 = vector.broadcast %and3A_341 : i32 to vector<16xi32>
        %and3A_343 = arith.andi %add3A_328, %and3A_342 : vector<16xi32>
        tpu.vector_store_idx %arg9[%shift_right_arithmetic3A_331, %and3A_334], %and3A_343 : memref<18x128xi32, #tpu.memory_space<vmem>>[vector<16xi32>, vector<16xi32>], vector<16xi32>,
        tpu.vector_store_idx %arg10[%shift_right_arithmetic3A_331, %and3A_334], %add3A_340 : memref<18x128xi32, #tpu.memory_space<vmem>>[vector<16xi32>, vector<16xi32>], vector<16xi32>,
        %add3A_344 = arith.constant 256 : i32
        %add3A_345 = arith.addi %scan3A_40, %add3A_344 : i32
        %sub3A_346 = arith.constant 1 : i32
        %sub3A_347 = arith.subi %add3A_345, %sub3A_346 : i32
        %jit3A = arith.constant 256 : i32
        %div3A = arith.divsi %sub3A_347, %jit3A : i32
        %sign3A = arith.constant 0 : i32
        %sign3A_348 = arith.cmpi sgt, %sub3A_347, %sign3A : i32
        %sign3A_349 = arith.extui %sign3A_348 : i1 to i32
        %sign3A_350 = arith.constant 0 : i32
        %sign3A_351 = arith.cmpi slt, %sub3A_347, %sign3A_350 : i32
        %sign3A_352 = arith.extui %sign3A_351 : i1 to i32
        %sign3A_353 = arith.subi %sign3A_349, %sign3A_352 : i32
        %sign3A_354 = arith.constant 0 : i32
        %sign3A_355 = arith.cmpi sgt, %jit3A, %sign3A_354 : i32
        %sign3A_356 = arith.extui %sign3A_355 : i1 to i32
        %sign3A_357 = arith.constant 0 : i32
        %sign3A_358 = arith.cmpi slt, %jit3A, %sign3A_357 : i32
        %sign3A_359 = arith.extui %sign3A_358 : i1 to i32
        %sign3A_360 = arith.subi %sign3A_356, %sign3A_359 : i32
        %ne3A = arith.cmpi ne, %sign3A_353, %sign3A_360 : i32
        %rem3A = arith.remsi %sub3A_347, %jit3A : i32
        %ne3A_361 = arith.constant 0 : i32
        %ne3A_362 = arith.cmpi ne, %rem3A, %ne3A_361 : i32
        %and3A_363 = arith.andi %ne3A, %ne3A_362 : i1
        %sub3A_364 = arith.constant 1 : i32
        %sub3A_365 = arith.subi %div3A, %sub3A_364 : i32
        %select_n3A = arith.select %and3A_363, %sub3A_365, %div3A : i32
        %mul3A_366 = arith.constant 2 : i32
        %mul3A_367 = arith.muli %select_n3A, %mul3A_366 : i32
        %shift_right_arithmetic3A_368 = arith.constant 1 : i32
        %shift_right_arithmetic3A_369 = arith.shrsi %mul3A_367, %shift_right_arithmetic3A_368 : i32
        %while3A = arith.constant 0 : i32
        %while3A_370 = arith.constant 0 : i32
        %while3A_371 = arith.subi %shift_right_arithmetic3A_369, %while3A_370 : i32
        %while3A_372 = arith.addi %while3A_370, %while3A_371 : i32
        %while3A_373 = arith.constant 1 : i32
        %while3A_374 = arith.divsi %while3A_371, %while3A_373 : i32
        %while3A_375 = arith.muli %while3A_374, %while3A_373 : i32
        %while3A_376 = arith.addi %while3A_370, %while3A_375 : i32
        %while3A_377 = arith.constant 1 : i32
        scf.for %while3A_379 = %while3A_370 to %while3A_376 step %while3A_377  : i32 {
          %mul3A_380 = arith.constant 2 : i32
          %mul3A_381 = arith.muli %mul3A_380, %while3A_379 : i32
          %dma_start3A = arith.constant 0 : i32
          %dma_start3A_382 = tpu.memref_slice %arg9[%mul3A_381, %dma_start3A] : memref<18x128xi32, #tpu.memory_space<vmem>> -> memref<1x128xi32, #tpu.memory_space<vmem>>
          %dma_start3A_383 = tpu.memref_squeeze %dma_start3A_382 : memref<1x128xi32, #tpu.memory_space<vmem>> -> memref<128xi32, #tpu.memory_space<vmem>>
          %dma_start3A_384 = arith.constant 0 : i32
          %dma_start3A_385 = arith.constant 0 : i32
          %dma_start3A_386 = tpu.memref_slice %arg2[%dma_start3A_384, %dma_start3A_385] : memref<50688x128xf32, #tpu.memory_space<hbm>> -> memref<50688x128xf32, #tpu.memory_space<hbm>>
          tpu.enqueue_indirect_dma source(%dma_start3A_386 : memref<50688x128xf32, #tpu.memory_space<hbm>>) target(%arg15 : memref<128x128xf32, #tpu.memory_space<vmem>>) offsets(%dma_start3A_383 : memref<128xi32, #tpu.memory_space<vmem>>) semaphore(%arg18 : memref<!tpu.dma_semaphore, #tpu.memory_space<semaphore_mem>>)
          %add3A_387 = arith.constant 1 : i32
          %add3A_388 = arith.addi %mul3A_381, %add3A_387 : i32
          %dma_start3A_389 = arith.constant 0 : i32
          %dma_start3A_390 = tpu.memref_slice %arg9[%add3A_388, %dma_start3A_389] : memref<18x128xi32, #tpu.memory_space<vmem>> -> memref<1x128xi32, #tpu.memory_space<vmem>>
          %dma_start3A_391 = tpu.memref_squeeze %dma_start3A_390 : memref<1x128xi32, #tpu.memory_space<vmem>> -> memref<128xi32, #tpu.memory_space<vmem>>
          %dma_start3A_392 = arith.constant 0 : i32
          %dma_start3A_393 = arith.constant 0 : i32
          %dma_start3A_394 = tpu.memref_slice %arg2[%dma_start3A_392, %dma_start3A_393] : memref<50688x128xf32, #tpu.memory_space<hbm>> -> memref<50688x128xf32, #tpu.memory_space<hbm>>
          tpu.enqueue_indirect_dma source(%dma_start3A_394 : memref<50688x128xf32, #tpu.memory_space<hbm>>) target(%arg16 : memref<128x128xf32, #tpu.memory_space<vmem>>) offsets(%dma_start3A_391 : memref<128xi32, #tpu.memory_space<vmem>>) semaphore(%arg19 : memref<!tpu.dma_semaphore, #tpu.memory_space<semaphore_mem>>)
          %dma_wait3A = arith.constant 0 : i32
          %dma_wait3A_395 = tpu.memref_slice %arg9[%mul3A_381, %dma_wait3A] : memref<18x128xi32, #tpu.memory_space<vmem>> -> memref<1x128xi32, #tpu.memory_space<vmem>>
          %dma_wait3A_396 = tpu.memref_squeeze %dma_wait3A_395 : memref<1x128xi32, #tpu.memory_space<vmem>> -> memref<128xi32, #tpu.memory_space<vmem>>
          %dma_wait3A_397 = arith.constant 0 : i32
          %dma_wait3A_398 = arith.constant 0 : i32
          %dma_wait3A_399 = tpu.memref_slice %arg2[%dma_wait3A_397, %dma_wait3A_398] : memref<50688x128xf32, #tpu.memory_space<hbm>> -> memref<50688x128xf32, #tpu.memory_space<hbm>>
          tpu.wait_indirect_dma semaphore(%arg18 : memref<!tpu.dma_semaphore, #tpu.memory_space<semaphore_mem>>) src(%dma_wait3A_399 : memref<50688x128xf32, #tpu.memory_space<hbm>>) dst(%arg15 : memref<128x128xf32, #tpu.memory_space<vmem>>)
          %dma_start3A_400 = arith.constant 0 : i32
          %dma_start3A_401 = tpu.memref_slice %arg10[%mul3A_381, %dma_start3A_400] : memref<18x128xi32, #tpu.memory_space<vmem>> -> memref<1x128xi32, #tpu.memory_space<vmem>>
          %dma_start3A_402 = tpu.memref_squeeze %dma_start3A_401 : memref<1x128xi32, #tpu.memory_space<vmem>> -> memref<128xi32, #tpu.memory_space<vmem>>
          %dma_start3A_403 = arith.constant 0 : i32
          %dma_start3A_404 = arith.constant 0 : i32
          %dma_start3A_405 = tpu.memref_slice %arg17[%dma_start3A_403, %dma_start3A_404] : memref<8576x128xf32, #tpu.memory_space<vmem_shared>> -> memref<8576x128xf32, #tpu.memory_space<vmem_shared>>
          tpu.enqueue_indirect_dma source(%arg15 : memref<128x128xf32, #tpu.memory_space<vmem>>) target(%dma_start3A_405 : memref<8576x128xf32, #tpu.memory_space<vmem_shared>>) offsets(%dma_start3A_402 : memref<128xi32, #tpu.memory_space<vmem>>) semaphore(%arg20 : memref<!tpu.dma_semaphore, #tpu.memory_space<semaphore_mem>>) {add = true}
          %dma_wait3A_406 = arith.constant 0 : i32
          %dma_wait3A_407 = tpu.memref_slice %arg9[%add3A_388, %dma_wait3A_406] : memref<18x128xi32, #tpu.memory_space<vmem>> -> memref<1x128xi32, #tpu.memory_space<vmem>>
          %dma_wait3A_408 = tpu.memref_squeeze %dma_wait3A_407 : memref<1x128xi32, #tpu.memory_space<vmem>> -> memref<128xi32, #tpu.memory_space<vmem>>
          %dma_wait3A_409 = arith.constant 0 : i32
          %dma_wait3A_410 = arith.constant 0 : i32
          %dma_wait3A_411 = tpu.memref_slice %arg2[%dma_wait3A_409, %dma_wait3A_410] : memref<50688x128xf32, #tpu.memory_space<hbm>> -> memref<50688x128xf32, #tpu.memory_space<hbm>>
          tpu.wait_indirect_dma semaphore(%arg19 : memref<!tpu.dma_semaphore, #tpu.memory_space<semaphore_mem>>) src(%dma_wait3A_411 : memref<50688x128xf32, #tpu.memory_space<hbm>>) dst(%arg16 : memref<128x128xf32, #tpu.memory_space<vmem>>)
          %add3A_412 = arith.constant 1 : i32
          %add3A_413 = arith.addi %mul3A_381, %add3A_412 : i32
          %dma_start3A_414 = arith.constant 0 : i32
          %dma_start3A_415 = tpu.memref_slice %arg10[%add3A_413, %dma_start3A_414] : memref<18x128xi32, #tpu.memory_space<vmem>> -> memref<1x128xi32, #tpu.memory_space<vmem>>
          %dma_start3A_416 = tpu.memref_squeeze %dma_start3A_415 : memref<1x128xi32, #tpu.memory_space<vmem>> -> memref<128xi32, #tpu.memory_space<vmem>>
          %dma_start3A_417 = arith.constant 0 : i32
          %dma_start3A_418 = arith.constant 0 : i32
          %dma_start3A_419 = tpu.memref_slice %arg17[%dma_start3A_417, %dma_start3A_418] : memref<8576x128xf32, #tpu.memory_space<vmem_shared>> -> memref<8576x128xf32, #tpu.memory_space<vmem_shared>>
          tpu.enqueue_indirect_dma source(%arg16 : memref<128x128xf32, #tpu.memory_space<vmem>>) target(%dma_start3A_419 : memref<8576x128xf32, #tpu.memory_space<vmem_shared>>) offsets(%dma_start3A_416 : memref<128xi32, #tpu.memory_space<vmem>>) semaphore(%arg21 : memref<!tpu.dma_semaphore, #tpu.memory_space<semaphore_mem>>) {add = true}
          %dma_wait3A_420 = arith.constant 0 : i32
          %dma_wait3A_421 = tpu.memref_slice %arg10[%mul3A_381, %dma_wait3A_420] : memref<18x128xi32, #tpu.memory_space<vmem>> -> memref<1x128xi32, #tpu.memory_space<vmem>>
          %dma_wait3A_422 = tpu.memref_squeeze %dma_wait3A_421 : memref<1x128xi32, #tpu.memory_space<vmem>> -> memref<128xi32, #tpu.memory_space<vmem>>
          %dma_wait3A_423 = arith.constant 0 : i32
          %dma_wait3A_424 = arith.constant 0 : i32
          %dma_wait3A_425 = tpu.memref_slice %arg17[%dma_wait3A_423, %dma_wait3A_424] : memref<8576x128xf32, #tpu.memory_space<vmem_shared>> -> memref<8576x128xf32, #tpu.memory_space<vmem_shared>>
          tpu.wait_indirect_dma semaphore(%arg20 : memref<!tpu.dma_semaphore, #tpu.memory_space<semaphore_mem>>) src(%arg15 : memref<128x128xf32, #tpu.memory_space<vmem>>) dst(%dma_wait3A_425 : memref<8576x128xf32, #tpu.memory_space<vmem_shared>>)
          %dma_wait3A_426 = arith.constant 0 : i32
          %dma_wait3A_427 = tpu.memref_slice %arg10[%add3A_413, %dma_wait3A_426] : memref<18x128xi32, #tpu.memory_space<vmem>> -> memref<1x128xi32, #tpu.memory_space<vmem>>
          %dma_wait3A_428 = tpu.memref_squeeze %dma_wait3A_427 : memref<1x128xi32, #tpu.memory_space<vmem>> -> memref<128xi32, #tpu.memory_space<vmem>>
          %dma_wait3A_429 = arith.constant 0 : i32
          %dma_wait3A_430 = arith.constant 0 : i32
          %dma_wait3A_431 = tpu.memref_slice %arg17[%dma_wait3A_429, %dma_wait3A_430] : memref<8576x128xf32, #tpu.memory_space<vmem_shared>> -> memref<8576x128xf32, #tpu.memory_space<vmem_shared>>
          tpu.wait_indirect_dma semaphore(%arg21 : memref<!tpu.dma_semaphore, #tpu.memory_space<semaphore_mem>>) src(%arg16 : memref<128x128xf32, #tpu.memory_space<vmem>>) dst(%dma_wait3A_431 : memref<8576x128xf32, #tpu.memory_space<vmem_shared>>)
        }
        %while3A_378 = arith.constant 1 : i32
        scf.for %while3A_379 = %while3A_376 to %while3A_372 step %while3A_378  : i32 {
          %mul3A_380 = arith.constant 2 : i32
          %mul3A_381 = arith.muli %mul3A_380, %while3A_379 : i32
          %dma_start3A = arith.constant 0 : i32
          %dma_start3A_382 = tpu.memref_slice %arg9[%mul3A_381, %dma_start3A] : memref<18x128xi32, #tpu.memory_space<vmem>> -> memref<1x128xi32, #tpu.memory_space<vmem>>
          %dma_start3A_383 = tpu.memref_squeeze %dma_start3A_382 : memref<1x128xi32, #tpu.memory_space<vmem>> -> memref<128xi32, #tpu.memory_space<vmem>>
          %dma_start3A_384 = arith.constant 0 : i32
          %dma_start3A_385 = arith.constant 0 : i32
          %dma_start3A_386 = tpu.memref_slice %arg2[%dma_start3A_384, %dma_start3A_385] : memref<50688x128xf32, #tpu.memory_space<hbm>> -> memref<50688x128xf32, #tpu.memory_space<hbm>>
          tpu.enqueue_indirect_dma source(%dma_start3A_386 : memref<50688x128xf32, #tpu.memory_space<hbm>>) target(%arg15 : memref<128x128xf32, #tpu.memory_space<vmem>>) offsets(%dma_start3A_383 : memref<128xi32, #tpu.memory_space<vmem>>) semaphore(%arg18 : memref<!tpu.dma_semaphore, #tpu.memory_space<semaphore_mem>>)
          %add3A_387 = arith.constant 1 : i32
          %add3A_388 = arith.addi %mul3A_381, %add3A_387 : i32
          %dma_start3A_389 = arith.constant 0 : i32
          %dma_start3A_390 = tpu.memref_slice %arg9[%add3A_388, %dma_start3A_389] : memref<18x128xi32, #tpu.memory_space<vmem>> -> memref<1x128xi32, #tpu.memory_space<vmem>>
          %dma_start3A_391 = tpu.memref_squeeze %dma_start3A_390 : memref<1x128xi32, #tpu.memory_space<vmem>> -> memref<128xi32, #tpu.memory_space<vmem>>
          %dma_start3A_392 = arith.constant 0 : i32
          %dma_start3A_393 = arith.constant 0 : i32
          %dma_start3A_394 = tpu.memref_slice %arg2[%dma_start3A_392, %dma_start3A_393] : memref<50688x128xf32, #tpu.memory_space<hbm>> -> memref<50688x128xf32, #tpu.memory_space<hbm>>
          tpu.enqueue_indirect_dma source(%dma_start3A_394 : memref<50688x128xf32, #tpu.memory_space<hbm>>) target(%arg16 : memref<128x128xf32, #tpu.memory_space<vmem>>) offsets(%dma_start3A_391 : memref<128xi32, #tpu.memory_space<vmem>>) semaphore(%arg19 : memref<!tpu.dma_semaphore, #tpu.memory_space<semaphore_mem>>)
          %dma_wait3A = arith.constant 0 : i32
          %dma_wait3A_395 = tpu.memref_slice %arg9[%mul3A_381, %dma_wait3A] : memref<18x128xi32, #tpu.memory_space<vmem>> -> memref<1x128xi32, #tpu.memory_space<vmem>>
          %dma_wait3A_396 = tpu.memref_squeeze %dma_wait3A_395 : memref<1x128xi32, #tpu.memory_space<vmem>> -> memref<128xi32, #tpu.memory_space<vmem>>
          %dma_wait3A_397 = arith.constant 0 : i32
          %dma_wait3A_398 = arith.constant 0 : i32
          %dma_wait3A_399 = tpu.memref_slice %arg2[%dma_wait3A_397, %dma_wait3A_398] : memref<50688x128xf32, #tpu.memory_space<hbm>> -> memref<50688x128xf32, #tpu.memory_space<hbm>>
          tpu.wait_indirect_dma semaphore(%arg18 : memref<!tpu.dma_semaphore, #tpu.memory_space<semaphore_mem>>) src(%dma_wait3A_399 : memref<50688x128xf32, #tpu.memory_space<hbm>>) dst(%arg15 : memref<128x128xf32, #tpu.memory_space<vmem>>)
          %dma_start3A_400 = arith.constant 0 : i32
          %dma_start3A_401 = tpu.memref_slice %arg10[%mul3A_381, %dma_start3A_400] : memref<18x128xi32, #tpu.memory_space<vmem>> -> memref<1x128xi32, #tpu.memory_space<vmem>>
          %dma_start3A_402 = tpu.memref_squeeze %dma_start3A_401 : memref<1x128xi32, #tpu.memory_space<vmem>> -> memref<128xi32, #tpu.memory_space<vmem>>
          %dma_start3A_403 = arith.constant 0 : i32
          %dma_start3A_404 = arith.constant 0 : i32
          %dma_start3A_405 = tpu.memref_slice %arg17[%dma_start3A_403, %dma_start3A_404] : memref<8576x128xf32, #tpu.memory_space<vmem_shared>> -> memref<8576x128xf32, #tpu.memory_space<vmem_shared>>
          tpu.enqueue_indirect_dma source(%arg15 : memref<128x128xf32, #tpu.memory_space<vmem>>) target(%dma_start3A_405 : memref<8576x128xf32, #tpu.memory_space<vmem_shared>>) offsets(%dma_start3A_402 : memref<128xi32, #tpu.memory_space<vmem>>) semaphore(%arg20 : memref<!tpu.dma_semaphore, #tpu.memory_space<semaphore_mem>>) {add = true}
          %dma_wait3A_406 = arith.constant 0 : i32
          %dma_wait3A_407 = tpu.memref_slice %arg9[%add3A_388, %dma_wait3A_406] : memref<18x128xi32, #tpu.memory_space<vmem>> -> memref<1x128xi32, #tpu.memory_space<vmem>>
          %dma_wait3A_408 = tpu.memref_squeeze %dma_wait3A_407 : memref<1x128xi32, #tpu.memory_space<vmem>> -> memref<128xi32, #tpu.memory_space<vmem>>
          %dma_wait3A_409 = arith.constant 0 : i32
          %dma_wait3A_410 = arith.constant 0 : i32
          %dma_wait3A_411 = tpu.memref_slice %arg2[%dma_wait3A_409, %dma_wait3A_410] : memref<50688x128xf32, #tpu.memory_space<hbm>> -> memref<50688x128xf32, #tpu.memory_space<hbm>>
          tpu.wait_indirect_dma semaphore(%arg19 : memref<!tpu.dma_semaphore, #tpu.memory_space<semaphore_mem>>) src(%dma_wait3A_411 : memref<50688x128xf32, #tpu.memory_space<hbm>>) dst(%arg16 : memref<128x128xf32, #tpu.memory_space<vmem>>)
          %add3A_412 = arith.constant 1 : i32
          %add3A_413 = arith.addi %mul3A_381, %add3A_412 : i32
          %dma_start3A_414 = arith.constant 0 : i32
          %dma_start3A_415 = tpu.memref_slice %arg10[%add3A_413, %dma_start3A_414] : memref<18x128xi32, #tpu.memory_space<vmem>> -> memref<1x128xi32, #tpu.memory_space<vmem>>
          %dma_start3A_416 = tpu.memref_squeeze %dma_start3A_415 : memref<1x128xi32, #tpu.memory_space<vmem>> -> memref<128xi32, #tpu.memory_space<vmem>>
          %dma_start3A_417 = arith.constant 0 : i32
          %dma_start3A_418 = arith.constant 0 : i32
          %dma_start3A_419 = tpu.memref_slice %arg17[%dma_start3A_417, %dma_start3A_418] : memref<8576x128xf32, #tpu.memory_space<vmem_shared>> -> memref<8576x128xf32, #tpu.memory_space<vmem_shared>>
          tpu.enqueue_indirect_dma source(%arg16 : memref<128x128xf32, #tpu.memory_space<vmem>>) target(%dma_start3A_419 : memref<8576x128xf32, #tpu.memory_space<vmem_shared>>) offsets(%dma_start3A_416 : memref<128xi32, #tpu.memory_space<vmem>>) semaphore(%arg21 : memref<!tpu.dma_semaphore, #tpu.memory_space<semaphore_mem>>) {add = true}
          %dma_wait3A_420 = arith.constant 0 : i32
          %dma_wait3A_421 = tpu.memref_slice %arg10[%mul3A_381, %dma_wait3A_420] : memref<18x128xi32, #tpu.memory_space<vmem>> -> memref<1x128xi32, #tpu.memory_space<vmem>>
          %dma_wait3A_422 = tpu.memref_squeeze %dma_wait3A_421 : memref<1x128xi32, #tpu.memory_space<vmem>> -> memref<128xi32, #tpu.memory_space<vmem>>
          %dma_wait3A_423 = arith.constant 0 : i32
          %dma_wait3A_424 = arith.constant 0 : i32
          %dma_wait3A_425 = tpu.memref_slice %arg17[%dma_wait3A_423, %dma_wait3A_424] : memref<8576x128xf32, #tpu.memory_space<vmem_shared>> -> memref<8576x128xf32, #tpu.memory_space<vmem_shared>>
          tpu.wait_indirect_dma semaphore(%arg20 : memref<!tpu.dma_semaphore, #tpu.memory_space<semaphore_mem>>) src(%arg15 : memref<128x128xf32, #tpu.memory_space<vmem>>) dst(%dma_wait3A_425 : memref<8576x128xf32, #tpu.memory_space<vmem_shared>>)
          %dma_wait3A_426 = arith.constant 0 : i32
          %dma_wait3A_427 = tpu.memref_slice %arg10[%add3A_413, %dma_wait3A_426] : memref<18x128xi32, #tpu.memory_space<vmem>> -> memref<1x128xi32, #tpu.memory_space<vmem>>
          %dma_wait3A_428 = tpu.memref_squeeze %dma_wait3A_427 : memref<1x128xi32, #tpu.memory_space<vmem>> -> memref<128xi32, #tpu.memory_space<vmem>>
          %dma_wait3A_429 = arith.constant 0 : i32
          %dma_wait3A_430 = arith.constant 0 : i32
          %dma_wait3A_431 = tpu.memref_slice %arg17[%dma_wait3A_429, %dma_wait3A_430] : memref<8576x128xf32, #tpu.memory_space<vmem_shared>> -> memref<8576x128xf32, #tpu.memory_space<vmem_shared>>
          tpu.wait_indirect_dma semaphore(%arg21 : memref<!tpu.dma_semaphore, #tpu.memory_space<semaphore_mem>>) src(%arg16 : memref<128x128xf32, #tpu.memory_space<vmem>>) dst(%dma_wait3A_431 : memref<8576x128xf32, #tpu.memory_space<vmem_shared>>)
        }
      }
      %scan3A_24 = arith.constant 25 : i32
      %barrier3A_25 = arith.constant 0 : index
      tpu.barrier barrier_id(%barrier3A_25)
      %mul3A_26 = arith.constant 1 : i32
      %mul3A_27 = arith.muli %mul3A_2, %mul3A_26 : i32
      %add3A_28 = arith.addi %mul3A_16, %mul3A_2 : i32
      %mul3A_29 = arith.constant 1 : i32
      %mul3A_30 = arith.muli %add3A_28, %mul3A_29 : i32
      "tpu.region"() ({
        %run_scoped3A = tpu.sem_alloc : memref<!tpu.dma_semaphore, #tpu.memory_space<semaphore_mem>>
        %dma_start3A = arith.constant 0 : i32
        %dma_start3A_31 = tpu.memref_slice %arg6[%mul3A_30, %dma_start3A] : memref<50688x128xf32, #tpu.memory_space<hbm>> -> memref<528x128xf32, #tpu.memory_space<hbm>>
        %dma_start3A_32 = arith.constant 0 : i32
        %dma_start3A_33 = tpu.memref_slice %arg17[%mul3A_27, %dma_start3A_32] : memref<8576x128xf32, #tpu.memory_space<vmem_shared>> -> memref<528x128xf32, #tpu.memory_space<vmem_shared>>
        tpu.enqueue_dma source(%dma_start3A_33 : memref<528x128xf32, #tpu.memory_space<vmem_shared>>) target(%dma_start3A_31 : memref<528x128xf32, #tpu.memory_space<hbm>>) target_semaphore(%run_scoped3A : memref<!tpu.dma_semaphore, #tpu.memory_space<semaphore_mem>>)
        %dma_wait3A = arith.constant 0 : i32
        %dma_wait3A_34 = tpu.memref_slice %arg6[%mul3A_30, %dma_wait3A] : memref<50688x128xf32, #tpu.memory_space<hbm>> -> memref<528x128xf32, #tpu.memory_space<hbm>>
        %dma_wait3A_35 = arith.constant 0 : i32
        %dma_wait3A_36 = tpu.memref_slice %arg17[%mul3A_27, %dma_wait3A_35] : memref<8576x128xf32, #tpu.memory_space<vmem_shared>> -> memref<528x128xf32, #tpu.memory_space<vmem_shared>>
        tpu.wait_dma2 semaphore(%run_scoped3A : memref<!tpu.dma_semaphore, #tpu.memory_space<semaphore_mem>>) src(%dma_wait3A_36 : memref<528x128xf32, #tpu.memory_space<vmem_shared>>) dst(%dma_wait3A_34 : memref<528x128xf32, #tpu.memory_space<hbm>>)
        tpu.yield
      }) : () -> ()
    }
    %scan3A_11 = arith.constant 3 : i32
    return
  }
}

#map = affine_map<(d0, d1) -> (0, 0)>
#map1 = affine_map<(d0, d1) -> (0)>
module attributes {stable_mosaic.version = 14 : i64} {
  func.func @body(%arg0: i32, %arg1: i32, %arg2: memref<200704x128xf32, #tpu.memory_space<hbm>>, %arg3: memref<819200xi32, #tpu.memory_space<hbm>>, %arg4: memref<819200xi32, #tpu.memory_space<hbm>>, %arg5: memref<576x128xf32, #tpu.memory_space<hbm>>, %arg6: memref<202752x128xf32, #tpu.memory_space<hbm>>, %arg7: memref<2048xi32, #tpu.memory_space<vmem>>, %arg8: memref<2048xi32, #tpu.memory_space<vmem>>, %arg9: memref<66x32xi32, #tpu.memory_space<vmem>>, %arg10: memref<66x32xi32, #tpu.memory_space<vmem>>, %arg11: memref<1x128xi32, #tpu.memory_space<vmem>>, %arg12: memref<1x128xi32, #tpu.memory_space<vmem>>, %arg13: memref<1x128xi32, #tpu.memory_space<vmem>>, %arg14: memref<1x128xi32, #tpu.memory_space<vmem>>, %arg15: memref<128x128xf32, #tpu.memory_space<vmem>>, %arg16: memref<128x128xf32, #tpu.memory_space<vmem>>, %arg17: memref<9344x128xf32, #tpu.memory_space<vmem_shared>>, %arg18: memref<!tpu.dma_semaphore, #tpu.memory_space<semaphore_mem>>, %arg19: memref<!tpu.dma_semaphore, #tpu.memory_space<semaphore_mem>>, %arg20: memref<!tpu.dma_semaphore, #tpu.memory_space<semaphore_mem>>, %arg21: memref<!tpu.dma_semaphore, #tpu.memory_space<semaphore_mem>>) attributes {dimension_semantics = [#tpu.dimension_semantics<core_parallel>, #tpu.dimension_semantics<subcore_parallel>], iteration_bounds = array<i64: 2, 16>, scalar_prefetch = 0 : i64, scratch_operands = 15 : i64, tpu.core_type = #tpu.core_type<sc_vector_subcore>, window_params = [{transform_indices = #map}, {transform_indices = #map1}, {transform_indices = #map1}, {transform_indices = #map}, {transform_indices = #map}]} {
    %mul3A = arith.constant 51200 : i32
    %mul3A_0 = arith.muli %arg1, %mul3A : i32
    %mul3A_1 = arith.constant 144 : i32
    %mul3A_2 = arith.muli %arg1, %mul3A_1 : i32
    %iota3A = tpu.iota {dimensions = array<i32: 0>} : vector<16xi32>
    %broadcast_in_dim3A = arith.constant 0 : i32
    %broadcast_in_dim3A_3 = vector.broadcast %broadcast_in_dim3A : i32 to vector<16xi32>
    %jit3A = arith.constant 4 : i32
    %div3A = vector.broadcast %jit3A : i32 to vector<16xi32>
    %div3A_4 = arith.divsi %iota3A, %div3A : vector<16xi32>
    %sign3A = arith.constant 0 : i32
    %sign3A_5 = vector.broadcast %sign3A : i32 to vector<16xi32>
    %sign3A_6 = arith.cmpi sgt, %iota3A, %sign3A_5 : vector<16xi32>
    %sign3A_7 = arith.extui %sign3A_6 : vector<16xi1> to vector<16xi32>
    %sign3A_8 = arith.constant 0 : i32
    %sign3A_9 = vector.broadcast %sign3A_8 : i32 to vector<16xi32>
    %sign3A_10 = arith.cmpi slt, %iota3A, %sign3A_9 : vector<16xi32>
    %sign3A_11 = arith.extui %sign3A_10 : vector<16xi1> to vector<16xi32>
    %sign3A_12 = arith.subi %sign3A_7, %sign3A_11 : vector<16xi32>
    %sign3A_13 = arith.constant 0 : i32
    %sign3A_14 = arith.cmpi sgt, %jit3A, %sign3A_13 : i32
    %sign3A_15 = arith.extui %sign3A_14 : i1 to i32
    %sign3A_16 = arith.constant 0 : i32
    %sign3A_17 = arith.cmpi slt, %jit3A, %sign3A_16 : i32
    %sign3A_18 = arith.extui %sign3A_17 : i1 to i32
    %sign3A_19 = arith.subi %sign3A_15, %sign3A_18 : i32
    %ne3A = vector.broadcast %sign3A_19 : i32 to vector<16xi32>
    %ne3A_20 = arith.cmpi ne, %sign3A_12, %ne3A : vector<16xi32>
    %rem3A = vector.broadcast %jit3A : i32 to vector<16xi32>
    %rem3A_21 = arith.remsi %iota3A, %rem3A : vector<16xi32>
    %ne3A_22 = arith.constant 0 : i32
    %ne3A_23 = vector.broadcast %ne3A_22 : i32 to vector<16xi32>
    %ne3A_24 = arith.cmpi ne, %rem3A_21, %ne3A_23 : vector<16xi32>
    %and3A = arith.andi %ne3A_20, %ne3A_24 : vector<16xi1>
    %sub3A = arith.constant 1 : i32
    %sub3A_25 = vector.broadcast %sub3A : i32 to vector<16xi32>
    %sub3A_26 = arith.subi %div3A_4, %sub3A_25 : vector<16xi32>
    %select_n3A = arith.select %and3A, %sub3A_26, %div3A_4 : vector<16xi1>, vector<16xi32>
    %mul3A_27 = arith.constant 4 : i32
    %mul3A_28 = vector.broadcast %mul3A_27 : i32 to vector<16xi32>
    %mul3A_29 = arith.muli %select_n3A, %mul3A_28 : vector<16xi32>
    %sub3A_30 = arith.subi %iota3A, %mul3A_29 : vector<16xi32>
    %scan3A = arith.constant 0 : i32
    %scan3A_31 = arith.constant 0 : i32
    %scan3A_32 = arith.constant 11 : i32
    %scan3A_33 = arith.addi %scan3A_31, %scan3A_32 : i32
    %scan3A_34 = arith.constant 1 : i32
    scf.for %scan3A_36 = %scan3A_31 to %scan3A_33 step %scan3A_34  : i32 {
      %mul3A_37 = arith.constant 2 : i32
      %mul3A_38 = arith.muli %scan3A_36, %mul3A_37 : i32
      %add3A = arith.addi %mul3A_38, %arg0 : i32
      %mul3A_39 = arith.constant 2304 : i32
      %mul3A_40 = arith.muli %add3A, %mul3A_39 : i32
      %mul3A_41 = arith.constant 4 : i32
      %mul3A_42 = arith.muli %mul3A_2, %mul3A_41 : i32
      "tpu.region"() ({
        %run_scoped3A = tpu.sem_alloc : memref<!tpu.dma_semaphore, #tpu.memory_space<semaphore_mem>>
        %dma_start3A = arith.constant 0 : i32
        %dma_start3A_55 = tpu.memref_slice %arg17[%mul3A_42, %dma_start3A] : memref<9344x128xf32, #tpu.memory_space<vmem_shared>> -> memref<576x128xf32, #tpu.memory_space<vmem_shared>>
        tpu.enqueue_dma source(%arg5 : memref<576x128xf32, #tpu.memory_space<hbm>>) target(%dma_start3A_55 : memref<576x128xf32, #tpu.memory_space<vmem_shared>>) target_semaphore(%run_scoped3A : memref<!tpu.dma_semaphore, #tpu.memory_space<semaphore_mem>>)
        %dma_wait3A = arith.constant 0 : i32
        %dma_wait3A_56 = tpu.memref_slice %arg17[%mul3A_42, %dma_wait3A] : memref<9344x128xf32, #tpu.memory_space<vmem_shared>> -> memref<576x128xf32, #tpu.memory_space<vmem_shared>>
        tpu.wait_dma2 semaphore(%run_scoped3A : memref<!tpu.dma_semaphore, #tpu.memory_space<semaphore_mem>>) src(%arg5 : memref<576x128xf32, #tpu.memory_space<hbm>>) dst(%dma_wait3A_56 : memref<576x128xf32, #tpu.memory_space<vmem_shared>>)
        tpu.yield
      }) : () -> ()
      %barrier3A = arith.constant 0 : index
      tpu.barrier barrier_id(%barrier3A)
      %scan3A_43 = arith.constant 0 : i32
      %scan3A_44 = arith.constant 0 : i32
      %scan3A_45 = arith.constant 25 : i32
      %scan3A_46 = arith.addi %scan3A_44, %scan3A_45 : i32
      %scan3A_47 = arith.constant 1 : i32
      scf.for %scan3A_55 = %scan3A_44 to %scan3A_46 step %scan3A_47  : i32 {
        %mul3A_56 = arith.constant 2048 : i32
        %mul3A_57 = arith.muli %scan3A_55, %mul3A_56 : i32
        %add3A_58 = arith.addi %mul3A_0, %mul3A_57 : i32
        "tpu.region"() ({
          %run_scoped3A = tpu.sem_alloc : memref<!tpu.dma_semaphore, #tpu.memory_space<semaphore_mem>>
          %dma_start3A = tpu.memref_slice %arg3[%add3A_58] : memref<819200xi32, #tpu.memory_space<hbm>> -> memref<2048xi32, #tpu.memory_space<hbm>>
          %dma_start3A_182 = tpu.memref_slice %arg3[%add3A_58] : memref<819200xi32, #tpu.memory_space<hbm>> -> memref<2048xi32, #tpu.memory_space<hbm>>
          tpu.enqueue_dma source(%dma_start3A_182 : memref<2048xi32, #tpu.memory_space<hbm>>) target(%arg7 : memref<2048xi32, #tpu.memory_space<vmem>>) target_semaphore(%run_scoped3A : memref<!tpu.dma_semaphore, #tpu.memory_space<semaphore_mem>>)
          %dma_wait3A = tpu.memref_slice %arg3[%add3A_58] : memref<819200xi32, #tpu.memory_space<hbm>> -> memref<2048xi32, #tpu.memory_space<hbm>>
          %dma_wait3A_183 = tpu.memref_slice %arg3[%add3A_58] : memref<819200xi32, #tpu.memory_space<hbm>> -> memref<2048xi32, #tpu.memory_space<hbm>>
          tpu.wait_dma2 semaphore(%run_scoped3A : memref<!tpu.dma_semaphore, #tpu.memory_space<semaphore_mem>>) src(%dma_wait3A_183 : memref<2048xi32, #tpu.memory_space<hbm>>) dst(%arg7 : memref<2048xi32, #tpu.memory_space<vmem>>)
          tpu.yield
        }) : () -> ()
        "tpu.region"() ({
          %run_scoped3A = tpu.sem_alloc : memref<!tpu.dma_semaphore, #tpu.memory_space<semaphore_mem>>
          %dma_start3A = tpu.memref_slice %arg4[%add3A_58] : memref<819200xi32, #tpu.memory_space<hbm>> -> memref<2048xi32, #tpu.memory_space<hbm>>
          %dma_start3A_182 = tpu.memref_slice %arg4[%add3A_58] : memref<819200xi32, #tpu.memory_space<hbm>> -> memref<2048xi32, #tpu.memory_space<hbm>>
          tpu.enqueue_dma source(%dma_start3A_182 : memref<2048xi32, #tpu.memory_space<hbm>>) target(%arg8 : memref<2048xi32, #tpu.memory_space<vmem>>) target_semaphore(%run_scoped3A : memref<!tpu.dma_semaphore, #tpu.memory_space<semaphore_mem>>)
          %dma_wait3A = tpu.memref_slice %arg4[%add3A_58] : memref<819200xi32, #tpu.memory_space<hbm>> -> memref<2048xi32, #tpu.memory_space<hbm>>
          %dma_wait3A_183 = tpu.memref_slice %arg4[%add3A_58] : memref<819200xi32, #tpu.memory_space<hbm>> -> memref<2048xi32, #tpu.memory_space<hbm>>
          tpu.wait_dma2 semaphore(%run_scoped3A : memref<!tpu.dma_semaphore, #tpu.memory_space<semaphore_mem>>) src(%dma_wait3A_183 : memref<2048xi32, #tpu.memory_space<hbm>>) dst(%arg8 : memref<2048xi32, #tpu.memory_space<vmem>>)
          tpu.yield
        }) : () -> ()
        %scan3A_59 = arith.constant 0 : i32
        %scan3A_60 = arith.constant 0 : i32
        %scan3A_61 = arith.constant 128 : i32
        %scan3A_62 = arith.addi %scan3A_60, %scan3A_61 : i32
        %scan3A_63 = arith.constant 1 : i32
        %scan3A_64 = scf.for %scan3A_182 = %scan3A_60 to %scan3A_62 step %scan3A_63 iter_args(%scan3A_183 = %scan3A_59) -> (i32)  : i32 {
          %mul3A_184 = arith.constant 16 : i32
          %mul3A_185 = arith.muli %scan3A_182, %mul3A_184 : i32
          %get3A = arith.index_cast %mul3A_185 : i32 to index
          %get3A_186 = tpu.vector_load %arg8[%get3A] {strides = array<i32>} : memref<2048xi32, #tpu.memory_space<vmem>>, vector<16xi32>,
          %mul3A_187 = arith.constant 16 : i32
          %mul3A_188 = arith.muli %scan3A_182, %mul3A_187 : i32
          %get3A_189 = arith.index_cast %mul3A_188 : i32 to index
          %get3A_190 = tpu.vector_load %arg7[%get3A_189] {strides = array<i32>} : memref<2048xi32, #tpu.memory_space<vmem>>, vector<16xi32>,
          %sub3A_191 = vector.broadcast %mul3A_40 : i32 to vector<16xi32>
          %sub3A_192 = arith.subi %get3A_186, %sub3A_191 : vector<16xi32>
          %ge3A = arith.constant 0 : i32
          %ge3A_193 = vector.broadcast %ge3A : i32 to vector<16xi32>
          %ge3A_194 = arith.cmpi sge, %sub3A_192, %ge3A_193 : vector<16xi32>
          %lt3A = arith.constant 2304 : i32
          %lt3A_195 = vector.broadcast %lt3A : i32 to vector<16xi32>
          %lt3A_196 = arith.cmpi slt, %sub3A_192, %lt3A_195 : vector<16xi32>
          %and3A_197 = arith.andi %ge3A_194, %lt3A_196 : vector<16xi1>
          %convert_element_type3A = arith.extui %and3A_197 : vector<16xi1> to vector<16xi32>
          %broadcast_in_dim3A_198 = arith.constant true
          %broadcast_in_dim3A_199 = vector.broadcast %broadcast_in_dim3A_198 : i1 to vector<16xi1>
          %masked_cumsum3A = tpu.scan <sum>, %convert_element_type3A masked %broadcast_in_dim3A_199 : vector<16xi32>, vector<16xi1> -> vector<16xi32>
          %add3A_200 = vector.broadcast %scan3A_183 : i32 to vector<16xi32>
          %add3A_201 = arith.addi %add3A_200, %masked_cumsum3A : vector<16xi32>
          %sub3A_202 = arith.constant 1 : i32
          %sub3A_203 = vector.broadcast %sub3A_202 : i32 to vector<16xi32>
          %sub3A_204 = arith.subi %add3A_201, %sub3A_203 : vector<16xi32>
          %shift_right_arithmetic3A_205 = arith.constant 5 : i32
          %shift_right_arithmetic3A_206 = vector.broadcast %shift_right_arithmetic3A_205 : i32 to vector<16xi32>
          %shift_right_arithmetic3A_207 = arith.shrsi %sub3A_204, %shift_right_arithmetic3A_206 : vector<16xi32>
          %and3A_208 = arith.constant 31 : i32
          %and3A_209 = vector.broadcast %and3A_208 : i32 to vector<16xi32>
          %and3A_210 = arith.andi %sub3A_204, %and3A_209 : vector<16xi32>
          tpu.vector_store_idx %arg9[%shift_right_arithmetic3A_207, %and3A_210], %get3A_190 masked %and3A_197 : memref<66x32xi32, #tpu.memory_space<vmem>>[vector<16xi32>, vector<16xi32>], vector<16xi32>, vector<16xi1>
          tpu.vector_store_idx %arg10[%shift_right_arithmetic3A_207, %and3A_210], %sub3A_192 masked %and3A_197 : memref<66x32xi32, #tpu.memory_space<vmem>>[vector<16xi32>, vector<16xi32>], vector<16xi32>, vector<16xi1>
          %slice3A = vector.extract_strided_slice %sub3A_204 {offsets = [15], sizes = [1], strides = [1]} : vector<16xi32> to vector<1xi32>
          %squeeze3A = vector.extract %slice3A[0] : i32 from vector<1xi32>
          %add3A_211 = arith.constant 1 : i32
          %add3A_212 = arith.addi %squeeze3A, %add3A_211 : i32
          scf.yield %add3A_212 : i32
        }
        %scan3A_65 = arith.constant 128 : i32
        %add3A_66 = arith.constant 0 : i32
        %add3A_67 = arith.addi %scan3A_64, %add3A_66 : i32
        %add3A_68 = vector.broadcast %add3A_67 : i32 to vector<16xi32>
        %add3A_69 = arith.addi %add3A_68, %iota3A : vector<16xi32>
        %shift_right_arithmetic3A = arith.constant 5 : i32
        %shift_right_arithmetic3A_70 = vector.broadcast %shift_right_arithmetic3A : i32 to vector<16xi32>
        %shift_right_arithmetic3A_71 = arith.shrsi %add3A_69, %shift_right_arithmetic3A_70 : vector<16xi32>
        %and3A_72 = arith.constant 31 : i32
        %and3A_73 = vector.broadcast %and3A_72 : i32 to vector<16xi32>
        %and3A_74 = arith.andi %add3A_69, %and3A_73 : vector<16xi32>
        %and3A_75 = arith.constant 31 : i32
        %and3A_76 = vector.broadcast %and3A_75 : i32 to vector<16xi32>
        %and3A_77 = arith.andi %add3A_69, %and3A_76 : vector<16xi32>
        %add3A_78 = arith.constant 2304 : i32
        %add3A_79 = vector.broadcast %add3A_78 : i32 to vector<16xi32>
        %add3A_80 = arith.addi %add3A_79, %and3A_77 : vector<16xi32>
        %and3A_81 = arith.constant 31 : i32
        %and3A_82 = vector.broadcast %and3A_81 : i32 to vector<16xi32>
        %and3A_83 = arith.andi %add3A_69, %and3A_82 : vector<16xi32>
        tpu.vector_store_idx %arg9[%shift_right_arithmetic3A_71, %and3A_74], %and3A_83 : memref<66x32xi32, #tpu.memory_space<vmem>>[vector<16xi32>, vector<16xi32>], vector<16xi32>,
        tpu.vector_store_idx %arg10[%shift_right_arithmetic3A_71, %and3A_74], %add3A_80 : memref<66x32xi32, #tpu.memory_space<vmem>>[vector<16xi32>, vector<16xi32>], vector<16xi32>,
        %add3A_84 = arith.constant 16 : i32
        %add3A_85 = arith.addi %scan3A_64, %add3A_84 : i32
        %add3A_86 = vector.broadcast %add3A_85 : i32 to vector<16xi32>
        %add3A_87 = arith.addi %add3A_86, %iota3A : vector<16xi32>
        %shift_right_arithmetic3A_88 = arith.constant 5 : i32
        %shift_right_arithmetic3A_89 = vector.broadcast %shift_right_arithmetic3A_88 : i32 to vector<16xi32>
        %shift_right_arithmetic3A_90 = arith.shrsi %add3A_87, %shift_right_arithmetic3A_89 : vector<16xi32>
        %and3A_91 = arith.constant 31 : i32
        %and3A_92 = vector.broadcast %and3A_91 : i32 to vector<16xi32>
        %and3A_93 = arith.andi %add3A_87, %and3A_92 : vector<16xi32>
        %and3A_94 = arith.constant 31 : i32
        %and3A_95 = vector.broadcast %and3A_94 : i32 to vector<16xi32>
        %and3A_96 = arith.andi %add3A_87, %and3A_95 : vector<16xi32>
        %add3A_97 = arith.constant 2304 : i32
        %add3A_98 = vector.broadcast %add3A_97 : i32 to vector<16xi32>
        %add3A_99 = arith.addi %add3A_98, %and3A_96 : vector<16xi32>
        %and3A_100 = arith.constant 31 : i32
        %and3A_101 = vector.broadcast %and3A_100 : i32 to vector<16xi32>
        %and3A_102 = arith.andi %add3A_87, %and3A_101 : vector<16xi32>
        tpu.vector_store_idx %arg9[%shift_right_arithmetic3A_90, %and3A_93], %and3A_102 : memref<66x32xi32, #tpu.memory_space<vmem>>[vector<16xi32>, vector<16xi32>], vector<16xi32>,
        tpu.vector_store_idx %arg10[%shift_right_arithmetic3A_90, %and3A_93], %add3A_99 : memref<66x32xi32, #tpu.memory_space<vmem>>[vector<16xi32>, vector<16xi32>], vector<16xi32>,
        %add3A_103 = arith.constant 32 : i32
        %add3A_104 = arith.addi %scan3A_64, %add3A_103 : i32
        %add3A_105 = vector.broadcast %add3A_104 : i32 to vector<16xi32>
        %add3A_106 = arith.addi %add3A_105, %iota3A : vector<16xi32>
        %shift_right_arithmetic3A_107 = arith.constant 5 : i32
        %shift_right_arithmetic3A_108 = vector.broadcast %shift_right_arithmetic3A_107 : i32 to vector<16xi32>
        %shift_right_arithmetic3A_109 = arith.shrsi %add3A_106, %shift_right_arithmetic3A_108 : vector<16xi32>
        %and3A_110 = arith.constant 31 : i32
        %and3A_111 = vector.broadcast %and3A_110 : i32 to vector<16xi32>
        %and3A_112 = arith.andi %add3A_106, %and3A_111 : vector<16xi32>
        %and3A_113 = arith.constant 31 : i32
        %and3A_114 = vector.broadcast %and3A_113 : i32 to vector<16xi32>
        %and3A_115 = arith.andi %add3A_106, %and3A_114 : vector<16xi32>
        %add3A_116 = arith.constant 2304 : i32
        %add3A_117 = vector.broadcast %add3A_116 : i32 to vector<16xi32>
        %add3A_118 = arith.addi %add3A_117, %and3A_115 : vector<16xi32>
        %and3A_119 = arith.constant 31 : i32
        %and3A_120 = vector.broadcast %and3A_119 : i32 to vector<16xi32>
        %and3A_121 = arith.andi %add3A_106, %and3A_120 : vector<16xi32>
        tpu.vector_store_idx %arg9[%shift_right_arithmetic3A_109, %and3A_112], %and3A_121 : memref<66x32xi32, #tpu.memory_space<vmem>>[vector<16xi32>, vector<16xi32>], vector<16xi32>,
        tpu.vector_store_idx %arg10[%shift_right_arithmetic3A_109, %and3A_112], %add3A_118 : memref<66x32xi32, #tpu.memory_space<vmem>>[vector<16xi32>, vector<16xi32>], vector<16xi32>,
        %add3A_122 = arith.constant 48 : i32
        %add3A_123 = arith.addi %scan3A_64, %add3A_122 : i32
        %add3A_124 = vector.broadcast %add3A_123 : i32 to vector<16xi32>
        %add3A_125 = arith.addi %add3A_124, %iota3A : vector<16xi32>
        %shift_right_arithmetic3A_126 = arith.constant 5 : i32
        %shift_right_arithmetic3A_127 = vector.broadcast %shift_right_arithmetic3A_126 : i32 to vector<16xi32>
        %shift_right_arithmetic3A_128 = arith.shrsi %add3A_125, %shift_right_arithmetic3A_127 : vector<16xi32>
        %and3A_129 = arith.constant 31 : i32
        %and3A_130 = vector.broadcast %and3A_129 : i32 to vector<16xi32>
        %and3A_131 = arith.andi %add3A_125, %and3A_130 : vector<16xi32>
        %and3A_132 = arith.constant 31 : i32
        %and3A_133 = vector.broadcast %and3A_132 : i32 to vector<16xi32>
        %and3A_134 = arith.andi %add3A_125, %and3A_133 : vector<16xi32>
        %add3A_135 = arith.constant 2304 : i32
        %add3A_136 = vector.broadcast %add3A_135 : i32 to vector<16xi32>
        %add3A_137 = arith.addi %add3A_136, %and3A_134 : vector<16xi32>
        %and3A_138 = arith.constant 31 : i32
        %and3A_139 = vector.broadcast %and3A_138 : i32 to vector<16xi32>
        %and3A_140 = arith.andi %add3A_125, %and3A_139 : vector<16xi32>
        tpu.vector_store_idx %arg9[%shift_right_arithmetic3A_128, %and3A_131], %and3A_140 : memref<66x32xi32, #tpu.memory_space<vmem>>[vector<16xi32>, vector<16xi32>], vector<16xi32>,
        tpu.vector_store_idx %arg10[%shift_right_arithmetic3A_128, %and3A_131], %add3A_137 : memref<66x32xi32, #tpu.memory_space<vmem>>[vector<16xi32>, vector<16xi32>], vector<16xi32>,
        %add3A_141 = arith.constant 64 : i32
        %add3A_142 = arith.addi %scan3A_64, %add3A_141 : i32
        %sub3A_143 = arith.constant 1 : i32
        %sub3A_144 = arith.subi %add3A_142, %sub3A_143 : i32
        %jit3A_145 = arith.constant 64 : i32
        %div3A_146 = arith.divsi %sub3A_144, %jit3A_145 : i32
        %sign3A_147 = arith.constant 0 : i32
        %sign3A_148 = arith.cmpi sgt, %sub3A_144, %sign3A_147 : i32
        %sign3A_149 = arith.extui %sign3A_148 : i1 to i32
        %sign3A_150 = arith.constant 0 : i32
        %sign3A_151 = arith.cmpi slt, %sub3A_144, %sign3A_150 : i32
        %sign3A_152 = arith.extui %sign3A_151 : i1 to i32
        %sign3A_153 = arith.subi %sign3A_149, %sign3A_152 : i32
        %sign3A_154 = arith.constant 0 : i32
        %sign3A_155 = arith.cmpi sgt, %jit3A_145, %sign3A_154 : i32
        %sign3A_156 = arith.extui %sign3A_155 : i1 to i32
        %sign3A_157 = arith.constant 0 : i32
        %sign3A_158 = arith.cmpi slt, %jit3A_145, %sign3A_157 : i32
        %sign3A_159 = arith.extui %sign3A_158 : i1 to i32
        %sign3A_160 = arith.subi %sign3A_156, %sign3A_159 : i32
        %ne3A_161 = arith.cmpi ne, %sign3A_153, %sign3A_160 : i32
        %rem3A_162 = arith.remsi %sub3A_144, %jit3A_145 : i32
        %ne3A_163 = arith.constant 0 : i32
        %ne3A_164 = arith.cmpi ne, %rem3A_162, %ne3A_163 : i32
        %and3A_165 = arith.andi %ne3A_161, %ne3A_164 : i1
        %sub3A_166 = arith.constant 1 : i32
        %sub3A_167 = arith.subi %div3A_146, %sub3A_166 : i32
        %select_n3A_168 = arith.select %and3A_165, %sub3A_167, %div3A_146 : i32
        %mul3A_169 = arith.constant 2 : i32
        %mul3A_170 = arith.muli %select_n3A_168, %mul3A_169 : i32
        %shift_right_arithmetic3A_171 = arith.constant 1 : i32
        %shift_right_arithmetic3A_172 = arith.shrsi %mul3A_170, %shift_right_arithmetic3A_171 : i32
        %while3A = arith.constant 0 : i32
        %while3A_173 = arith.constant 0 : i32
        %while3A_174 = arith.subi %shift_right_arithmetic3A_172, %while3A_173 : i32
        %while3A_175 = arith.addi %while3A_173, %while3A_174 : i32
        %while3A_176 = arith.constant 1 : i32
        %while3A_177 = arith.divsi %while3A_174, %while3A_176 : i32
        %while3A_178 = arith.muli %while3A_177, %while3A_176 : i32
        %while3A_179 = arith.addi %while3A_173, %while3A_178 : i32
        %while3A_180 = arith.constant 1 : i32
        scf.for %while3A_182 = %while3A_173 to %while3A_179 step %while3A_180  : i32 {
          %mul3A_183 = arith.constant 2 : i32
          %mul3A_184 = arith.muli %mul3A_183, %while3A_182 : i32
          %broadcast_in_dim3A_185 = arith.constant 0 : i32
          %broadcast_in_dim3A_186 = vector.broadcast %broadcast_in_dim3A_185 : i32 to vector<16xi32>
          %add3A_187 = vector.broadcast %mul3A_184 : i32 to vector<16xi32>
          %add3A_188 = arith.addi %broadcast_in_dim3A_186, %add3A_187 : vector<16xi32>
          %add3A_189 = arith.constant 0 : i32
          %add3A_190 = vector.broadcast %add3A_189 : i32 to vector<16xi32>
          %add3A_191 = arith.addi %add3A_190, %select_n3A : vector<16xi32>
          %gather3A = tpu.vector_load_idx %arg9[%add3A_188, %add3A_191] : memref<66x32xi32, #tpu.memory_space<vmem>>[vector<16xi32>, vector<16xi32>], vector<16xi32>,
          %gather3A_192 = tpu.vector_load_idx %arg10[%add3A_188, %add3A_191] : memref<66x32xi32, #tpu.memory_space<vmem>>[vector<16xi32>, vector<16xi32>], vector<16xi32>,
          %mul3A_193 = arith.constant 4 : i32
          %mul3A_194 = vector.broadcast %mul3A_193 : i32 to vector<16xi32>
          %mul3A_195 = arith.muli %gather3A, %mul3A_194 : vector<16xi32>
          %add3A_196 = arith.addi %mul3A_195, %sub3A_30 : vector<16xi32>
          %swap3A = arith.constant 0 : i32
          %swap3A_197 = arith.index_cast %swap3A : i32 to index
          %swap3A_198 = arith.constant 0 : index
          %swap3A_199 = tpu.vector_load %arg11[%swap3A_197, %swap3A_198] {strides = array<i32>} : memref<1x128xi32, #tpu.memory_space<vmem>>, vector<16xi32>,
          tpu.vector_store %arg11[%swap3A_197, %swap3A_198], %add3A_196 {strides = array<i32>} : memref<1x128xi32, #tpu.memory_space<vmem>>, vector<16xi32>,
          %mul3A_200 = arith.constant 4 : i32
          %mul3A_201 = vector.broadcast %mul3A_200 : i32 to vector<16xi32>
          %mul3A_202 = arith.muli %gather3A_192, %mul3A_201 : vector<16xi32>
          %add3A_203 = arith.addi %mul3A_202, %sub3A_30 : vector<16xi32>
          %swap3A_204 = arith.constant 0 : i32
          %swap3A_205 = arith.index_cast %swap3A_204 : i32 to index
          %swap3A_206 = arith.constant 0 : index
          %swap3A_207 = tpu.vector_load %arg13[%swap3A_205, %swap3A_206] {strides = array<i32>} : memref<1x128xi32, #tpu.memory_space<vmem>>, vector<16xi32>,
          tpu.vector_store %arg13[%swap3A_205, %swap3A_206], %add3A_203 {strides = array<i32>} : memref<1x128xi32, #tpu.memory_space<vmem>>, vector<16xi32>,
          %add3A_208 = arith.constant 4 : i32
          %add3A_209 = vector.broadcast %add3A_208 : i32 to vector<16xi32>
          %add3A_210 = arith.addi %add3A_209, %select_n3A : vector<16xi32>
          %gather3A_211 = tpu.vector_load_idx %arg9[%add3A_188, %add3A_210] : memref<66x32xi32, #tpu.memory_space<vmem>>[vector<16xi32>, vector<16xi32>], vector<16xi32>,
          %gather3A_212 = tpu.vector_load_idx %arg10[%add3A_188, %add3A_210] : memref<66x32xi32, #tpu.memory_space<vmem>>[vector<16xi32>, vector<16xi32>], vector<16xi32>,
          %mul3A_213 = arith.constant 4 : i32
          %mul3A_214 = vector.broadcast %mul3A_213 : i32 to vector<16xi32>
          %mul3A_215 = arith.muli %gather3A_211, %mul3A_214 : vector<16xi32>
          %add3A_216 = arith.addi %mul3A_215, %sub3A_30 : vector<16xi32>
          %swap3A_217 = arith.constant 0 : i32
          %swap3A_218 = arith.index_cast %swap3A_217 : i32 to index
          %swap3A_219 = arith.constant 16 : index
          %swap3A_220 = tpu.vector_load %arg11[%swap3A_218, %swap3A_219] {strides = array<i32>} : memref<1x128xi32, #tpu.memory_space<vmem>>, vector<16xi32>,
          tpu.vector_store %arg11[%swap3A_218, %swap3A_219], %add3A_216 {strides = array<i32>} : memref<1x128xi32, #tpu.memory_space<vmem>>, vector<16xi32>,
          %mul3A_221 = arith.constant 4 : i32
          %mul3A_222 = vector.broadcast %mul3A_221 : i32 to vector<16xi32>
          %mul3A_223 = arith.muli %gather3A_212, %mul3A_222 : vector<16xi32>
          %add3A_224 = arith.addi %mul3A_223, %sub3A_30 : vector<16xi32>
          %swap3A_225 = arith.constant 0 : i32
          %swap3A_226 = arith.index_cast %swap3A_225 : i32 to index
          %swap3A_227 = arith.constant 16 : index
          %swap3A_228 = tpu.vector_load %arg13[%swap3A_226, %swap3A_227] {strides = array<i32>} : memref<1x128xi32, #tpu.memory_space<vmem>>, vector<16xi32>,
          tpu.vector_store %arg13[%swap3A_226, %swap3A_227], %add3A_224 {strides = array<i32>} : memref<1x128xi32, #tpu.memory_space<vmem>>, vector<16xi32>,
          %add3A_229 = arith.constant 8 : i32
          %add3A_230 = vector.broadcast %add3A_229 : i32 to vector<16xi32>
          %add3A_231 = arith.addi %add3A_230, %select_n3A : vector<16xi32>
          %gather3A_232 = tpu.vector_load_idx %arg9[%add3A_188, %add3A_231] : memref<66x32xi32, #tpu.memory_space<vmem>>[vector<16xi32>, vector<16xi32>], vector<16xi32>,
          %gather3A_233 = tpu.vector_load_idx %arg10[%add3A_188, %add3A_231] : memref<66x32xi32, #tpu.memory_space<vmem>>[vector<16xi32>, vector<16xi32>], vector<16xi32>,
          %mul3A_234 = arith.constant 4 : i32
          %mul3A_235 = vector.broadcast %mul3A_234 : i32 to vector<16xi32>
          %mul3A_236 = arith.muli %gather3A_232, %mul3A_235 : vector<16xi32>
          %add3A_237 = arith.addi %mul3A_236, %sub3A_30 : vector<16xi32>
          %swap3A_238 = arith.constant 0 : i32
          %swap3A_239 = arith.index_cast %swap3A_238 : i32 to index
          %swap3A_240 = arith.constant 32 : index
          %swap3A_241 = tpu.vector_load %arg11[%swap3A_239, %swap3A_240] {strides = array<i32>} : memref<1x128xi32, #tpu.memory_space<vmem>>, vector<16xi32>,
          tpu.vector_store %arg11[%swap3A_239, %swap3A_240], %add3A_237 {strides = array<i32>} : memref<1x128xi32, #tpu.memory_space<vmem>>, vector<16xi32>,
          %mul3A_242 = arith.constant 4 : i32
          %mul3A_243 = vector.broadcast %mul3A_242 : i32 to vector<16xi32>
          %mul3A_244 = arith.muli %gather3A_233, %mul3A_243 : vector<16xi32>
          %add3A_245 = arith.addi %mul3A_244, %sub3A_30 : vector<16xi32>
          %swap3A_246 = arith.constant 0 : i32
          %swap3A_247 = arith.index_cast %swap3A_246 : i32 to index
          %swap3A_248 = arith.constant 32 : index
          %swap3A_249 = tpu.vector_load %arg13[%swap3A_247, %swap3A_248] {strides = array<i32>} : memref<1x128xi32, #tpu.memory_space<vmem>>, vector<16xi32>,
          tpu.vector_store %arg13[%swap3A_247, %swap3A_248], %add3A_245 {strides = array<i32>} : memref<1x128xi32, #tpu.memory_space<vmem>>, vector<16xi32>,
          %add3A_250 = arith.constant 12 : i32
          %add3A_251 = vector.broadcast %add3A_250 : i32 to vector<16xi32>
          %add3A_252 = arith.addi %add3A_251, %select_n3A : vector<16xi32>
          %gather3A_253 = tpu.vector_load_idx %arg9[%add3A_188, %add3A_252] : memref<66x32xi32, #tpu.memory_space<vmem>>[vector<16xi32>, vector<16xi32>], vector<16xi32>,
          %gather3A_254 = tpu.vector_load_idx %arg10[%add3A_188, %add3A_252] : memref<66x32xi32, #tpu.memory_space<vmem>>[vector<16xi32>, vector<16xi32>], vector<16xi32>,
          %mul3A_255 = arith.constant 4 : i32
          %mul3A_256 = vector.broadcast %mul3A_255 : i32 to vector<16xi32>
          %mul3A_257 = arith.muli %gather3A_253, %mul3A_256 : vector<16xi32>
          %add3A_258 = arith.addi %mul3A_257, %sub3A_30 : vector<16xi32>
          %swap3A_259 = arith.constant 0 : i32
          %swap3A_260 = arith.index_cast %swap3A_259 : i32 to index
          %swap3A_261 = arith.constant 48 : index
          %swap3A_262 = tpu.vector_load %arg11[%swap3A_260, %swap3A_261] {strides = array<i32>} : memref<1x128xi32, #tpu.memory_space<vmem>>, vector<16xi32>,
          tpu.vector_store %arg11[%swap3A_260, %swap3A_261], %add3A_258 {strides = array<i32>} : memref<1x128xi32, #tpu.memory_space<vmem>>, vector<16xi32>,
          %mul3A_263 = arith.constant 4 : i32
          %mul3A_264 = vector.broadcast %mul3A_263 : i32 to vector<16xi32>
          %mul3A_265 = arith.muli %gather3A_254, %mul3A_264 : vector<16xi32>
          %add3A_266 = arith.addi %mul3A_265, %sub3A_30 : vector<16xi32>
          %swap3A_267 = arith.constant 0 : i32
          %swap3A_268 = arith.index_cast %swap3A_267 : i32 to index
          %swap3A_269 = arith.constant 48 : index
          %swap3A_270 = tpu.vector_load %arg13[%swap3A_268, %swap3A_269] {strides = array<i32>} : memref<1x128xi32, #tpu.memory_space<vmem>>, vector<16xi32>,
          tpu.vector_store %arg13[%swap3A_268, %swap3A_269], %add3A_266 {strides = array<i32>} : memref<1x128xi32, #tpu.memory_space<vmem>>, vector<16xi32>,
          %add3A_271 = arith.constant 16 : i32
          %add3A_272 = vector.broadcast %add3A_271 : i32 to vector<16xi32>
          %add3A_273 = arith.addi %add3A_272, %select_n3A : vector<16xi32>
          %gather3A_274 = tpu.vector_load_idx %arg9[%add3A_188, %add3A_273] : memref<66x32xi32, #tpu.memory_space<vmem>>[vector<16xi32>, vector<16xi32>], vector<16xi32>,
          %gather3A_275 = tpu.vector_load_idx %arg10[%add3A_188, %add3A_273] : memref<66x32xi32, #tpu.memory_space<vmem>>[vector<16xi32>, vector<16xi32>], vector<16xi32>,
          %mul3A_276 = arith.constant 4 : i32
          %mul3A_277 = vector.broadcast %mul3A_276 : i32 to vector<16xi32>
          %mul3A_278 = arith.muli %gather3A_274, %mul3A_277 : vector<16xi32>
          %add3A_279 = arith.addi %mul3A_278, %sub3A_30 : vector<16xi32>
          %swap3A_280 = arith.constant 0 : i32
          %swap3A_281 = arith.index_cast %swap3A_280 : i32 to index
          %swap3A_282 = arith.constant 64 : index
          %swap3A_283 = tpu.vector_load %arg11[%swap3A_281, %swap3A_282] {strides = array<i32>} : memref<1x128xi32, #tpu.memory_space<vmem>>, vector<16xi32>,
          tpu.vector_store %arg11[%swap3A_281, %swap3A_282], %add3A_279 {strides = array<i32>} : memref<1x128xi32, #tpu.memory_space<vmem>>, vector<16xi32>,
          %mul3A_284 = arith.constant 4 : i32
          %mul3A_285 = vector.broadcast %mul3A_284 : i32 to vector<16xi32>
          %mul3A_286 = arith.muli %gather3A_275, %mul3A_285 : vector<16xi32>
          %add3A_287 = arith.addi %mul3A_286, %sub3A_30 : vector<16xi32>
          %swap3A_288 = arith.constant 0 : i32
          %swap3A_289 = arith.index_cast %swap3A_288 : i32 to index
          %swap3A_290 = arith.constant 64 : index
          %swap3A_291 = tpu.vector_load %arg13[%swap3A_289, %swap3A_290] {strides = array<i32>} : memref<1x128xi32, #tpu.memory_space<vmem>>, vector<16xi32>,
          tpu.vector_store %arg13[%swap3A_289, %swap3A_290], %add3A_287 {strides = array<i32>} : memref<1x128xi32, #tpu.memory_space<vmem>>, vector<16xi32>,
          %add3A_292 = arith.constant 20 : i32
          %add3A_293 = vector.broadcast %add3A_292 : i32 to vector<16xi32>
          %add3A_294 = arith.addi %add3A_293, %select_n3A : vector<16xi32>
          %gather3A_295 = tpu.vector_load_idx %arg9[%add3A_188, %add3A_294] : memref<66x32xi32, #tpu.memory_space<vmem>>[vector<16xi32>, vector<16xi32>], vector<16xi32>,
          %gather3A_296 = tpu.vector_load_idx %arg10[%add3A_188, %add3A_294] : memref<66x32xi32, #tpu.memory_space<vmem>>[vector<16xi32>, vector<16xi32>], vector<16xi32>,
          %mul3A_297 = arith.constant 4 : i32
          %mul3A_298 = vector.broadcast %mul3A_297 : i32 to vector<16xi32>
          %mul3A_299 = arith.muli %gather3A_295, %mul3A_298 : vector<16xi32>
          %add3A_300 = arith.addi %mul3A_299, %sub3A_30 : vector<16xi32>
          %swap3A_301 = arith.constant 0 : i32
          %swap3A_302 = arith.index_cast %swap3A_301 : i32 to index
          %swap3A_303 = arith.constant 80 : index
          %swap3A_304 = tpu.vector_load %arg11[%swap3A_302, %swap3A_303] {strides = array<i32>} : memref<1x128xi32, #tpu.memory_space<vmem>>, vector<16xi32>,
          tpu.vector_store %arg11[%swap3A_302, %swap3A_303], %add3A_300 {strides = array<i32>} : memref<1x128xi32, #tpu.memory_space<vmem>>, vector<16xi32>,
          %mul3A_305 = arith.constant 4 : i32
          %mul3A_306 = vector.broadcast %mul3A_305 : i32 to vector<16xi32>
          %mul3A_307 = arith.muli %gather3A_296, %mul3A_306 : vector<16xi32>
          %add3A_308 = arith.addi %mul3A_307, %sub3A_30 : vector<16xi32>
          %swap3A_309 = arith.constant 0 : i32
          %swap3A_310 = arith.index_cast %swap3A_309 : i32 to index
          %swap3A_311 = arith.constant 80 : index
          %swap3A_312 = tpu.vector_load %arg13[%swap3A_310, %swap3A_311] {strides = array<i32>} : memref<1x128xi32, #tpu.memory_space<vmem>>, vector<16xi32>,
          tpu.vector_store %arg13[%swap3A_310, %swap3A_311], %add3A_308 {strides = array<i32>} : memref<1x128xi32, #tpu.memory_space<vmem>>, vector<16xi32>,
          %add3A_313 = arith.constant 24 : i32
          %add3A_314 = vector.broadcast %add3A_313 : i32 to vector<16xi32>
          %add3A_315 = arith.addi %add3A_314, %select_n3A : vector<16xi32>
          %gather3A_316 = tpu.vector_load_idx %arg9[%add3A_188, %add3A_315] : memref<66x32xi32, #tpu.memory_space<vmem>>[vector<16xi32>, vector<16xi32>], vector<16xi32>,
          %gather3A_317 = tpu.vector_load_idx %arg10[%add3A_188, %add3A_315] : memref<66x32xi32, #tpu.memory_space<vmem>>[vector<16xi32>, vector<16xi32>], vector<16xi32>,
          %mul3A_318 = arith.constant 4 : i32
          %mul3A_319 = vector.broadcast %mul3A_318 : i32 to vector<16xi32>
          %mul3A_320 = arith.muli %gather3A_316, %mul3A_319 : vector<16xi32>
          %add3A_321 = arith.addi %mul3A_320, %sub3A_30 : vector<16xi32>
          %swap3A_322 = arith.constant 0 : i32
          %swap3A_323 = arith.index_cast %swap3A_322 : i32 to index
          %swap3A_324 = arith.constant 96 : index
          %swap3A_325 = tpu.vector_load %arg11[%swap3A_323, %swap3A_324] {strides = array<i32>} : memref<1x128xi32, #tpu.memory_space<vmem>>, vector<16xi32>,
          tpu.vector_store %arg11[%swap3A_323, %swap3A_324], %add3A_321 {strides = array<i32>} : memref<1x128xi32, #tpu.memory_space<vmem>>, vector<16xi32>,
          %mul3A_326 = arith.constant 4 : i32
          %mul3A_327 = vector.broadcast %mul3A_326 : i32 to vector<16xi32>
          %mul3A_328 = arith.muli %gather3A_317, %mul3A_327 : vector<16xi32>
          %add3A_329 = arith.addi %mul3A_328, %sub3A_30 : vector<16xi32>
          %swap3A_330 = arith.constant 0 : i32
          %swap3A_331 = arith.index_cast %swap3A_330 : i32 to index
          %swap3A_332 = arith.constant 96 : index
          %swap3A_333 = tpu.vector_load %arg13[%swap3A_331, %swap3A_332] {strides = array<i32>} : memref<1x128xi32, #tpu.memory_space<vmem>>, vector<16xi32>,
          tpu.vector_store %arg13[%swap3A_331, %swap3A_332], %add3A_329 {strides = array<i32>} : memref<1x128xi32, #tpu.memory_space<vmem>>, vector<16xi32>,
          %add3A_334 = arith.constant 28 : i32
          %add3A_335 = vector.broadcast %add3A_334 : i32 to vector<16xi32>
          %add3A_336 = arith.addi %add3A_335, %select_n3A : vector<16xi32>
          %gather3A_337 = tpu.vector_load_idx %arg9[%add3A_188, %add3A_336] : memref<66x32xi32, #tpu.memory_space<vmem>>[vector<16xi32>, vector<16xi32>], vector<16xi32>,
          %gather3A_338 = tpu.vector_load_idx %arg10[%add3A_188, %add3A_336] : memref<66x32xi32, #tpu.memory_space<vmem>>[vector<16xi32>, vector<16xi32>], vector<16xi32>,
          %mul3A_339 = arith.constant 4 : i32
          %mul3A_340 = vector.broadcast %mul3A_339 : i32 to vector<16xi32>
          %mul3A_341 = arith.muli %gather3A_337, %mul3A_340 : vector<16xi32>
          %add3A_342 = arith.addi %mul3A_341, %sub3A_30 : vector<16xi32>
          %swap3A_343 = arith.constant 0 : i32
          %swap3A_344 = arith.index_cast %swap3A_343 : i32 to index
          %swap3A_345 = arith.constant 112 : index
          %swap3A_346 = tpu.vector_load %arg11[%swap3A_344, %swap3A_345] {strides = array<i32>} : memref<1x128xi32, #tpu.memory_space<vmem>>, vector<16xi32>,
          tpu.vector_store %arg11[%swap3A_344, %swap3A_345], %add3A_342 {strides = array<i32>} : memref<1x128xi32, #tpu.memory_space<vmem>>, vector<16xi32>,
          %mul3A_347 = arith.constant 4 : i32
          %mul3A_348 = vector.broadcast %mul3A_347 : i32 to vector<16xi32>
          %mul3A_349 = arith.muli %gather3A_338, %mul3A_348 : vector<16xi32>
          %add3A_350 = arith.addi %mul3A_349, %sub3A_30 : vector<16xi32>
          %swap3A_351 = arith.constant 0 : i32
          %swap3A_352 = arith.index_cast %swap3A_351 : i32 to index
          %swap3A_353 = arith.constant 112 : index
          %swap3A_354 = tpu.vector_load %arg13[%swap3A_352, %swap3A_353] {strides = array<i32>} : memref<1x128xi32, #tpu.memory_space<vmem>>, vector<16xi32>,
          tpu.vector_store %arg13[%swap3A_352, %swap3A_353], %add3A_350 {strides = array<i32>} : memref<1x128xi32, #tpu.memory_space<vmem>>, vector<16xi32>,
          %dma_start3A = arith.constant 0 : i32
          %dma_start3A_355 = arith.constant 0 : i32
          %dma_start3A_356 = tpu.memref_slice %arg11[%dma_start3A, %dma_start3A_355] : memref<1x128xi32, #tpu.memory_space<vmem>> -> memref<1x128xi32, #tpu.memory_space<vmem>>
          %dma_start3A_357 = tpu.memref_squeeze %dma_start3A_356 : memref<1x128xi32, #tpu.memory_space<vmem>> -> memref<128xi32, #tpu.memory_space<vmem>>
          %dma_start3A_358 = arith.constant 0 : i32
          %dma_start3A_359 = arith.constant 0 : i32
          %dma_start3A_360 = tpu.memref_slice %arg2[%dma_start3A_358, %dma_start3A_359] : memref<200704x128xf32, #tpu.memory_space<hbm>> -> memref<200704x128xf32, #tpu.memory_space<hbm>>
          tpu.enqueue_indirect_dma source(%dma_start3A_360 : memref<200704x128xf32, #tpu.memory_space<hbm>>) target(%arg15 : memref<128x128xf32, #tpu.memory_space<vmem>>) offsets(%dma_start3A_357 : memref<128xi32, #tpu.memory_space<vmem>>) semaphore(%arg18 : memref<!tpu.dma_semaphore, #tpu.memory_space<semaphore_mem>>)
          %add3A_361 = arith.constant 1 : i32
          %add3A_362 = arith.addi %mul3A_184, %add3A_361 : i32
          %broadcast_in_dim3A_363 = arith.constant 0 : i32
          %broadcast_in_dim3A_364 = vector.broadcast %broadcast_in_dim3A_363 : i32 to vector<16xi32>
          %add3A_365 = vector.broadcast %add3A_362 : i32 to vector<16xi32>
          %add3A_366 = arith.addi %broadcast_in_dim3A_364, %add3A_365 : vector<16xi32>
          %add3A_367 = arith.constant 0 : i32
          %add3A_368 = vector.broadcast %add3A_367 : i32 to vector<16xi32>
          %add3A_369 = arith.addi %add3A_368, %select_n3A : vector<16xi32>
          %gather3A_370 = tpu.vector_load_idx %arg9[%add3A_366, %add3A_369] : memref<66x32xi32, #tpu.memory_space<vmem>>[vector<16xi32>, vector<16xi32>], vector<16xi32>,
          %gather3A_371 = tpu.vector_load_idx %arg10[%add3A_366, %add3A_369] : memref<66x32xi32, #tpu.memory_space<vmem>>[vector<16xi32>, vector<16xi32>], vector<16xi32>,
          %mul3A_372 = arith.constant 4 : i32
          %mul3A_373 = vector.broadcast %mul3A_372 : i32 to vector<16xi32>
          %mul3A_374 = arith.muli %gather3A_370, %mul3A_373 : vector<16xi32>
          %add3A_375 = arith.addi %mul3A_374, %sub3A_30 : vector<16xi32>
          %swap3A_376 = arith.constant 0 : i32
          %swap3A_377 = arith.index_cast %swap3A_376 : i32 to index
          %swap3A_378 = arith.constant 0 : index
          %swap3A_379 = tpu.vector_load %arg12[%swap3A_377, %swap3A_378] {strides = array<i32>} : memref<1x128xi32, #tpu.memory_space<vmem>>, vector<16xi32>,
          tpu.vector_store %arg12[%swap3A_377, %swap3A_378], %add3A_375 {strides = array<i32>} : memref<1x128xi32, #tpu.memory_space<vmem>>, vector<16xi32>,
          %mul3A_380 = arith.constant 4 : i32
          %mul3A_381 = vector.broadcast %mul3A_380 : i32 to vector<16xi32>
          %mul3A_382 = arith.muli %gather3A_371, %mul3A_381 : vector<16xi32>
          %add3A_383 = arith.addi %mul3A_382, %sub3A_30 : vector<16xi32>
          %swap3A_384 = arith.constant 0 : i32
          %swap3A_385 = arith.index_cast %swap3A_384 : i32 to index
          %swap3A_386 = arith.constant 0 : index
          %swap3A_387 = tpu.vector_load %arg14[%swap3A_385, %swap3A_386] {strides = array<i32>} : memref<1x128xi32, #tpu.memory_space<vmem>>, vector<16xi32>,
          tpu.vector_store %arg14[%swap3A_385, %swap3A_386], %add3A_383 {strides = array<i32>} : memref<1x128xi32, #tpu.memory_space<vmem>>, vector<16xi32>,
          %add3A_388 = arith.constant 4 : i32
          %add3A_389 = vector.broadcast %add3A_388 : i32 to vector<16xi32>
          %add3A_390 = arith.addi %add3A_389, %select_n3A : vector<16xi32>
          %gather3A_391 = tpu.vector_load_idx %arg9[%add3A_366, %add3A_390] : memref<66x32xi32, #tpu.memory_space<vmem>>[vector<16xi32>, vector<16xi32>], vector<16xi32>,
          %gather3A_392 = tpu.vector_load_idx %arg10[%add3A_366, %add3A_390] : memref<66x32xi32, #tpu.memory_space<vmem>>[vector<16xi32>, vector<16xi32>], vector<16xi32>,
          %mul3A_393 = arith.constant 4 : i32
          %mul3A_394 = vector.broadcast %mul3A_393 : i32 to vector<16xi32>
          %mul3A_395 = arith.muli %gather3A_391, %mul3A_394 : vector<16xi32>
          %add3A_396 = arith.addi %mul3A_395, %sub3A_30 : vector<16xi32>
          %swap3A_397 = arith.constant 0 : i32
          %swap3A_398 = arith.index_cast %swap3A_397 : i32 to index
          %swap3A_399 = arith.constant 16 : index
          %swap3A_400 = tpu.vector_load %arg12[%swap3A_398, %swap3A_399] {strides = array<i32>} : memref<1x128xi32, #tpu.memory_space<vmem>>, vector<16xi32>,
          tpu.vector_store %arg12[%swap3A_398, %swap3A_399], %add3A_396 {strides = array<i32>} : memref<1x128xi32, #tpu.memory_space<vmem>>, vector<16xi32>,
          %mul3A_401 = arith.constant 4 : i32
          %mul3A_402 = vector.broadcast %mul3A_401 : i32 to vector<16xi32>
          %mul3A_403 = arith.muli %gather3A_392, %mul3A_402 : vector<16xi32>
          %add3A_404 = arith.addi %mul3A_403, %sub3A_30 : vector<16xi32>
          %swap3A_405 = arith.constant 0 : i32
          %swap3A_406 = arith.index_cast %swap3A_405 : i32 to index
          %swap3A_407 = arith.constant 16 : index
          %swap3A_408 = tpu.vector_load %arg14[%swap3A_406, %swap3A_407] {strides = array<i32>} : memref<1x128xi32, #tpu.memory_space<vmem>>, vector<16xi32>,
          tpu.vector_store %arg14[%swap3A_406, %swap3A_407], %add3A_404 {strides = array<i32>} : memref<1x128xi32, #tpu.memory_space<vmem>>, vector<16xi32>,
          %add3A_409 = arith.constant 8 : i32
          %add3A_410 = vector.broadcast %add3A_409 : i32 to vector<16xi32>
          %add3A_411 = arith.addi %add3A_410, %select_n3A : vector<16xi32>
          %gather3A_412 = tpu.vector_load_idx %arg9[%add3A_366, %add3A_411] : memref<66x32xi32, #tpu.memory_space<vmem>>[vector<16xi32>, vector<16xi32>], vector<16xi32>,
          %gather3A_413 = tpu.vector_load_idx %arg10[%add3A_366, %add3A_411] : memref<66x32xi32, #tpu.memory_space<vmem>>[vector<16xi32>, vector<16xi32>], vector<16xi32>,
          %mul3A_414 = arith.constant 4 : i32
          %mul3A_415 = vector.broadcast %mul3A_414 : i32 to vector<16xi32>
          %mul3A_416 = arith.muli %gather3A_412, %mul3A_415 : vector<16xi32>
          %add3A_417 = arith.addi %mul3A_416, %sub3A_30 : vector<16xi32>
          %swap3A_418 = arith.constant 0 : i32
          %swap3A_419 = arith.index_cast %swap3A_418 : i32 to index
          %swap3A_420 = arith.constant 32 : index
          %swap3A_421 = tpu.vector_load %arg12[%swap3A_419, %swap3A_420] {strides = array<i32>} : memref<1x128xi32, #tpu.memory_space<vmem>>, vector<16xi32>,
          tpu.vector_store %arg12[%swap3A_419, %swap3A_420], %add3A_417 {strides = array<i32>} : memref<1x128xi32, #tpu.memory_space<vmem>>, vector<16xi32>,
          %mul3A_422 = arith.constant 4 : i32
          %mul3A_423 = vector.broadcast %mul3A_422 : i32 to vector<16xi32>
          %mul3A_424 = arith.muli %gather3A_413, %mul3A_423 : vector<16xi32>
          %add3A_425 = arith.addi %mul3A_424, %sub3A_30 : vector<16xi32>
          %swap3A_426 = arith.constant 0 : i32
          %swap3A_427 = arith.index_cast %swap3A_426 : i32 to index
          %swap3A_428 = arith.constant 32 : index
          %swap3A_429 = tpu.vector_load %arg14[%swap3A_427, %swap3A_428] {strides = array<i32>} : memref<1x128xi32, #tpu.memory_space<vmem>>, vector<16xi32>,
          tpu.vector_store %arg14[%swap3A_427, %swap3A_428], %add3A_425 {strides = array<i32>} : memref<1x128xi32, #tpu.memory_space<vmem>>, vector<16xi32>,
          %add3A_430 = arith.constant 12 : i32
          %add3A_431 = vector.broadcast %add3A_430 : i32 to vector<16xi32>
          %add3A_432 = arith.addi %add3A_431, %select_n3A : vector<16xi32>
          %gather3A_433 = tpu.vector_load_idx %arg9[%add3A_366, %add3A_432] : memref<66x32xi32, #tpu.memory_space<vmem>>[vector<16xi32>, vector<16xi32>], vector<16xi32>,
          %gather3A_434 = tpu.vector_load_idx %arg10[%add3A_366, %add3A_432] : memref<66x32xi32, #tpu.memory_space<vmem>>[vector<16xi32>, vector<16xi32>], vector<16xi32>,
          %mul3A_435 = arith.constant 4 : i32
          %mul3A_436 = vector.broadcast %mul3A_435 : i32 to vector<16xi32>
          %mul3A_437 = arith.muli %gather3A_433, %mul3A_436 : vector<16xi32>
          %add3A_438 = arith.addi %mul3A_437, %sub3A_30 : vector<16xi32>
          %swap3A_439 = arith.constant 0 : i32
          %swap3A_440 = arith.index_cast %swap3A_439 : i32 to index
          %swap3A_441 = arith.constant 48 : index
          %swap3A_442 = tpu.vector_load %arg12[%swap3A_440, %swap3A_441] {strides = array<i32>} : memref<1x128xi32, #tpu.memory_space<vmem>>, vector<16xi32>,
          tpu.vector_store %arg12[%swap3A_440, %swap3A_441], %add3A_438 {strides = array<i32>} : memref<1x128xi32, #tpu.memory_space<vmem>>, vector<16xi32>,
          %mul3A_443 = arith.constant 4 : i32
          %mul3A_444 = vector.broadcast %mul3A_443 : i32 to vector<16xi32>
          %mul3A_445 = arith.muli %gather3A_434, %mul3A_444 : vector<16xi32>
          %add3A_446 = arith.addi %mul3A_445, %sub3A_30 : vector<16xi32>
          %swap3A_447 = arith.constant 0 : i32
          %swap3A_448 = arith.index_cast %swap3A_447 : i32 to index
          %swap3A_449 = arith.constant 48 : index
          %swap3A_450 = tpu.vector_load %arg14[%swap3A_448, %swap3A_449] {strides = array<i32>} : memref<1x128xi32, #tpu.memory_space<vmem>>, vector<16xi32>,
          tpu.vector_store %arg14[%swap3A_448, %swap3A_449], %add3A_446 {strides = array<i32>} : memref<1x128xi32, #tpu.memory_space<vmem>>, vector<16xi32>,
          %add3A_451 = arith.constant 16 : i32
          %add3A_452 = vector.broadcast %add3A_451 : i32 to vector<16xi32>
          %add3A_453 = arith.addi %add3A_452, %select_n3A : vector<16xi32>
          %gather3A_454 = tpu.vector_load_idx %arg9[%add3A_366, %add3A_453] : memref<66x32xi32, #tpu.memory_space<vmem>>[vector<16xi32>, vector<16xi32>], vector<16xi32>,
          %gather3A_455 = tpu.vector_load_idx %arg10[%add3A_366, %add3A_453] : memref<66x32xi32, #tpu.memory_space<vmem>>[vector<16xi32>, vector<16xi32>], vector<16xi32>,
          %mul3A_456 = arith.constant 4 : i32
          %mul3A_457 = vector.broadcast %mul3A_456 : i32 to vector<16xi32>
          %mul3A_458 = arith.muli %gather3A_454, %mul3A_457 : vector<16xi32>
          %add3A_459 = arith.addi %mul3A_458, %sub3A_30 : vector<16xi32>
          %swap3A_460 = arith.constant 0 : i32
          %swap3A_461 = arith.index_cast %swap3A_460 : i32 to index
          %swap3A_462 = arith.constant 64 : index
          %swap3A_463 = tpu.vector_load %arg12[%swap3A_461, %swap3A_462] {strides = array<i32>} : memref<1x128xi32, #tpu.memory_space<vmem>>, vector<16xi32>,
          tpu.vector_store %arg12[%swap3A_461, %swap3A_462], %add3A_459 {strides = array<i32>} : memref<1x128xi32, #tpu.memory_space<vmem>>, vector<16xi32>,
          %mul3A_464 = arith.constant 4 : i32
          %mul3A_465 = vector.broadcast %mul3A_464 : i32 to vector<16xi32>
          %mul3A_466 = arith.muli %gather3A_455, %mul3A_465 : vector<16xi32>
          %add3A_467 = arith.addi %mul3A_466, %sub3A_30 : vector<16xi32>
          %swap3A_468 = arith.constant 0 : i32
          %swap3A_469 = arith.index_cast %swap3A_468 : i32 to index
          %swap3A_470 = arith.constant 64 : index
          %swap3A_471 = tpu.vector_load %arg14[%swap3A_469, %swap3A_470] {strides = array<i32>} : memref<1x128xi32, #tpu.memory_space<vmem>>, vector<16xi32>,
          tpu.vector_store %arg14[%swap3A_469, %swap3A_470], %add3A_467 {strides = array<i32>} : memref<1x128xi32, #tpu.memory_space<vmem>>, vector<16xi32>,
          %add3A_472 = arith.constant 20 : i32
          %add3A_473 = vector.broadcast %add3A_472 : i32 to vector<16xi32>
          %add3A_474 = arith.addi %add3A_473, %select_n3A : vector<16xi32>
          %gather3A_475 = tpu.vector_load_idx %arg9[%add3A_366, %add3A_474] : memref<66x32xi32, #tpu.memory_space<vmem>>[vector<16xi32>, vector<16xi32>], vector<16xi32>,
          %gather3A_476 = tpu.vector_load_idx %arg10[%add3A_366, %add3A_474] : memref<66x32xi32, #tpu.memory_space<vmem>>[vector<16xi32>, vector<16xi32>], vector<16xi32>,
          %mul3A_477 = arith.constant 4 : i32
          %mul3A_478 = vector.broadcast %mul3A_477 : i32 to vector<16xi32>
          %mul3A_479 = arith.muli %gather3A_475, %mul3A_478 : vector<16xi32>
          %add3A_480 = arith.addi %mul3A_479, %sub3A_30 : vector<16xi32>
          %swap3A_481 = arith.constant 0 : i32
          %swap3A_482 = arith.index_cast %swap3A_481 : i32 to index
          %swap3A_483 = arith.constant 80 : index
          %swap3A_484 = tpu.vector_load %arg12[%swap3A_482, %swap3A_483] {strides = array<i32>} : memref<1x128xi32, #tpu.memory_space<vmem>>, vector<16xi32>,
          tpu.vector_store %arg12[%swap3A_482, %swap3A_483], %add3A_480 {strides = array<i32>} : memref<1x128xi32, #tpu.memory_space<vmem>>, vector<16xi32>,
          %mul3A_485 = arith.constant 4 : i32
          %mul3A_486 = vector.broadcast %mul3A_485 : i32 to vector<16xi32>
          %mul3A_487 = arith.muli %gather3A_476, %mul3A_486 : vector<16xi32>
          %add3A_488 = arith.addi %mul3A_487, %sub3A_30 : vector<16xi32>
          %swap3A_489 = arith.constant 0 : i32
          %swap3A_490 = arith.index_cast %swap3A_489 : i32 to index
          %swap3A_491 = arith.constant 80 : index
          %swap3A_492 = tpu.vector_load %arg14[%swap3A_490, %swap3A_491] {strides = array<i32>} : memref<1x128xi32, #tpu.memory_space<vmem>>, vector<16xi32>,
          tpu.vector_store %arg14[%swap3A_490, %swap3A_491], %add3A_488 {strides = array<i32>} : memref<1x128xi32, #tpu.memory_space<vmem>>, vector<16xi32>,
          %add3A_493 = arith.constant 24 : i32
          %add3A_494 = vector.broadcast %add3A_493 : i32 to vector<16xi32>
          %add3A_495 = arith.addi %add3A_494, %select_n3A : vector<16xi32>
          %gather3A_496 = tpu.vector_load_idx %arg9[%add3A_366, %add3A_495] : memref<66x32xi32, #tpu.memory_space<vmem>>[vector<16xi32>, vector<16xi32>], vector<16xi32>,
          %gather3A_497 = tpu.vector_load_idx %arg10[%add3A_366, %add3A_495] : memref<66x32xi32, #tpu.memory_space<vmem>>[vector<16xi32>, vector<16xi32>], vector<16xi32>,
          %mul3A_498 = arith.constant 4 : i32
          %mul3A_499 = vector.broadcast %mul3A_498 : i32 to vector<16xi32>
          %mul3A_500 = arith.muli %gather3A_496, %mul3A_499 : vector<16xi32>
          %add3A_501 = arith.addi %mul3A_500, %sub3A_30 : vector<16xi32>
          %swap3A_502 = arith.constant 0 : i32
          %swap3A_503 = arith.index_cast %swap3A_502 : i32 to index
          %swap3A_504 = arith.constant 96 : index
          %swap3A_505 = tpu.vector_load %arg12[%swap3A_503, %swap3A_504] {strides = array<i32>} : memref<1x128xi32, #tpu.memory_space<vmem>>, vector<16xi32>,
          tpu.vector_store %arg12[%swap3A_503, %swap3A_504], %add3A_501 {strides = array<i32>} : memref<1x128xi32, #tpu.memory_space<vmem>>, vector<16xi32>,
          %mul3A_506 = arith.constant 4 : i32
          %mul3A_507 = vector.broadcast %mul3A_506 : i32 to vector<16xi32>
          %mul3A_508 = arith.muli %gather3A_497, %mul3A_507 : vector<16xi32>
          %add3A_509 = arith.addi %mul3A_508, %sub3A_30 : vector<16xi32>
          %swap3A_510 = arith.constant 0 : i32
          %swap3A_511 = arith.index_cast %swap3A_510 : i32 to index
          %swap3A_512 = arith.constant 96 : index
          %swap3A_513 = tpu.vector_load %arg14[%swap3A_511, %swap3A_512] {strides = array<i32>} : memref<1x128xi32, #tpu.memory_space<vmem>>, vector<16xi32>,
          tpu.vector_store %arg14[%swap3A_511, %swap3A_512], %add3A_509 {strides = array<i32>} : memref<1x128xi32, #tpu.memory_space<vmem>>, vector<16xi32>,
          %add3A_514 = arith.constant 28 : i32
          %add3A_515 = vector.broadcast %add3A_514 : i32 to vector<16xi32>
          %add3A_516 = arith.addi %add3A_515, %select_n3A : vector<16xi32>
          %gather3A_517 = tpu.vector_load_idx %arg9[%add3A_366, %add3A_516] : memref<66x32xi32, #tpu.memory_space<vmem>>[vector<16xi32>, vector<16xi32>], vector<16xi32>,
          %gather3A_518 = tpu.vector_load_idx %arg10[%add3A_366, %add3A_516] : memref<66x32xi32, #tpu.memory_space<vmem>>[vector<16xi32>, vector<16xi32>], vector<16xi32>,
          %mul3A_519 = arith.constant 4 : i32
          %mul3A_520 = vector.broadcast %mul3A_519 : i32 to vector<16xi32>
          %mul3A_521 = arith.muli %gather3A_517, %mul3A_520 : vector<16xi32>
          %add3A_522 = arith.addi %mul3A_521, %sub3A_30 : vector<16xi32>
          %swap3A_523 = arith.constant 0 : i32
          %swap3A_524 = arith.index_cast %swap3A_523 : i32 to index
          %swap3A_525 = arith.constant 112 : index
          %swap3A_526 = tpu.vector_load %arg12[%swap3A_524, %swap3A_525] {strides = array<i32>} : memref<1x128xi32, #tpu.memory_space<vmem>>, vector<16xi32>,
          tpu.vector_store %arg12[%swap3A_524, %swap3A_525], %add3A_522 {strides = array<i32>} : memref<1x128xi32, #tpu.memory_space<vmem>>, vector<16xi32>,
          %mul3A_527 = arith.constant 4 : i32
          %mul3A_528 = vector.broadcast %mul3A_527 : i32 to vector<16xi32>
          %mul3A_529 = arith.muli %gather3A_518, %mul3A_528 : vector<16xi32>
          %add3A_530 = arith.addi %mul3A_529, %sub3A_30 : vector<16xi32>
          %swap3A_531 = arith.constant 0 : i32
          %swap3A_532 = arith.index_cast %swap3A_531 : i32 to index
          %swap3A_533 = arith.constant 112 : index
          %swap3A_534 = tpu.vector_load %arg14[%swap3A_532, %swap3A_533] {strides = array<i32>} : memref<1x128xi32, #tpu.memory_space<vmem>>, vector<16xi32>,
          tpu.vector_store %arg14[%swap3A_532, %swap3A_533], %add3A_530 {strides = array<i32>} : memref<1x128xi32, #tpu.memory_space<vmem>>, vector<16xi32>,
          %dma_start3A_535 = arith.constant 0 : i32
          %dma_start3A_536 = arith.constant 0 : i32
          %dma_start3A_537 = tpu.memref_slice %arg12[%dma_start3A_535, %dma_start3A_536] : memref<1x128xi32, #tpu.memory_space<vmem>> -> memref<1x128xi32, #tpu.memory_space<vmem>>
          %dma_start3A_538 = tpu.memref_squeeze %dma_start3A_537 : memref<1x128xi32, #tpu.memory_space<vmem>> -> memref<128xi32, #tpu.memory_space<vmem>>
          %dma_start3A_539 = arith.constant 0 : i32
          %dma_start3A_540 = arith.constant 0 : i32
          %dma_start3A_541 = tpu.memref_slice %arg2[%dma_start3A_539, %dma_start3A_540] : memref<200704x128xf32, #tpu.memory_space<hbm>> -> memref<200704x128xf32, #tpu.memory_space<hbm>>
          tpu.enqueue_indirect_dma source(%dma_start3A_541 : memref<200704x128xf32, #tpu.memory_space<hbm>>) target(%arg16 : memref<128x128xf32, #tpu.memory_space<vmem>>) offsets(%dma_start3A_538 : memref<128xi32, #tpu.memory_space<vmem>>) semaphore(%arg19 : memref<!tpu.dma_semaphore, #tpu.memory_space<semaphore_mem>>)
          %dma_wait3A = arith.constant 0 : i32
          %dma_wait3A_542 = arith.constant 0 : i32
          %dma_wait3A_543 = tpu.memref_slice %arg11[%dma_wait3A, %dma_wait3A_542] : memref<1x128xi32, #tpu.memory_space<vmem>> -> memref<1x128xi32, #tpu.memory_space<vmem>>
          %dma_wait3A_544 = tpu.memref_squeeze %dma_wait3A_543 : memref<1x128xi32, #tpu.memory_space<vmem>> -> memref<128xi32, #tpu.memory_space<vmem>>
          %dma_wait3A_545 = arith.constant 0 : i32
          %dma_wait3A_546 = arith.constant 0 : i32
          %dma_wait3A_547 = tpu.memref_slice %arg2[%dma_wait3A_545, %dma_wait3A_546] : memref<200704x128xf32, #tpu.memory_space<hbm>> -> memref<200704x128xf32, #tpu.memory_space<hbm>>
          tpu.wait_indirect_dma semaphore(%arg18 : memref<!tpu.dma_semaphore, #tpu.memory_space<semaphore_mem>>) src(%dma_wait3A_547 : memref<200704x128xf32, #tpu.memory_space<hbm>>) dst(%arg15 : memref<128x128xf32, #tpu.memory_space<vmem>>)
          %dma_start3A_548 = arith.constant 0 : i32
          %dma_start3A_549 = arith.constant 0 : i32
          %dma_start3A_550 = tpu.memref_slice %arg13[%dma_start3A_548, %dma_start3A_549] : memref<1x128xi32, #tpu.memory_space<vmem>> -> memref<1x128xi32, #tpu.memory_space<vmem>>
          %dma_start3A_551 = tpu.memref_squeeze %dma_start3A_550 : memref<1x128xi32, #tpu.memory_space<vmem>> -> memref<128xi32, #tpu.memory_space<vmem>>
          %dma_start3A_552 = arith.constant 0 : i32
          %dma_start3A_553 = arith.constant 0 : i32
          %dma_start3A_554 = tpu.memref_slice %arg17[%dma_start3A_552, %dma_start3A_553] : memref<9344x128xf32, #tpu.memory_space<vmem_shared>> -> memref<9344x128xf32, #tpu.memory_space<vmem_shared>>
          tpu.enqueue_indirect_dma source(%arg15 : memref<128x128xf32, #tpu.memory_space<vmem>>) target(%dma_start3A_554 : memref<9344x128xf32, #tpu.memory_space<vmem_shared>>) offsets(%dma_start3A_551 : memref<128xi32, #tpu.memory_space<vmem>>) semaphore(%arg20 : memref<!tpu.dma_semaphore, #tpu.memory_space<semaphore_mem>>) {add = true}
          %dma_wait3A_555 = arith.constant 0 : i32
          %dma_wait3A_556 = arith.constant 0 : i32
          %dma_wait3A_557 = tpu.memref_slice %arg12[%dma_wait3A_555, %dma_wait3A_556] : memref<1x128xi32, #tpu.memory_space<vmem>> -> memref<1x128xi32, #tpu.memory_space<vmem>>
          %dma_wait3A_558 = tpu.memref_squeeze %dma_wait3A_557 : memref<1x128xi32, #tpu.memory_space<vmem>> -> memref<128xi32, #tpu.memory_space<vmem>>
          %dma_wait3A_559 = arith.constant 0 : i32
          %dma_wait3A_560 = arith.constant 0 : i32
          %dma_wait3A_561 = tpu.memref_slice %arg2[%dma_wait3A_559, %dma_wait3A_560] : memref<200704x128xf32, #tpu.memory_space<hbm>> -> memref<200704x128xf32, #tpu.memory_space<hbm>>
          tpu.wait_indirect_dma semaphore(%arg19 : memref<!tpu.dma_semaphore, #tpu.memory_space<semaphore_mem>>) src(%dma_wait3A_561 : memref<200704x128xf32, #tpu.memory_space<hbm>>) dst(%arg16 : memref<128x128xf32, #tpu.memory_space<vmem>>)
          %add3A_562 = arith.constant 1 : i32
          %add3A_563 = arith.addi %mul3A_184, %add3A_562 : i32
          %dma_start3A_564 = arith.constant 0 : i32
          %dma_start3A_565 = arith.constant 0 : i32
          %dma_start3A_566 = tpu.memref_slice %arg14[%dma_start3A_564, %dma_start3A_565] : memref<1x128xi32, #tpu.memory_space<vmem>> -> memref<1x128xi32, #tpu.memory_space<vmem>>
          %dma_start3A_567 = tpu.memref_squeeze %dma_start3A_566 : memref<1x128xi32, #tpu.memory_space<vmem>> -> memref<128xi32, #tpu.memory_space<vmem>>
          %dma_start3A_568 = arith.constant 0 : i32
          %dma_start3A_569 = arith.constant 0 : i32
          %dma_start3A_570 = tpu.memref_slice %arg17[%dma_start3A_568, %dma_start3A_569] : memref<9344x128xf32, #tpu.memory_space<vmem_shared>> -> memref<9344x128xf32, #tpu.memory_space<vmem_shared>>
          tpu.enqueue_indirect_dma source(%arg16 : memref<128x128xf32, #tpu.memory_space<vmem>>) target(%dma_start3A_570 : memref<9344x128xf32, #tpu.memory_space<vmem_shared>>) offsets(%dma_start3A_567 : memref<128xi32, #tpu.memory_space<vmem>>) semaphore(%arg21 : memref<!tpu.dma_semaphore, #tpu.memory_space<semaphore_mem>>) {add = true}
          %dma_wait3A_571 = arith.constant 0 : i32
          %dma_wait3A_572 = arith.constant 0 : i32
          %dma_wait3A_573 = tpu.memref_slice %arg13[%dma_wait3A_571, %dma_wait3A_572] : memref<1x128xi32, #tpu.memory_space<vmem>> -> memref<1x128xi32, #tpu.memory_space<vmem>>
          %dma_wait3A_574 = tpu.memref_squeeze %dma_wait3A_573 : memref<1x128xi32, #tpu.memory_space<vmem>> -> memref<128xi32, #tpu.memory_space<vmem>>
          %dma_wait3A_575 = arith.constant 0 : i32
          %dma_wait3A_576 = arith.constant 0 : i32
          %dma_wait3A_577 = tpu.memref_slice %arg17[%dma_wait3A_575, %dma_wait3A_576] : memref<9344x128xf32, #tpu.memory_space<vmem_shared>> -> memref<9344x128xf32, #tpu.memory_space<vmem_shared>>
          tpu.wait_indirect_dma semaphore(%arg20 : memref<!tpu.dma_semaphore, #tpu.memory_space<semaphore_mem>>) src(%arg15 : memref<128x128xf32, #tpu.memory_space<vmem>>) dst(%dma_wait3A_577 : memref<9344x128xf32, #tpu.memory_space<vmem_shared>>)
          %dma_wait3A_578 = arith.constant 0 : i32
          %dma_wait3A_579 = arith.constant 0 : i32
          %dma_wait3A_580 = tpu.memref_slice %arg14[%dma_wait3A_578, %dma_wait3A_579] : memref<1x128xi32, #tpu.memory_space<vmem>> -> memref<1x128xi32, #tpu.memory_space<vmem>>
          %dma_wait3A_581 = tpu.memref_squeeze %dma_wait3A_580 : memref<1x128xi32, #tpu.memory_space<vmem>> -> memref<128xi32, #tpu.memory_space<vmem>>
          %dma_wait3A_582 = arith.constant 0 : i32
          %dma_wait3A_583 = arith.constant 0 : i32
          %dma_wait3A_584 = tpu.memref_slice %arg17[%dma_wait3A_582, %dma_wait3A_583] : memref<9344x128xf32, #tpu.memory_space<vmem_shared>> -> memref<9344x128xf32, #tpu.memory_space<vmem_shared>>
          tpu.wait_indirect_dma semaphore(%arg21 : memref<!tpu.dma_semaphore, #tpu.memory_space<semaphore_mem>>) src(%arg16 : memref<128x128xf32, #tpu.memory_space<vmem>>) dst(%dma_wait3A_584 : memref<9344x128xf32, #tpu.memory_space<vmem_shared>>)
        }
        %while3A_181 = arith.constant 1 : i32
        scf.for %while3A_182 = %while3A_179 to %while3A_175 step %while3A_181  : i32 {
          %mul3A_183 = arith.constant 2 : i32
          %mul3A_184 = arith.muli %mul3A_183, %while3A_182 : i32
          %broadcast_in_dim3A_185 = arith.constant 0 : i32
          %broadcast_in_dim3A_186 = vector.broadcast %broadcast_in_dim3A_185 : i32 to vector<16xi32>
          %add3A_187 = vector.broadcast %mul3A_184 : i32 to vector<16xi32>
          %add3A_188 = arith.addi %broadcast_in_dim3A_186, %add3A_187 : vector<16xi32>
          %add3A_189 = arith.constant 0 : i32
          %add3A_190 = vector.broadcast %add3A_189 : i32 to vector<16xi32>
          %add3A_191 = arith.addi %add3A_190, %select_n3A : vector<16xi32>
          %gather3A = tpu.vector_load_idx %arg9[%add3A_188, %add3A_191] : memref<66x32xi32, #tpu.memory_space<vmem>>[vector<16xi32>, vector<16xi32>], vector<16xi32>,
          %gather3A_192 = tpu.vector_load_idx %arg10[%add3A_188, %add3A_191] : memref<66x32xi32, #tpu.memory_space<vmem>>[vector<16xi32>, vector<16xi32>], vector<16xi32>,
          %mul3A_193 = arith.constant 4 : i32
          %mul3A_194 = vector.broadcast %mul3A_193 : i32 to vector<16xi32>
          %mul3A_195 = arith.muli %gather3A, %mul3A_194 : vector<16xi32>
          %add3A_196 = arith.addi %mul3A_195, %sub3A_30 : vector<16xi32>
          %swap3A = arith.constant 0 : i32
          %swap3A_197 = arith.index_cast %swap3A : i32 to index
          %swap3A_198 = arith.constant 0 : index
          %swap3A_199 = tpu.vector_load %arg11[%swap3A_197, %swap3A_198] {strides = array<i32>} : memref<1x128xi32, #tpu.memory_space<vmem>>, vector<16xi32>,
          tpu.vector_store %arg11[%swap3A_197, %swap3A_198], %add3A_196 {strides = array<i32>} : memref<1x128xi32, #tpu.memory_space<vmem>>, vector<16xi32>,
          %mul3A_200 = arith.constant 4 : i32
          %mul3A_201 = vector.broadcast %mul3A_200 : i32 to vector<16xi32>
          %mul3A_202 = arith.muli %gather3A_192, %mul3A_201 : vector<16xi32>
          %add3A_203 = arith.addi %mul3A_202, %sub3A_30 : vector<16xi32>
          %swap3A_204 = arith.constant 0 : i32
          %swap3A_205 = arith.index_cast %swap3A_204 : i32 to index
          %swap3A_206 = arith.constant 0 : index
          %swap3A_207 = tpu.vector_load %arg13[%swap3A_205, %swap3A_206] {strides = array<i32>} : memref<1x128xi32, #tpu.memory_space<vmem>>, vector<16xi32>,
          tpu.vector_store %arg13[%swap3A_205, %swap3A_206], %add3A_203 {strides = array<i32>} : memref<1x128xi32, #tpu.memory_space<vmem>>, vector<16xi32>,
          %add3A_208 = arith.constant 4 : i32
          %add3A_209 = vector.broadcast %add3A_208 : i32 to vector<16xi32>
          %add3A_210 = arith.addi %add3A_209, %select_n3A : vector<16xi32>
          %gather3A_211 = tpu.vector_load_idx %arg9[%add3A_188, %add3A_210] : memref<66x32xi32, #tpu.memory_space<vmem>>[vector<16xi32>, vector<16xi32>], vector<16xi32>,
          %gather3A_212 = tpu.vector_load_idx %arg10[%add3A_188, %add3A_210] : memref<66x32xi32, #tpu.memory_space<vmem>>[vector<16xi32>, vector<16xi32>], vector<16xi32>,
          %mul3A_213 = arith.constant 4 : i32
          %mul3A_214 = vector.broadcast %mul3A_213 : i32 to vector<16xi32>
          %mul3A_215 = arith.muli %gather3A_211, %mul3A_214 : vector<16xi32>
          %add3A_216 = arith.addi %mul3A_215, %sub3A_30 : vector<16xi32>
          %swap3A_217 = arith.constant 0 : i32
          %swap3A_218 = arith.index_cast %swap3A_217 : i32 to index
          %swap3A_219 = arith.constant 16 : index
          %swap3A_220 = tpu.vector_load %arg11[%swap3A_218, %swap3A_219] {strides = array<i32>} : memref<1x128xi32, #tpu.memory_space<vmem>>, vector<16xi32>,
          tpu.vector_store %arg11[%swap3A_218, %swap3A_219], %add3A_216 {strides = array<i32>} : memref<1x128xi32, #tpu.memory_space<vmem>>, vector<16xi32>,
          %mul3A_221 = arith.constant 4 : i32
          %mul3A_222 = vector.broadcast %mul3A_221 : i32 to vector<16xi32>
          %mul3A_223 = arith.muli %gather3A_212, %mul3A_222 : vector<16xi32>
          %add3A_224 = arith.addi %mul3A_223, %sub3A_30 : vector<16xi32>
          %swap3A_225 = arith.constant 0 : i32
          %swap3A_226 = arith.index_cast %swap3A_225 : i32 to index
          %swap3A_227 = arith.constant 16 : index
          %swap3A_228 = tpu.vector_load %arg13[%swap3A_226, %swap3A_227] {strides = array<i32>} : memref<1x128xi32, #tpu.memory_space<vmem>>, vector<16xi32>,
          tpu.vector_store %arg13[%swap3A_226, %swap3A_227], %add3A_224 {strides = array<i32>} : memref<1x128xi32, #tpu.memory_space<vmem>>, vector<16xi32>,
          %add3A_229 = arith.constant 8 : i32
          %add3A_230 = vector.broadcast %add3A_229 : i32 to vector<16xi32>
          %add3A_231 = arith.addi %add3A_230, %select_n3A : vector<16xi32>
          %gather3A_232 = tpu.vector_load_idx %arg9[%add3A_188, %add3A_231] : memref<66x32xi32, #tpu.memory_space<vmem>>[vector<16xi32>, vector<16xi32>], vector<16xi32>,
          %gather3A_233 = tpu.vector_load_idx %arg10[%add3A_188, %add3A_231] : memref<66x32xi32, #tpu.memory_space<vmem>>[vector<16xi32>, vector<16xi32>], vector<16xi32>,
          %mul3A_234 = arith.constant 4 : i32
          %mul3A_235 = vector.broadcast %mul3A_234 : i32 to vector<16xi32>
          %mul3A_236 = arith.muli %gather3A_232, %mul3A_235 : vector<16xi32>
          %add3A_237 = arith.addi %mul3A_236, %sub3A_30 : vector<16xi32>
          %swap3A_238 = arith.constant 0 : i32
          %swap3A_239 = arith.index_cast %swap3A_238 : i32 to index
          %swap3A_240 = arith.constant 32 : index
          %swap3A_241 = tpu.vector_load %arg11[%swap3A_239, %swap3A_240] {strides = array<i32>} : memref<1x128xi32, #tpu.memory_space<vmem>>, vector<16xi32>,
          tpu.vector_store %arg11[%swap3A_239, %swap3A_240], %add3A_237 {strides = array<i32>} : memref<1x128xi32, #tpu.memory_space<vmem>>, vector<16xi32>,
          %mul3A_242 = arith.constant 4 : i32
          %mul3A_243 = vector.broadcast %mul3A_242 : i32 to vector<16xi32>
          %mul3A_244 = arith.muli %gather3A_233, %mul3A_243 : vector<16xi32>
          %add3A_245 = arith.addi %mul3A_244, %sub3A_30 : vector<16xi32>
          %swap3A_246 = arith.constant 0 : i32
          %swap3A_247 = arith.index_cast %swap3A_246 : i32 to index
          %swap3A_248 = arith.constant 32 : index
          %swap3A_249 = tpu.vector_load %arg13[%swap3A_247, %swap3A_248] {strides = array<i32>} : memref<1x128xi32, #tpu.memory_space<vmem>>, vector<16xi32>,
          tpu.vector_store %arg13[%swap3A_247, %swap3A_248], %add3A_245 {strides = array<i32>} : memref<1x128xi32, #tpu.memory_space<vmem>>, vector<16xi32>,
          %add3A_250 = arith.constant 12 : i32
          %add3A_251 = vector.broadcast %add3A_250 : i32 to vector<16xi32>
          %add3A_252 = arith.addi %add3A_251, %select_n3A : vector<16xi32>
          %gather3A_253 = tpu.vector_load_idx %arg9[%add3A_188, %add3A_252] : memref<66x32xi32, #tpu.memory_space<vmem>>[vector<16xi32>, vector<16xi32>], vector<16xi32>,
          %gather3A_254 = tpu.vector_load_idx %arg10[%add3A_188, %add3A_252] : memref<66x32xi32, #tpu.memory_space<vmem>>[vector<16xi32>, vector<16xi32>], vector<16xi32>,
          %mul3A_255 = arith.constant 4 : i32
          %mul3A_256 = vector.broadcast %mul3A_255 : i32 to vector<16xi32>
          %mul3A_257 = arith.muli %gather3A_253, %mul3A_256 : vector<16xi32>
          %add3A_258 = arith.addi %mul3A_257, %sub3A_30 : vector<16xi32>
          %swap3A_259 = arith.constant 0 : i32
          %swap3A_260 = arith.index_cast %swap3A_259 : i32 to index
          %swap3A_261 = arith.constant 48 : index
          %swap3A_262 = tpu.vector_load %arg11[%swap3A_260, %swap3A_261] {strides = array<i32>} : memref<1x128xi32, #tpu.memory_space<vmem>>, vector<16xi32>,
          tpu.vector_store %arg11[%swap3A_260, %swap3A_261], %add3A_258 {strides = array<i32>} : memref<1x128xi32, #tpu.memory_space<vmem>>, vector<16xi32>,
          %mul3A_263 = arith.constant 4 : i32
          %mul3A_264 = vector.broadcast %mul3A_263 : i32 to vector<16xi32>
          %mul3A_265 = arith.muli %gather3A_254, %mul3A_264 : vector<16xi32>
          %add3A_266 = arith.addi %mul3A_265, %sub3A_30 : vector<16xi32>
          %swap3A_267 = arith.constant 0 : i32
          %swap3A_268 = arith.index_cast %swap3A_267 : i32 to index
          %swap3A_269 = arith.constant 48 : index
          %swap3A_270 = tpu.vector_load %arg13[%swap3A_268, %swap3A_269] {strides = array<i32>} : memref<1x128xi32, #tpu.memory_space<vmem>>, vector<16xi32>,
          tpu.vector_store %arg13[%swap3A_268, %swap3A_269], %add3A_266 {strides = array<i32>} : memref<1x128xi32, #tpu.memory_space<vmem>>, vector<16xi32>,
          %add3A_271 = arith.constant 16 : i32
          %add3A_272 = vector.broadcast %add3A_271 : i32 to vector<16xi32>
          %add3A_273 = arith.addi %add3A_272, %select_n3A : vector<16xi32>
          %gather3A_274 = tpu.vector_load_idx %arg9[%add3A_188, %add3A_273] : memref<66x32xi32, #tpu.memory_space<vmem>>[vector<16xi32>, vector<16xi32>], vector<16xi32>,
          %gather3A_275 = tpu.vector_load_idx %arg10[%add3A_188, %add3A_273] : memref<66x32xi32, #tpu.memory_space<vmem>>[vector<16xi32>, vector<16xi32>], vector<16xi32>,
          %mul3A_276 = arith.constant 4 : i32
          %mul3A_277 = vector.broadcast %mul3A_276 : i32 to vector<16xi32>
          %mul3A_278 = arith.muli %gather3A_274, %mul3A_277 : vector<16xi32>
          %add3A_279 = arith.addi %mul3A_278, %sub3A_30 : vector<16xi32>
          %swap3A_280 = arith.constant 0 : i32
          %swap3A_281 = arith.index_cast %swap3A_280 : i32 to index
          %swap3A_282 = arith.constant 64 : index
          %swap3A_283 = tpu.vector_load %arg11[%swap3A_281, %swap3A_282] {strides = array<i32>} : memref<1x128xi32, #tpu.memory_space<vmem>>, vector<16xi32>,
          tpu.vector_store %arg11[%swap3A_281, %swap3A_282], %add3A_279 {strides = array<i32>} : memref<1x128xi32, #tpu.memory_space<vmem>>, vector<16xi32>,
          %mul3A_284 = arith.constant 4 : i32
          %mul3A_285 = vector.broadcast %mul3A_284 : i32 to vector<16xi32>
          %mul3A_286 = arith.muli %gather3A_275, %mul3A_285 : vector<16xi32>
          %add3A_287 = arith.addi %mul3A_286, %sub3A_30 : vector<16xi32>
          %swap3A_288 = arith.constant 0 : i32
          %swap3A_289 = arith.index_cast %swap3A_288 : i32 to index
          %swap3A_290 = arith.constant 64 : index
          %swap3A_291 = tpu.vector_load %arg13[%swap3A_289, %swap3A_290] {strides = array<i32>} : memref<1x128xi32, #tpu.memory_space<vmem>>, vector<16xi32>,
          tpu.vector_store %arg13[%swap3A_289, %swap3A_290], %add3A_287 {strides = array<i32>} : memref<1x128xi32, #tpu.memory_space<vmem>>, vector<16xi32>,
          %add3A_292 = arith.constant 20 : i32
          %add3A_293 = vector.broadcast %add3A_292 : i32 to vector<16xi32>
          %add3A_294 = arith.addi %add3A_293, %select_n3A : vector<16xi32>
          %gather3A_295 = tpu.vector_load_idx %arg9[%add3A_188, %add3A_294] : memref<66x32xi32, #tpu.memory_space<vmem>>[vector<16xi32>, vector<16xi32>], vector<16xi32>,
          %gather3A_296 = tpu.vector_load_idx %arg10[%add3A_188, %add3A_294] : memref<66x32xi32, #tpu.memory_space<vmem>>[vector<16xi32>, vector<16xi32>], vector<16xi32>,
          %mul3A_297 = arith.constant 4 : i32
          %mul3A_298 = vector.broadcast %mul3A_297 : i32 to vector<16xi32>
          %mul3A_299 = arith.muli %gather3A_295, %mul3A_298 : vector<16xi32>
          %add3A_300 = arith.addi %mul3A_299, %sub3A_30 : vector<16xi32>
          %swap3A_301 = arith.constant 0 : i32
          %swap3A_302 = arith.index_cast %swap3A_301 : i32 to index
          %swap3A_303 = arith.constant 80 : index
          %swap3A_304 = tpu.vector_load %arg11[%swap3A_302, %swap3A_303] {strides = array<i32>} : memref<1x128xi32, #tpu.memory_space<vmem>>, vector<16xi32>,
          tpu.vector_store %arg11[%swap3A_302, %swap3A_303], %add3A_300 {strides = array<i32>} : memref<1x128xi32, #tpu.memory_space<vmem>>, vector<16xi32>,
          %mul3A_305 = arith.constant 4 : i32
          %mul3A_306 = vector.broadcast %mul3A_305 : i32 to vector<16xi32>
          %mul3A_307 = arith.muli %gather3A_296, %mul3A_306 : vector<16xi32>
          %add3A_308 = arith.addi %mul3A_307, %sub3A_30 : vector<16xi32>
          %swap3A_309 = arith.constant 0 : i32
          %swap3A_310 = arith.index_cast %swap3A_309 : i32 to index
          %swap3A_311 = arith.constant 80 : index
          %swap3A_312 = tpu.vector_load %arg13[%swap3A_310, %swap3A_311] {strides = array<i32>} : memref<1x128xi32, #tpu.memory_space<vmem>>, vector<16xi32>,
          tpu.vector_store %arg13[%swap3A_310, %swap3A_311], %add3A_308 {strides = array<i32>} : memref<1x128xi32, #tpu.memory_space<vmem>>, vector<16xi32>,
          %add3A_313 = arith.constant 24 : i32
          %add3A_314 = vector.broadcast %add3A_313 : i32 to vector<16xi32>
          %add3A_315 = arith.addi %add3A_314, %select_n3A : vector<16xi32>
          %gather3A_316 = tpu.vector_load_idx %arg9[%add3A_188, %add3A_315] : memref<66x32xi32, #tpu.memory_space<vmem>>[vector<16xi32>, vector<16xi32>], vector<16xi32>,
          %gather3A_317 = tpu.vector_load_idx %arg10[%add3A_188, %add3A_315] : memref<66x32xi32, #tpu.memory_space<vmem>>[vector<16xi32>, vector<16xi32>], vector<16xi32>,
          %mul3A_318 = arith.constant 4 : i32
          %mul3A_319 = vector.broadcast %mul3A_318 : i32 to vector<16xi32>
          %mul3A_320 = arith.muli %gather3A_316, %mul3A_319 : vector<16xi32>
          %add3A_321 = arith.addi %mul3A_320, %sub3A_30 : vector<16xi32>
          %swap3A_322 = arith.constant 0 : i32
          %swap3A_323 = arith.index_cast %swap3A_322 : i32 to index
          %swap3A_324 = arith.constant 96 : index
          %swap3A_325 = tpu.vector_load %arg11[%swap3A_323, %swap3A_324] {strides = array<i32>} : memref<1x128xi32, #tpu.memory_space<vmem>>, vector<16xi32>,
          tpu.vector_store %arg11[%swap3A_323, %swap3A_324], %add3A_321 {strides = array<i32>} : memref<1x128xi32, #tpu.memory_space<vmem>>, vector<16xi32>,
          %mul3A_326 = arith.constant 4 : i32
          %mul3A_327 = vector.broadcast %mul3A_326 : i32 to vector<16xi32>
          %mul3A_328 = arith.muli %gather3A_317, %mul3A_327 : vector<16xi32>
          %add3A_329 = arith.addi %mul3A_328, %sub3A_30 : vector<16xi32>
          %swap3A_330 = arith.constant 0 : i32
          %swap3A_331 = arith.index_cast %swap3A_330 : i32 to index
          %swap3A_332 = arith.constant 96 : index
          %swap3A_333 = tpu.vector_load %arg13[%swap3A_331, %swap3A_332] {strides = array<i32>} : memref<1x128xi32, #tpu.memory_space<vmem>>, vector<16xi32>,
          tpu.vector_store %arg13[%swap3A_331, %swap3A_332], %add3A_329 {strides = array<i32>} : memref<1x128xi32, #tpu.memory_space<vmem>>, vector<16xi32>,
          %add3A_334 = arith.constant 28 : i32
          %add3A_335 = vector.broadcast %add3A_334 : i32 to vector<16xi32>
          %add3A_336 = arith.addi %add3A_335, %select_n3A : vector<16xi32>
          %gather3A_337 = tpu.vector_load_idx %arg9[%add3A_188, %add3A_336] : memref<66x32xi32, #tpu.memory_space<vmem>>[vector<16xi32>, vector<16xi32>], vector<16xi32>,
          %gather3A_338 = tpu.vector_load_idx %arg10[%add3A_188, %add3A_336] : memref<66x32xi32, #tpu.memory_space<vmem>>[vector<16xi32>, vector<16xi32>], vector<16xi32>,
          %mul3A_339 = arith.constant 4 : i32
          %mul3A_340 = vector.broadcast %mul3A_339 : i32 to vector<16xi32>
          %mul3A_341 = arith.muli %gather3A_337, %mul3A_340 : vector<16xi32>
          %add3A_342 = arith.addi %mul3A_341, %sub3A_30 : vector<16xi32>
          %swap3A_343 = arith.constant 0 : i32
          %swap3A_344 = arith.index_cast %swap3A_343 : i32 to index
          %swap3A_345 = arith.constant 112 : index
          %swap3A_346 = tpu.vector_load %arg11[%swap3A_344, %swap3A_345] {strides = array<i32>} : memref<1x128xi32, #tpu.memory_space<vmem>>, vector<16xi32>,
          tpu.vector_store %arg11[%swap3A_344, %swap3A_345], %add3A_342 {strides = array<i32>} : memref<1x128xi32, #tpu.memory_space<vmem>>, vector<16xi32>,
          %mul3A_347 = arith.constant 4 : i32
          %mul3A_348 = vector.broadcast %mul3A_347 : i32 to vector<16xi32>
          %mul3A_349 = arith.muli %gather3A_338, %mul3A_348 : vector<16xi32>
          %add3A_350 = arith.addi %mul3A_349, %sub3A_30 : vector<16xi32>
          %swap3A_351 = arith.constant 0 : i32
          %swap3A_352 = arith.index_cast %swap3A_351 : i32 to index
          %swap3A_353 = arith.constant 112 : index
          %swap3A_354 = tpu.vector_load %arg13[%swap3A_352, %swap3A_353] {strides = array<i32>} : memref<1x128xi32, #tpu.memory_space<vmem>>, vector<16xi32>,
          tpu.vector_store %arg13[%swap3A_352, %swap3A_353], %add3A_350 {strides = array<i32>} : memref<1x128xi32, #tpu.memory_space<vmem>>, vector<16xi32>,
          %dma_start3A = arith.constant 0 : i32
          %dma_start3A_355 = arith.constant 0 : i32
          %dma_start3A_356 = tpu.memref_slice %arg11[%dma_start3A, %dma_start3A_355] : memref<1x128xi32, #tpu.memory_space<vmem>> -> memref<1x128xi32, #tpu.memory_space<vmem>>
          %dma_start3A_357 = tpu.memref_squeeze %dma_start3A_356 : memref<1x128xi32, #tpu.memory_space<vmem>> -> memref<128xi32, #tpu.memory_space<vmem>>
          %dma_start3A_358 = arith.constant 0 : i32
          %dma_start3A_359 = arith.constant 0 : i32
          %dma_start3A_360 = tpu.memref_slice %arg2[%dma_start3A_358, %dma_start3A_359] : memref<200704x128xf32, #tpu.memory_space<hbm>> -> memref<200704x128xf32, #tpu.memory_space<hbm>>
          tpu.enqueue_indirect_dma source(%dma_start3A_360 : memref<200704x128xf32, #tpu.memory_space<hbm>>) target(%arg15 : memref<128x128xf32, #tpu.memory_space<vmem>>) offsets(%dma_start3A_357 : memref<128xi32, #tpu.memory_space<vmem>>) semaphore(%arg18 : memref<!tpu.dma_semaphore, #tpu.memory_space<semaphore_mem>>)
          %add3A_361 = arith.constant 1 : i32
          %add3A_362 = arith.addi %mul3A_184, %add3A_361 : i32
          %broadcast_in_dim3A_363 = arith.constant 0 : i32
          %broadcast_in_dim3A_364 = vector.broadcast %broadcast_in_dim3A_363 : i32 to vector<16xi32>
          %add3A_365 = vector.broadcast %add3A_362 : i32 to vector<16xi32>
          %add3A_366 = arith.addi %broadcast_in_dim3A_364, %add3A_365 : vector<16xi32>
          %add3A_367 = arith.constant 0 : i32
          %add3A_368 = vector.broadcast %add3A_367 : i32 to vector<16xi32>
          %add3A_369 = arith.addi %add3A_368, %select_n3A : vector<16xi32>
          %gather3A_370 = tpu.vector_load_idx %arg9[%add3A_366, %add3A_369] : memref<66x32xi32, #tpu.memory_space<vmem>>[vector<16xi32>, vector<16xi32>], vector<16xi32>,
          %gather3A_371 = tpu.vector_load_idx %arg10[%add3A_366, %add3A_369] : memref<66x32xi32, #tpu.memory_space<vmem>>[vector<16xi32>, vector<16xi32>], vector<16xi32>,
          %mul3A_372 = arith.constant 4 : i32
          %mul3A_373 = vector.broadcast %mul3A_372 : i32 to vector<16xi32>
          %mul3A_374 = arith.muli %gather3A_370, %mul3A_373 : vector<16xi32>
          %add3A_375 = arith.addi %mul3A_374, %sub3A_30 : vector<16xi32>
          %swap3A_376 = arith.constant 0 : i32
          %swap3A_377 = arith.index_cast %swap3A_376 : i32 to index
          %swap3A_378 = arith.constant 0 : index
          %swap3A_379 = tpu.vector_load %arg12[%swap3A_377, %swap3A_378] {strides = array<i32>} : memref<1x128xi32, #tpu.memory_space<vmem>>, vector<16xi32>,
          tpu.vector_store %arg12[%swap3A_377, %swap3A_378], %add3A_375 {strides = array<i32>} : memref<1x128xi32, #tpu.memory_space<vmem>>, vector<16xi32>,
          %mul3A_380 = arith.constant 4 : i32
          %mul3A_381 = vector.broadcast %mul3A_380 : i32 to vector<16xi32>
          %mul3A_382 = arith.muli %gather3A_371, %mul3A_381 : vector<16xi32>
          %add3A_383 = arith.addi %mul3A_382, %sub3A_30 : vector<16xi32>
          %swap3A_384 = arith.constant 0 : i32
          %swap3A_385 = arith.index_cast %swap3A_384 : i32 to index
          %swap3A_386 = arith.constant 0 : index
          %swap3A_387 = tpu.vector_load %arg14[%swap3A_385, %swap3A_386] {strides = array<i32>} : memref<1x128xi32, #tpu.memory_space<vmem>>, vector<16xi32>,
          tpu.vector_store %arg14[%swap3A_385, %swap3A_386], %add3A_383 {strides = array<i32>} : memref<1x128xi32, #tpu.memory_space<vmem>>, vector<16xi32>,
          %add3A_388 = arith.constant 4 : i32
          %add3A_389 = vector.broadcast %add3A_388 : i32 to vector<16xi32>
          %add3A_390 = arith.addi %add3A_389, %select_n3A : vector<16xi32>
          %gather3A_391 = tpu.vector_load_idx %arg9[%add3A_366, %add3A_390] : memref<66x32xi32, #tpu.memory_space<vmem>>[vector<16xi32>, vector<16xi32>], vector<16xi32>,
          %gather3A_392 = tpu.vector_load_idx %arg10[%add3A_366, %add3A_390] : memref<66x32xi32, #tpu.memory_space<vmem>>[vector<16xi32>, vector<16xi32>], vector<16xi32>,
          %mul3A_393 = arith.constant 4 : i32
          %mul3A_394 = vector.broadcast %mul3A_393 : i32 to vector<16xi32>
          %mul3A_395 = arith.muli %gather3A_391, %mul3A_394 : vector<16xi32>
          %add3A_396 = arith.addi %mul3A_395, %sub3A_30 : vector<16xi32>
          %swap3A_397 = arith.constant 0 : i32
          %swap3A_398 = arith.index_cast %swap3A_397 : i32 to index
          %swap3A_399 = arith.constant 16 : index
          %swap3A_400 = tpu.vector_load %arg12[%swap3A_398, %swap3A_399] {strides = array<i32>} : memref<1x128xi32, #tpu.memory_space<vmem>>, vector<16xi32>,
          tpu.vector_store %arg12[%swap3A_398, %swap3A_399], %add3A_396 {strides = array<i32>} : memref<1x128xi32, #tpu.memory_space<vmem>>, vector<16xi32>,
          %mul3A_401 = arith.constant 4 : i32
          %mul3A_402 = vector.broadcast %mul3A_401 : i32 to vector<16xi32>
          %mul3A_403 = arith.muli %gather3A_392, %mul3A_402 : vector<16xi32>
          %add3A_404 = arith.addi %mul3A_403, %sub3A_30 : vector<16xi32>
          %swap3A_405 = arith.constant 0 : i32
          %swap3A_406 = arith.index_cast %swap3A_405 : i32 to index
          %swap3A_407 = arith.constant 16 : index
          %swap3A_408 = tpu.vector_load %arg14[%swap3A_406, %swap3A_407] {strides = array<i32>} : memref<1x128xi32, #tpu.memory_space<vmem>>, vector<16xi32>,
          tpu.vector_store %arg14[%swap3A_406, %swap3A_407], %add3A_404 {strides = array<i32>} : memref<1x128xi32, #tpu.memory_space<vmem>>, vector<16xi32>,
          %add3A_409 = arith.constant 8 : i32
          %add3A_410 = vector.broadcast %add3A_409 : i32 to vector<16xi32>
          %add3A_411 = arith.addi %add3A_410, %select_n3A : vector<16xi32>
          %gather3A_412 = tpu.vector_load_idx %arg9[%add3A_366, %add3A_411] : memref<66x32xi32, #tpu.memory_space<vmem>>[vector<16xi32>, vector<16xi32>], vector<16xi32>,
          %gather3A_413 = tpu.vector_load_idx %arg10[%add3A_366, %add3A_411] : memref<66x32xi32, #tpu.memory_space<vmem>>[vector<16xi32>, vector<16xi32>], vector<16xi32>,
          %mul3A_414 = arith.constant 4 : i32
          %mul3A_415 = vector.broadcast %mul3A_414 : i32 to vector<16xi32>
          %mul3A_416 = arith.muli %gather3A_412, %mul3A_415 : vector<16xi32>
          %add3A_417 = arith.addi %mul3A_416, %sub3A_30 : vector<16xi32>
          %swap3A_418 = arith.constant 0 : i32
          %swap3A_419 = arith.index_cast %swap3A_418 : i32 to index
          %swap3A_420 = arith.constant 32 : index
          %swap3A_421 = tpu.vector_load %arg12[%swap3A_419, %swap3A_420] {strides = array<i32>} : memref<1x128xi32, #tpu.memory_space<vmem>>, vector<16xi32>,
          tpu.vector_store %arg12[%swap3A_419, %swap3A_420], %add3A_417 {strides = array<i32>} : memref<1x128xi32, #tpu.memory_space<vmem>>, vector<16xi32>,
          %mul3A_422 = arith.constant 4 : i32
          %mul3A_423 = vector.broadcast %mul3A_422 : i32 to vector<16xi32>
          %mul3A_424 = arith.muli %gather3A_413, %mul3A_423 : vector<16xi32>
          %add3A_425 = arith.addi %mul3A_424, %sub3A_30 : vector<16xi32>
          %swap3A_426 = arith.constant 0 : i32
          %swap3A_427 = arith.index_cast %swap3A_426 : i32 to index
          %swap3A_428 = arith.constant 32 : index
          %swap3A_429 = tpu.vector_load %arg14[%swap3A_427, %swap3A_428] {strides = array<i32>} : memref<1x128xi32, #tpu.memory_space<vmem>>, vector<16xi32>,
          tpu.vector_store %arg14[%swap3A_427, %swap3A_428], %add3A_425 {strides = array<i32>} : memref<1x128xi32, #tpu.memory_space<vmem>>, vector<16xi32>,
          %add3A_430 = arith.constant 12 : i32
          %add3A_431 = vector.broadcast %add3A_430 : i32 to vector<16xi32>
          %add3A_432 = arith.addi %add3A_431, %select_n3A : vector<16xi32>
          %gather3A_433 = tpu.vector_load_idx %arg9[%add3A_366, %add3A_432] : memref<66x32xi32, #tpu.memory_space<vmem>>[vector<16xi32>, vector<16xi32>], vector<16xi32>,
          %gather3A_434 = tpu.vector_load_idx %arg10[%add3A_366, %add3A_432] : memref<66x32xi32, #tpu.memory_space<vmem>>[vector<16xi32>, vector<16xi32>], vector<16xi32>,
          %mul3A_435 = arith.constant 4 : i32
          %mul3A_436 = vector.broadcast %mul3A_435 : i32 to vector<16xi32>
          %mul3A_437 = arith.muli %gather3A_433, %mul3A_436 : vector<16xi32>
          %add3A_438 = arith.addi %mul3A_437, %sub3A_30 : vector<16xi32>
          %swap3A_439 = arith.constant 0 : i32
          %swap3A_440 = arith.index_cast %swap3A_439 : i32 to index
          %swap3A_441 = arith.constant 48 : index
          %swap3A_442 = tpu.vector_load %arg12[%swap3A_440, %swap3A_441] {strides = array<i32>} : memref<1x128xi32, #tpu.memory_space<vmem>>, vector<16xi32>,
          tpu.vector_store %arg12[%swap3A_440, %swap3A_441], %add3A_438 {strides = array<i32>} : memref<1x128xi32, #tpu.memory_space<vmem>>, vector<16xi32>,
          %mul3A_443 = arith.constant 4 : i32
          %mul3A_444 = vector.broadcast %mul3A_443 : i32 to vector<16xi32>
          %mul3A_445 = arith.muli %gather3A_434, %mul3A_444 : vector<16xi32>
          %add3A_446 = arith.addi %mul3A_445, %sub3A_30 : vector<16xi32>
          %swap3A_447 = arith.constant 0 : i32
          %swap3A_448 = arith.index_cast %swap3A_447 : i32 to index
          %swap3A_449 = arith.constant 48 : index
          %swap3A_450 = tpu.vector_load %arg14[%swap3A_448, %swap3A_449] {strides = array<i32>} : memref<1x128xi32, #tpu.memory_space<vmem>>, vector<16xi32>,
          tpu.vector_store %arg14[%swap3A_448, %swap3A_449], %add3A_446 {strides = array<i32>} : memref<1x128xi32, #tpu.memory_space<vmem>>, vector<16xi32>,
          %add3A_451 = arith.constant 16 : i32
          %add3A_452 = vector.broadcast %add3A_451 : i32 to vector<16xi32>
          %add3A_453 = arith.addi %add3A_452, %select_n3A : vector<16xi32>
          %gather3A_454 = tpu.vector_load_idx %arg9[%add3A_366, %add3A_453] : memref<66x32xi32, #tpu.memory_space<vmem>>[vector<16xi32>, vector<16xi32>], vector<16xi32>,
          %gather3A_455 = tpu.vector_load_idx %arg10[%add3A_366, %add3A_453] : memref<66x32xi32, #tpu.memory_space<vmem>>[vector<16xi32>, vector<16xi32>], vector<16xi32>,
          %mul3A_456 = arith.constant 4 : i32
          %mul3A_457 = vector.broadcast %mul3A_456 : i32 to vector<16xi32>
          %mul3A_458 = arith.muli %gather3A_454, %mul3A_457 : vector<16xi32>
          %add3A_459 = arith.addi %mul3A_458, %sub3A_30 : vector<16xi32>
          %swap3A_460 = arith.constant 0 : i32
          %swap3A_461 = arith.index_cast %swap3A_460 : i32 to index
          %swap3A_462 = arith.constant 64 : index
          %swap3A_463 = tpu.vector_load %arg12[%swap3A_461, %swap3A_462] {strides = array<i32>} : memref<1x128xi32, #tpu.memory_space<vmem>>, vector<16xi32>,
          tpu.vector_store %arg12[%swap3A_461, %swap3A_462], %add3A_459 {strides = array<i32>} : memref<1x128xi32, #tpu.memory_space<vmem>>, vector<16xi32>,
          %mul3A_464 = arith.constant 4 : i32
          %mul3A_465 = vector.broadcast %mul3A_464 : i32 to vector<16xi32>
          %mul3A_466 = arith.muli %gather3A_455, %mul3A_465 : vector<16xi32>
          %add3A_467 = arith.addi %mul3A_466, %sub3A_30 : vector<16xi32>
          %swap3A_468 = arith.constant 0 : i32
          %swap3A_469 = arith.index_cast %swap3A_468 : i32 to index
          %swap3A_470 = arith.constant 64 : index
          %swap3A_471 = tpu.vector_load %arg14[%swap3A_469, %swap3A_470] {strides = array<i32>} : memref<1x128xi32, #tpu.memory_space<vmem>>, vector<16xi32>,
          tpu.vector_store %arg14[%swap3A_469, %swap3A_470], %add3A_467 {strides = array<i32>} : memref<1x128xi32, #tpu.memory_space<vmem>>, vector<16xi32>,
          %add3A_472 = arith.constant 20 : i32
          %add3A_473 = vector.broadcast %add3A_472 : i32 to vector<16xi32>
          %add3A_474 = arith.addi %add3A_473, %select_n3A : vector<16xi32>
          %gather3A_475 = tpu.vector_load_idx %arg9[%add3A_366, %add3A_474] : memref<66x32xi32, #tpu.memory_space<vmem>>[vector<16xi32>, vector<16xi32>], vector<16xi32>,
          %gather3A_476 = tpu.vector_load_idx %arg10[%add3A_366, %add3A_474] : memref<66x32xi32, #tpu.memory_space<vmem>>[vector<16xi32>, vector<16xi32>], vector<16xi32>,
          %mul3A_477 = arith.constant 4 : i32
          %mul3A_478 = vector.broadcast %mul3A_477 : i32 to vector<16xi32>
          %mul3A_479 = arith.muli %gather3A_475, %mul3A_478 : vector<16xi32>
          %add3A_480 = arith.addi %mul3A_479, %sub3A_30 : vector<16xi32>
          %swap3A_481 = arith.constant 0 : i32
          %swap3A_482 = arith.index_cast %swap3A_481 : i32 to index
          %swap3A_483 = arith.constant 80 : index
          %swap3A_484 = tpu.vector_load %arg12[%swap3A_482, %swap3A_483] {strides = array<i32>} : memref<1x128xi32, #tpu.memory_space<vmem>>, vector<16xi32>,
          tpu.vector_store %arg12[%swap3A_482, %swap3A_483], %add3A_480 {strides = array<i32>} : memref<1x128xi32, #tpu.memory_space<vmem>>, vector<16xi32>,
          %mul3A_485 = arith.constant 4 : i32
          %mul3A_486 = vector.broadcast %mul3A_485 : i32 to vector<16xi32>
          %mul3A_487 = arith.muli %gather3A_476, %mul3A_486 : vector<16xi32>
          %add3A_488 = arith.addi %mul3A_487, %sub3A_30 : vector<16xi32>
          %swap3A_489 = arith.constant 0 : i32
          %swap3A_490 = arith.index_cast %swap3A_489 : i32 to index
          %swap3A_491 = arith.constant 80 : index
          %swap3A_492 = tpu.vector_load %arg14[%swap3A_490, %swap3A_491] {strides = array<i32>} : memref<1x128xi32, #tpu.memory_space<vmem>>, vector<16xi32>,
          tpu.vector_store %arg14[%swap3A_490, %swap3A_491], %add3A_488 {strides = array<i32>} : memref<1x128xi32, #tpu.memory_space<vmem>>, vector<16xi32>,
          %add3A_493 = arith.constant 24 : i32
          %add3A_494 = vector.broadcast %add3A_493 : i32 to vector<16xi32>
          %add3A_495 = arith.addi %add3A_494, %select_n3A : vector<16xi32>
          %gather3A_496 = tpu.vector_load_idx %arg9[%add3A_366, %add3A_495] : memref<66x32xi32, #tpu.memory_space<vmem>>[vector<16xi32>, vector<16xi32>], vector<16xi32>,
          %gather3A_497 = tpu.vector_load_idx %arg10[%add3A_366, %add3A_495] : memref<66x32xi32, #tpu.memory_space<vmem>>[vector<16xi32>, vector<16xi32>], vector<16xi32>,
          %mul3A_498 = arith.constant 4 : i32
          %mul3A_499 = vector.broadcast %mul3A_498 : i32 to vector<16xi32>
          %mul3A_500 = arith.muli %gather3A_496, %mul3A_499 : vector<16xi32>
          %add3A_501 = arith.addi %mul3A_500, %sub3A_30 : vector<16xi32>
          %swap3A_502 = arith.constant 0 : i32
          %swap3A_503 = arith.index_cast %swap3A_502 : i32 to index
          %swap3A_504 = arith.constant 96 : index
          %swap3A_505 = tpu.vector_load %arg12[%swap3A_503, %swap3A_504] {strides = array<i32>} : memref<1x128xi32, #tpu.memory_space<vmem>>, vector<16xi32>,
          tpu.vector_store %arg12[%swap3A_503, %swap3A_504], %add3A_501 {strides = array<i32>} : memref<1x128xi32, #tpu.memory_space<vmem>>, vector<16xi32>,
          %mul3A_506 = arith.constant 4 : i32
          %mul3A_507 = vector.broadcast %mul3A_506 : i32 to vector<16xi32>
          %mul3A_508 = arith.muli %gather3A_497, %mul3A_507 : vector<16xi32>
          %add3A_509 = arith.addi %mul3A_508, %sub3A_30 : vector<16xi32>
          %swap3A_510 = arith.constant 0 : i32
          %swap3A_511 = arith.index_cast %swap3A_510 : i32 to index
          %swap3A_512 = arith.constant 96 : index
          %swap3A_513 = tpu.vector_load %arg14[%swap3A_511, %swap3A_512] {strides = array<i32>} : memref<1x128xi32, #tpu.memory_space<vmem>>, vector<16xi32>,
          tpu.vector_store %arg14[%swap3A_511, %swap3A_512], %add3A_509 {strides = array<i32>} : memref<1x128xi32, #tpu.memory_space<vmem>>, vector<16xi32>,
          %add3A_514 = arith.constant 28 : i32
          %add3A_515 = vector.broadcast %add3A_514 : i32 to vector<16xi32>
          %add3A_516 = arith.addi %add3A_515, %select_n3A : vector<16xi32>
          %gather3A_517 = tpu.vector_load_idx %arg9[%add3A_366, %add3A_516] : memref<66x32xi32, #tpu.memory_space<vmem>>[vector<16xi32>, vector<16xi32>], vector<16xi32>,
          %gather3A_518 = tpu.vector_load_idx %arg10[%add3A_366, %add3A_516] : memref<66x32xi32, #tpu.memory_space<vmem>>[vector<16xi32>, vector<16xi32>], vector<16xi32>,
          %mul3A_519 = arith.constant 4 : i32
          %mul3A_520 = vector.broadcast %mul3A_519 : i32 to vector<16xi32>
          %mul3A_521 = arith.muli %gather3A_517, %mul3A_520 : vector<16xi32>
          %add3A_522 = arith.addi %mul3A_521, %sub3A_30 : vector<16xi32>
          %swap3A_523 = arith.constant 0 : i32
          %swap3A_524 = arith.index_cast %swap3A_523 : i32 to index
          %swap3A_525 = arith.constant 112 : index
          %swap3A_526 = tpu.vector_load %arg12[%swap3A_524, %swap3A_525] {strides = array<i32>} : memref<1x128xi32, #tpu.memory_space<vmem>>, vector<16xi32>,
          tpu.vector_store %arg12[%swap3A_524, %swap3A_525], %add3A_522 {strides = array<i32>} : memref<1x128xi32, #tpu.memory_space<vmem>>, vector<16xi32>,
          %mul3A_527 = arith.constant 4 : i32
          %mul3A_528 = vector.broadcast %mul3A_527 : i32 to vector<16xi32>
          %mul3A_529 = arith.muli %gather3A_518, %mul3A_528 : vector<16xi32>
          %add3A_530 = arith.addi %mul3A_529, %sub3A_30 : vector<16xi32>
          %swap3A_531 = arith.constant 0 : i32
          %swap3A_532 = arith.index_cast %swap3A_531 : i32 to index
          %swap3A_533 = arith.constant 112 : index
          %swap3A_534 = tpu.vector_load %arg14[%swap3A_532, %swap3A_533] {strides = array<i32>} : memref<1x128xi32, #tpu.memory_space<vmem>>, vector<16xi32>,
          tpu.vector_store %arg14[%swap3A_532, %swap3A_533], %add3A_530 {strides = array<i32>} : memref<1x128xi32, #tpu.memory_space<vmem>>, vector<16xi32>,
          %dma_start3A_535 = arith.constant 0 : i32
          %dma_start3A_536 = arith.constant 0 : i32
          %dma_start3A_537 = tpu.memref_slice %arg12[%dma_start3A_535, %dma_start3A_536] : memref<1x128xi32, #tpu.memory_space<vmem>> -> memref<1x128xi32, #tpu.memory_space<vmem>>
          %dma_start3A_538 = tpu.memref_squeeze %dma_start3A_537 : memref<1x128xi32, #tpu.memory_space<vmem>> -> memref<128xi32, #tpu.memory_space<vmem>>
          %dma_start3A_539 = arith.constant 0 : i32
          %dma_start3A_540 = arith.constant 0 : i32
          %dma_start3A_541 = tpu.memref_slice %arg2[%dma_start3A_539, %dma_start3A_540] : memref<200704x128xf32, #tpu.memory_space<hbm>> -> memref<200704x128xf32, #tpu.memory_space<hbm>>
          tpu.enqueue_indirect_dma source(%dma_start3A_541 : memref<200704x128xf32, #tpu.memory_space<hbm>>) target(%arg16 : memref<128x128xf32, #tpu.memory_space<vmem>>) offsets(%dma_start3A_538 : memref<128xi32, #tpu.memory_space<vmem>>) semaphore(%arg19 : memref<!tpu.dma_semaphore, #tpu.memory_space<semaphore_mem>>)
          %dma_wait3A = arith.constant 0 : i32
          %dma_wait3A_542 = arith.constant 0 : i32
          %dma_wait3A_543 = tpu.memref_slice %arg11[%dma_wait3A, %dma_wait3A_542] : memref<1x128xi32, #tpu.memory_space<vmem>> -> memref<1x128xi32, #tpu.memory_space<vmem>>
          %dma_wait3A_544 = tpu.memref_squeeze %dma_wait3A_543 : memref<1x128xi32, #tpu.memory_space<vmem>> -> memref<128xi32, #tpu.memory_space<vmem>>
          %dma_wait3A_545 = arith.constant 0 : i32
          %dma_wait3A_546 = arith.constant 0 : i32
          %dma_wait3A_547 = tpu.memref_slice %arg2[%dma_wait3A_545, %dma_wait3A_546] : memref<200704x128xf32, #tpu.memory_space<hbm>> -> memref<200704x128xf32, #tpu.memory_space<hbm>>
          tpu.wait_indirect_dma semaphore(%arg18 : memref<!tpu.dma_semaphore, #tpu.memory_space<semaphore_mem>>) src(%dma_wait3A_547 : memref<200704x128xf32, #tpu.memory_space<hbm>>) dst(%arg15 : memref<128x128xf32, #tpu.memory_space<vmem>>)
          %dma_start3A_548 = arith.constant 0 : i32
          %dma_start3A_549 = arith.constant 0 : i32
          %dma_start3A_550 = tpu.memref_slice %arg13[%dma_start3A_548, %dma_start3A_549] : memref<1x128xi32, #tpu.memory_space<vmem>> -> memref<1x128xi32, #tpu.memory_space<vmem>>
          %dma_start3A_551 = tpu.memref_squeeze %dma_start3A_550 : memref<1x128xi32, #tpu.memory_space<vmem>> -> memref<128xi32, #tpu.memory_space<vmem>>
          %dma_start3A_552 = arith.constant 0 : i32
          %dma_start3A_553 = arith.constant 0 : i32
          %dma_start3A_554 = tpu.memref_slice %arg17[%dma_start3A_552, %dma_start3A_553] : memref<9344x128xf32, #tpu.memory_space<vmem_shared>> -> memref<9344x128xf32, #tpu.memory_space<vmem_shared>>
          tpu.enqueue_indirect_dma source(%arg15 : memref<128x128xf32, #tpu.memory_space<vmem>>) target(%dma_start3A_554 : memref<9344x128xf32, #tpu.memory_space<vmem_shared>>) offsets(%dma_start3A_551 : memref<128xi32, #tpu.memory_space<vmem>>) semaphore(%arg20 : memref<!tpu.dma_semaphore, #tpu.memory_space<semaphore_mem>>) {add = true}
          %dma_wait3A_555 = arith.constant 0 : i32
          %dma_wait3A_556 = arith.constant 0 : i32
          %dma_wait3A_557 = tpu.memref_slice %arg12[%dma_wait3A_555, %dma_wait3A_556] : memref<1x128xi32, #tpu.memory_space<vmem>> -> memref<1x128xi32, #tpu.memory_space<vmem>>
          %dma_wait3A_558 = tpu.memref_squeeze %dma_wait3A_557 : memref<1x128xi32, #tpu.memory_space<vmem>> -> memref<128xi32, #tpu.memory_space<vmem>>
          %dma_wait3A_559 = arith.constant 0 : i32
          %dma_wait3A_560 = arith.constant 0 : i32
          %dma_wait3A_561 = tpu.memref_slice %arg2[%dma_wait3A_559, %dma_wait3A_560] : memref<200704x128xf32, #tpu.memory_space<hbm>> -> memref<200704x128xf32, #tpu.memory_space<hbm>>
          tpu.wait_indirect_dma semaphore(%arg19 : memref<!tpu.dma_semaphore, #tpu.memory_space<semaphore_mem>>) src(%dma_wait3A_561 : memref<200704x128xf32, #tpu.memory_space<hbm>>) dst(%arg16 : memref<128x128xf32, #tpu.memory_space<vmem>>)
          %add3A_562 = arith.constant 1 : i32
          %add3A_563 = arith.addi %mul3A_184, %add3A_562 : i32
          %dma_start3A_564 = arith.constant 0 : i32
          %dma_start3A_565 = arith.constant 0 : i32
          %dma_start3A_566 = tpu.memref_slice %arg14[%dma_start3A_564, %dma_start3A_565] : memref<1x128xi32, #tpu.memory_space<vmem>> -> memref<1x128xi32, #tpu.memory_space<vmem>>
          %dma_start3A_567 = tpu.memref_squeeze %dma_start3A_566 : memref<1x128xi32, #tpu.memory_space<vmem>> -> memref<128xi32, #tpu.memory_space<vmem>>
          %dma_start3A_568 = arith.constant 0 : i32
          %dma_start3A_569 = arith.constant 0 : i32
          %dma_start3A_570 = tpu.memref_slice %arg17[%dma_start3A_568, %dma_start3A_569] : memref<9344x128xf32, #tpu.memory_space<vmem_shared>> -> memref<9344x128xf32, #tpu.memory_space<vmem_shared>>
          tpu.enqueue_indirect_dma source(%arg16 : memref<128x128xf32, #tpu.memory_space<vmem>>) target(%dma_start3A_570 : memref<9344x128xf32, #tpu.memory_space<vmem_shared>>) offsets(%dma_start3A_567 : memref<128xi32, #tpu.memory_space<vmem>>) semaphore(%arg21 : memref<!tpu.dma_semaphore, #tpu.memory_space<semaphore_mem>>) {add = true}
          %dma_wait3A_571 = arith.constant 0 : i32
          %dma_wait3A_572 = arith.constant 0 : i32
          %dma_wait3A_573 = tpu.memref_slice %arg13[%dma_wait3A_571, %dma_wait3A_572] : memref<1x128xi32, #tpu.memory_space<vmem>> -> memref<1x128xi32, #tpu.memory_space<vmem>>
          %dma_wait3A_574 = tpu.memref_squeeze %dma_wait3A_573 : memref<1x128xi32, #tpu.memory_space<vmem>> -> memref<128xi32, #tpu.memory_space<vmem>>
          %dma_wait3A_575 = arith.constant 0 : i32
          %dma_wait3A_576 = arith.constant 0 : i32
          %dma_wait3A_577 = tpu.memref_slice %arg17[%dma_wait3A_575, %dma_wait3A_576] : memref<9344x128xf32, #tpu.memory_space<vmem_shared>> -> memref<9344x128xf32, #tpu.memory_space<vmem_shared>>
          tpu.wait_indirect_dma semaphore(%arg20 : memref<!tpu.dma_semaphore, #tpu.memory_space<semaphore_mem>>) src(%arg15 : memref<128x128xf32, #tpu.memory_space<vmem>>) dst(%dma_wait3A_577 : memref<9344x128xf32, #tpu.memory_space<vmem_shared>>)
          %dma_wait3A_578 = arith.constant 0 : i32
          %dma_wait3A_579 = arith.constant 0 : i32
          %dma_wait3A_580 = tpu.memref_slice %arg14[%dma_wait3A_578, %dma_wait3A_579] : memref<1x128xi32, #tpu.memory_space<vmem>> -> memref<1x128xi32, #tpu.memory_space<vmem>>
          %dma_wait3A_581 = tpu.memref_squeeze %dma_wait3A_580 : memref<1x128xi32, #tpu.memory_space<vmem>> -> memref<128xi32, #tpu.memory_space<vmem>>
          %dma_wait3A_582 = arith.constant 0 : i32
          %dma_wait3A_583 = arith.constant 0 : i32
          %dma_wait3A_584 = tpu.memref_slice %arg17[%dma_wait3A_582, %dma_wait3A_583] : memref<9344x128xf32, #tpu.memory_space<vmem_shared>> -> memref<9344x128xf32, #tpu.memory_space<vmem_shared>>
          tpu.wait_indirect_dma semaphore(%arg21 : memref<!tpu.dma_semaphore, #tpu.memory_space<semaphore_mem>>) src(%arg16 : memref<128x128xf32, #tpu.memory_space<vmem>>) dst(%dma_wait3A_584 : memref<9344x128xf32, #tpu.memory_space<vmem_shared>>)
        }
      }
      %scan3A_48 = arith.constant 25 : i32
      %barrier3A_49 = arith.constant 0 : index
      tpu.barrier barrier_id(%barrier3A_49)
      %mul3A_50 = arith.constant 4 : i32
      %mul3A_51 = arith.muli %mul3A_2, %mul3A_50 : i32
      %add3A_52 = arith.addi %mul3A_40, %mul3A_2 : i32
      %mul3A_53 = arith.constant 4 : i32
      %mul3A_54 = arith.muli %add3A_52, %mul3A_53 : i32
      "tpu.region"() ({
        %run_scoped3A = tpu.sem_alloc : memref<!tpu.dma_semaphore, #tpu.memory_space<semaphore_mem>>
        %dma_start3A = arith.constant 0 : i32
        %dma_start3A_55 = tpu.memref_slice %arg6[%mul3A_54, %dma_start3A] : memref<202752x128xf32, #tpu.memory_space<hbm>> -> memref<576x128xf32, #tpu.memory_space<hbm>>
        %dma_start3A_56 = arith.constant 0 : i32
        %dma_start3A_57 = tpu.memref_slice %arg17[%mul3A_51, %dma_start3A_56] : memref<9344x128xf32, #tpu.memory_space<vmem_shared>> -> memref<576x128xf32, #tpu.memory_space<vmem_shared>>
        tpu.enqueue_dma source(%dma_start3A_57 : memref<576x128xf32, #tpu.memory_space<vmem_shared>>) target(%dma_start3A_55 : memref<576x128xf32, #tpu.memory_space<hbm>>) target_semaphore(%run_scoped3A : memref<!tpu.dma_semaphore, #tpu.memory_space<semaphore_mem>>)
        %dma_wait3A = arith.constant 0 : i32
        %dma_wait3A_58 = tpu.memref_slice %arg6[%mul3A_54, %dma_wait3A] : memref<202752x128xf32, #tpu.memory_space<hbm>> -> memref<576x128xf32, #tpu.memory_space<hbm>>
        %dma_wait3A_59 = arith.constant 0 : i32
        %dma_wait3A_60 = tpu.memref_slice %arg17[%mul3A_51, %dma_wait3A_59] : memref<9344x128xf32, #tpu.memory_space<vmem_shared>> -> memref<576x128xf32, #tpu.memory_space<vmem_shared>>
        tpu.wait_dma2 semaphore(%run_scoped3A : memref<!tpu.dma_semaphore, #tpu.memory_space<semaphore_mem>>) src(%dma_wait3A_60 : memref<576x128xf32, #tpu.memory_space<vmem_shared>>) dst(%dma_wait3A_58 : memref<576x128xf32, #tpu.memory_space<hbm>>)
        tpu.yield
      }) : () -> ()
    }
    %scan3A_35 = arith.constant 11 : i32
    return
  }
}

module attributes {stable_mosaic.version = 14 : i64} {
  func.func @_mm_body(%arg0: i32, %arg1: memref<512x1536xf32, #tpu.memory_space<vmem>>, %arg2: memref<1536x512xf32, #tpu.memory_space<vmem>>, %arg3: memref<2048x128xf32, #tpu.memory_space<vmem>>) attributes {dimension_semantics = [#tpu.dimension_semantics<arbitrary>], iteration_bounds = array<i64: 98>, scalar_prefetch = 0 : i64, scratch_operands = 0 : i64, tpu.core_type = #tpu.core_type<tc>, window_params = [{transform_indices = @transform_0, window_bounds = array<i64: 512, 1536>}, {pipeline_mode = #tpu.pipeline_mode<synchronous>, transform_indices = @transform_1, window_bounds = array<i64: 1536, 512>}, {transform_indices = @transform_2, window_bounds = array<i64: 2048, 128>}]} {
    %get3A = arith.constant 0 : index
    %get3A_0 = arith.constant 0 : index
    %get3A_1 = vector.load %arg1[%get3A, %get3A_0] : memref<512x1536xf32, #tpu.memory_space<vmem>>, vector<512x1536xf32>
    %get3A_2 = arith.constant 0 : index
    %get3A_3 = arith.constant 0 : index
    %get3A_4 = vector.load %arg2[%get3A_2, %get3A_3] : memref<1536x512xf32, #tpu.memory_space<vmem>>, vector<1536x512xf32>
    %dot_general3A = arith.constant dense<0.000000e+00> : vector<512x512xf32>
    %dot_general3A_5 = tpu.matmul %get3A_1, %get3A_4, %dot_general3A {dimension_numbers = #tpu.dot_dimension_numbers<[1], [0], [0], [1], [0, 0, 1, 1], [], []>, transpose_lhs_hint = false} : vector<512x1536xf32>, vector<1536x512xf32>, vector<512x512xf32> -> vector<512x512xf32>
    %reshape3A = vector.shape_cast %dot_general3A_5 : vector<512x512xf32> to vector<2048x128xf32>
    %swap3A = arith.constant 0 : index
    %swap3A_6 = arith.constant 0 : index
    %swap3A_7 = vector.load %arg3[%swap3A, %swap3A_6] : memref<2048x128xf32, #tpu.memory_space<vmem>>, vector<2048x128xf32>
    tpu.vector_store %arg3[%swap3A, %swap3A_6], %reshape3A {strides = array<i32>} : memref<2048x128xf32, #tpu.memory_space<vmem>>, vector<2048x128xf32>,
    return
  }
  func.func @transform_0(%arg0: i32) -> (i32, i32) {
    %c0_i32 = arith.constant 0 : i32
    %c0_i32_0 = arith.constant 0 : i32
    return %arg0, %c0_i32 : i32, i32
  }
  func.func @transform_1(%arg0: i32) -> (i32, i32) {
    %c0_i32 = arith.constant 0 : i32
    %c0_i32_0 = arith.constant 0 : i32
    %c0_i32_1 = arith.constant 0 : i32
    return %c0_i32, %c0_i32_0 : i32, i32
  }
  func.func @transform_2(%arg0: i32) -> (i32, i32) {
    %c0_i32 = arith.constant 0 : i32
    %c0_i32_0 = arith.constant 0 : i32
    return %arg0, %c0_i32 : i32, i32
  }
}

module attributes {stable_mosaic.version = 14 : i64} {
  func.func @_l2_body(%arg0: i32, %arg1: memref<2048x128xf32, #tpu.memory_space<vmem>>, %arg2: memref<1x512xf32, #tpu.memory_space<vmem>>, %arg3: memref<512x128xf32, #tpu.memory_space<vmem>>, %arg4: memref<512x128xf32, #tpu.memory_space<vmem>>) attributes {dimension_semantics = [#tpu.dimension_semantics<arbitrary>], iteration_bounds = array<i64: 99>, scalar_prefetch = 0 : i64, scratch_operands = 0 : i64, tpu.core_type = #tpu.core_type<tc>, window_params = [{transform_indices = @transform_0, window_bounds = array<i64: 2048, 128>}, {pipeline_mode = #tpu.pipeline_mode<synchronous>, transform_indices = @transform_1, window_bounds = array<i64: 1, 512>}, {pipeline_mode = #tpu.pipeline_mode<synchronous>, transform_indices = @transform_2, window_bounds = array<i64: 512, 128>}, {transform_indices = @transform_3, window_bounds = array<i64: 512, 128>}]} {
    %get3A = arith.constant 0 : index
    %get3A_0 = arith.constant 0 : index
    %get3A_1 = vector.load %arg1[%get3A, %get3A_0] : memref<2048x128xf32, #tpu.memory_space<vmem>>, vector<2048x128xf32>
    %reshape3A = vector.shape_cast %get3A_1 : vector<2048x128xf32> to vector<512x512xf32>
    %get3A_2 = arith.constant 0 : index
    %get3A_3 = arith.constant 0 : index
    %get3A_4 = vector.load %arg2[%get3A_2, %get3A_3] : memref<1x512xf32, #tpu.memory_space<vmem>>, vector<1x512xf32>
    %add3A = vector.broadcast %get3A_4 : vector<1x512xf32> to vector<512x512xf32>
    %add3A_5 = arith.addf %reshape3A, %add3A : vector<512x512xf32>
    %max3A = arith.constant 0.000000e+00 : f32
    %max3A_6 = vector.broadcast %max3A : f32 to vector<512x512xf32>
    %max3A_7 = arith.maximumf %add3A_5, %max3A_6 : vector<512x512xf32>
    %get3A_8 = arith.constant 0 : index
    %get3A_9 = arith.constant 0 : index
    %get3A_10 = vector.load %arg3[%get3A_8, %get3A_9] : memref<512x128xf32, #tpu.memory_space<vmem>>, vector<512x128xf32>
    %dot_general3A = arith.constant dense<0.000000e+00> : vector<512x128xf32>
    %dot_general3A_11 = tpu.matmul %max3A_7, %get3A_10, %dot_general3A {dimension_numbers = #tpu.dot_dimension_numbers<[1], [0], [0], [1], [0, 0, 1, 1], [], []>, transpose_lhs_hint = false} : vector<512x512xf32>, vector<512x128xf32>, vector<512x128xf32> -> vector<512x128xf32>
    %swap3A = arith.constant 0 : index
    %swap3A_12 = arith.constant 0 : index
    %swap3A_13 = vector.load %arg4[%swap3A, %swap3A_12] : memref<512x128xf32, #tpu.memory_space<vmem>>, vector<512x128xf32>
    tpu.vector_store %arg4[%swap3A, %swap3A_12], %dot_general3A_11 {strides = array<i32>} : memref<512x128xf32, #tpu.memory_space<vmem>>, vector<512x128xf32>,
    return
  }
  func.func @transform_0(%arg0: i32) -> (i32, i32) {
    %c0_i32 = arith.constant 0 : i32
    %c0_i32_0 = arith.constant 0 : i32
    return %arg0, %c0_i32 : i32, i32
  }
  func.func @transform_1(%arg0: i32) -> (i32, i32) {
    %c0_i32 = arith.constant 0 : i32
    %c0_i32_0 = arith.constant 0 : i32
    %c0_i32_1 = arith.constant 0 : i32
    return %c0_i32, %c0_i32_0 : i32, i32
  }
  func.func @transform_2(%arg0: i32) -> (i32, i32) {
    %c0_i32 = arith.constant 0 : i32
    %c0_i32_0 = arith.constant 0 : i32
    %c0_i32_1 = arith.constant 0 : i32
    return %c0_i32, %c0_i32_0 : i32, i32
  }
  func.func @transform_3(%arg0: i32) -> (i32, i32) {
    %c0_i32 = arith.constant 0 : i32
    %c0_i32_0 = arith.constant 0 : i32
    return %arg0, %c0_i32 : i32, i32
  }
}

module attributes {stable_mosaic.version = 14 : i64} {
  func.func @_vote_body(%arg0: i32, %arg1: memref<512x128xf32, #tpu.memory_space<vmem>>, %arg2: memref<1x128xf32, #tpu.memory_space<vmem>>, %arg3: memref<512x2xf32, #tpu.memory_space<vmem>>) attributes {dimension_semantics = [#tpu.dimension_semantics<arbitrary>], iteration_bounds = array<i64: 98>, scalar_prefetch = 0 : i64, scratch_operands = 0 : i64, tpu.core_type = #tpu.core_type<tc>, window_params = [{transform_indices = @transform_0, window_bounds = array<i64: 512, 128>}, {pipeline_mode = #tpu.pipeline_mode<synchronous>, transform_indices = @transform_1, window_bounds = array<i64: 1, 128>}, {transform_indices = @transform_2, window_bounds = array<i64: 512, 2>}]} {
    %get3A = arith.constant 0 : index
    %get3A_0 = arith.constant 0 : index
    %get3A_1 = vector.load %arg1[%get3A, %get3A_0] : memref<512x128xf32, #tpu.memory_space<vmem>>, vector<512x128xf32>
    %get3A_2 = arith.constant 0 : index
    %get3A_3 = arith.constant 0 : index
    %get3A_4 = vector.load %arg2[%get3A_2, %get3A_3] : memref<1x128xf32, #tpu.memory_space<vmem>>, vector<1x128xf32>
    %add3A = vector.broadcast %get3A_4 : vector<1x128xf32> to vector<512x128xf32>
    %add3A_5 = arith.addf %get3A_1, %add3A : vector<512x128xf32>
    %slice3A = vector.extract_strided_slice %add3A_5 {offsets = [0, 0], sizes = [512, 1], strides = [1, 1]} : vector<512x128xf32> to vector<512x1xf32>
    %slice3A_6 = vector.extract_strided_slice %add3A_5 {offsets = [0, 1], sizes = [512, 1], strides = [1, 1]} : vector<512x128xf32> to vector<512x1xf32>
    %slice3A_7 = vector.extract_strided_slice %add3A_5 {offsets = [0, 2], sizes = [512, 1], strides = [1, 1]} : vector<512x128xf32> to vector<512x1xf32>
    %slice3A_8 = vector.extract_strided_slice %add3A_5 {offsets = [0, 3], sizes = [512, 1], strides = [1, 1]} : vector<512x128xf32> to vector<512x1xf32>
    %sub3A = arith.subf %slice3A, %slice3A_6 : vector<512x1xf32>
    %logistic3A = arith.negf %sub3A : vector<512x1xf32>
    %logistic3A_9 = math.exp %logistic3A : vector<512x1xf32>
    %logistic3A_10 = arith.constant 1.000000e+00 : f32
    %logistic3A_11 = vector.broadcast %logistic3A_10 : f32 to vector<512x1xf32>
    %logistic3A_12 = arith.addf %logistic3A_11, %logistic3A_9 : vector<512x1xf32>
    %logistic3A_13 = arith.divf %logistic3A_11, %logistic3A_12 : vector<512x1xf32>
    %sub3A_14 = arith.subf %slice3A_7, %slice3A_8 : vector<512x1xf32>
    %logistic3A_15 = arith.negf %sub3A_14 : vector<512x1xf32>
    %logistic3A_16 = math.exp %logistic3A_15 : vector<512x1xf32>
    %logistic3A_17 = arith.constant 1.000000e+00 : f32
    %logistic3A_18 = vector.broadcast %logistic3A_17 : f32 to vector<512x1xf32>
    %logistic3A_19 = arith.addf %logistic3A_18, %logistic3A_16 : vector<512x1xf32>
    %logistic3A_20 = arith.divf %logistic3A_18, %logistic3A_19 : vector<512x1xf32>
    %add3A_21 = arith.addf %logistic3A_13, %logistic3A_20 : vector<512x1xf32>
    %sub3A_22 = arith.subf %slice3A_6, %slice3A : vector<512x1xf32>
    %logistic3A_23 = arith.negf %sub3A_22 : vector<512x1xf32>
    %logistic3A_24 = math.exp %logistic3A_23 : vector<512x1xf32>
    %logistic3A_25 = arith.constant 1.000000e+00 : f32
    %logistic3A_26 = vector.broadcast %logistic3A_25 : f32 to vector<512x1xf32>
    %logistic3A_27 = arith.addf %logistic3A_26, %logistic3A_24 : vector<512x1xf32>
    %logistic3A_28 = arith.divf %logistic3A_26, %logistic3A_27 : vector<512x1xf32>
    %sub3A_29 = arith.subf %slice3A_8, %slice3A_7 : vector<512x1xf32>
    %logistic3A_30 = arith.negf %sub3A_29 : vector<512x1xf32>
    %logistic3A_31 = math.exp %logistic3A_30 : vector<512x1xf32>
    %logistic3A_32 = arith.constant 1.000000e+00 : f32
    %logistic3A_33 = vector.broadcast %logistic3A_32 : f32 to vector<512x1xf32>
    %logistic3A_34 = arith.addf %logistic3A_33, %logistic3A_31 : vector<512x1xf32>
    %logistic3A_35 = arith.divf %logistic3A_33, %logistic3A_34 : vector<512x1xf32>
    %add3A_36 = arith.addf %logistic3A_28, %logistic3A_35 : vector<512x1xf32>
    %concatenate3A = tpu.concatenate %add3A_21, %add3A_36 in 1 : vector<512x1xf32>, vector<512x1xf32> -> vector<512x2xf32>
    %mul3A = arith.constant 5.000000e-01 : f32
    %mul3A_37 = vector.broadcast %mul3A : f32 to vector<512x2xf32>
    %mul3A_38 = arith.mulf %mul3A_37, %concatenate3A : vector<512x2xf32>
    %swap3A = arith.constant 0 : index
    %swap3A_39 = arith.constant 0 : index
    %swap3A_40 = vector.load %arg3[%swap3A, %swap3A_39] : memref<512x2xf32, #tpu.memory_space<vmem>>, vector<512x2xf32>
    tpu.vector_store %arg3[%swap3A, %swap3A_39], %mul3A_38 {strides = array<i32>} : memref<512x2xf32, #tpu.memory_space<vmem>>, vector<512x2xf32>,
    return
  }
  func.func @transform_0(%arg0: i32) -> (i32, i32) {
    %c0_i32 = arith.constant 0 : i32
    %c0_i32_0 = arith.constant 0 : i32
    return %arg0, %c0_i32 : i32, i32
  }
  func.func @transform_1(%arg0: i32) -> (i32, i32) {
    %c0_i32 = arith.constant 0 : i32
    %c0_i32_0 = arith.constant 0 : i32
    %c0_i32_1 = arith.constant 0 : i32
    return %c0_i32, %c0_i32_0 : i32, i32
  }
  func.func @transform_2(%arg0: i32) -> (i32, i32) {
    %c0_i32 = arith.constant 0 : i32
    %c0_i32_0 = arith.constant 0 : i32
    return %arg0, %c0_i32 : i32, i32
  }
}

</mosaic_0001>

<sc_bundles>
// kernel: kernel.10.cloned.1.call-start
scs
__scs_entry_jumppad:
0x0: {  	(pc) =	sbr.rel $0x88, $3  }
0x1: {  	(tag) =	ssettag $0x0;
	lr =	simm.s32 $0x1  }
0x2: {  	[smem:$0x3F97] =	sst lr;
	_ =	strace $0xD0000000  }
0x3: {  	_ = 	snop  }
0x4: {  	_ = 	snop  }
0x5: {  	_ = 	snop  }
0x6: {  	_ = 	snop  }
0x7: {  	_ = 	snop  }
__scs_overlays_trampoline_lowered:
0x8: {  	[smem:$0x3FA6] =	sst s0  }
0x9: {  	[smem:$0x3FA7] =	sst s1  }
0xa: {  	[smem:$0x3FA8] =	sst s2  }
0xb: {  	[smem:$0x3FA9] =	sst s3  }
0xc: {  	[smem:$0x3FAA] =	sst s4  }
0xd: {  	[smem:$0x3FAB] =	sst s5  }
0xe: {  	[smem:$0x3FAC] =	sst s6  }
0xf: {  	[smem:$0x3FAD] =	sst s7  }
0x10: {  	[smem:$0x3FAE] =	sst s8  }
0x11: {  	[smem:$0x3FAF] =	sst s9;
	s0 =	simm.s32 @!p0 $0x0  }
0x12: {  	s1 =	sld [smem:$0x3F95];
	s0 =	simm.s32 @p0 $0x1  }
0x13: {  	[smem:$0x3FB0] =	sst s0;
	s0 =	simm.s32 @!p1 $0x0  }
0x14: {  	s2 =	sld [smem:$0x3F94];
	s0 =	simm.s32 @p1 $0x1  }
0x15: {  	[smem:$0x3FB1] =	sst s0;
	s0 =	simm.s32 @!p2 $0x0  }
0x16: {  	s3 =	sld [smem:$0x3FDB];
	s0 =	simm.s32 @p2 $0x1  }
0x17: {  	s4 =	simm.s32 $0x1BF5;
	[smem:$0x3FB3] =	sst s0  }
0x18: {  	s0 =	sld [smem:$0x3F96];
	_ =	swait.ge [sflag:s4], $0x0  }
0x19: {  	s7 =	sld [smem:$0x3F97]  }
0x1a: {  	s8 =	sadd.s32 $0xFFFFE003, lr  }
0x1b: {  	s9 =	sadd.s32 $0xFFFFFEF7, lr;
	s5 =	simm.s32 $0xFFFFFFFF;
	p2 =	slt.u32 s8, $0xFFFFF086  }
0x1c: {  	p1 =	slt.u32 s9, $0xF7A;
	s5 =	simm.s32 @!p2 $0x0  }
0x1d: {  	s5 =	simm.s32 @p1 $0x1;
	p0 =	seq.s32 s7, s2  }
0x1e: {  	s7 =	smul.u32 @!p0 $0xF7A, s2;
	p2 =	seq.s32 @!p0 s5, $0x0  }
0x1f: {  	s9 =	smul.u32 $0xF7A, s1;
	s8 =	simm.s32 @!p0 $0x1BF5;
	p2 =	por !p2, p0  }
0x20: {  	[sflag:s8] =	ssyncset.s32 @!p0 $0xFFFFF086;
	s6 =	sadd.s32 @!p0 s3, s7;
	s7 =	simm.s32 @!p0 $0x108  }
0x21: {  	s3 =	sadd.s32 s3, s9;
	s6 =	sadd.s32 @!p0 $0x88, s6;
	s7 =	simm.s32 @p2 $0x1082  }
0x22: {  	[simem:s7], [sflag:s8] =	dma.local @!p0 [hbm:s6], $0xF7A  }
0x23: {  	s9 =	sor.u32 $0xD0000000, s2;
	s6 =	simm.s32 $0x108;
	_ =	swait.ge @!p0 [sflag:s8], $0x0  }
0x24: {  	s3 =	sadd.s32 $0x88, s3;
	s6 =	simm.s32 @!p1 $0x1082;
	[sflag:s4] =	ssyncset.s32 $0xFFFFF086  }
0x25: {  	[simem:s6], [sflag:s4] =	dma.local [hbm:s3], $0xF7A  }
0x26: {  	[smem:$0x3F97] =	sst s1;
	(tag) =	ssettag s2;
	_ =	strace s9  }
0x27: {  	s1 =	sld [smem:$0x3FA7]  }
0x28: {  	s2 =	sld [smem:$0x3FA8]  }
0x29: {  	s4 =	sld [smem:$0x3FAA]  }
0x2a: {  	p0 =	seq.s32 s5, $0x0;
	s5 =	sld [smem:$0x3FAB]  }
0x2b: {  	s6 =	sld [smem:$0x3FAC]  }
0x2c: {  	s7 =	sld [smem:$0x3FAD]  }
0x2d: {  	s3 =	simm.s32 $0x108;
	s8 =	sld [smem:$0x3FAE]  }
0x2e: {  	s3 =	simm.s32 @!p0 $0x1082;
	s9 =	sld [smem:$0x3FAF]  }
0x2f: {  	lr =	sadd.s32 s0, s3;
	s0 =	sld [smem:$0x3FA6]  }
0x30: {  	s3 =	sld [smem:$0x3FA9]  }
0x31: {  	[smem:$0x3FB2] =	sst s10  }
0x32: {  	s10 =	sld [smem:$0x3FB0];
	_ =	sdelay $0x3  }
0x33: {  	p0 =	seq.s32 s10, $0x1;
	s10 =	sld [smem:$0x3FB2];
	_ =	sdelay $0x3  }
0x34: {  	[smem:$0x3FB2] =	sst s10  }
0x35: {  	s10 =	sld [smem:$0x3FB1];
	_ =	sdelay $0x3  }
0x36: {  	p1 =	seq.s32 s10, $0x1;
	s10 =	sld [smem:$0x3FB2];
	_ =	sdelay $0x3  }
0x37: {  	[smem:$0x3FB2] =	sst s10  }
0x38: {  	s10 =	sld [smem:$0x3FB3]  }
0x39: {  	_ = 	snop;
	(pc) =	sbr.ind lr, $3  }
0x3a: {  	_ = 	snop  }
0x3b: {  	_ = 	snop  }
0x3c: {  	p2 =	seq.s32 s10, $0x1;
	s10 =	sld [smem:$0x3FB2]  }
0x3d: {  	_ =	shalt  }
0x3e: {  	_ =	shalt  }
0x3f: {  	_ =	shalt  }
0x40: {  	_ =	shalt  }
0x41: {  	_ =	shalt  }
0x42: {  	_ =	shalt  }
0x43: {  	_ =	shalt  }
0x44: {  	_ =	shalt  }
0x45: {  	_ =	shalt  }
0x46: {  	_ =	shalt  }
0x47: {  	_ =	shalt  }
0x48: {  	_ =	shalt  }
0x49: {  	_ =	shalt  }
0x4a: {  	_ =	shalt  }
0x4b: {  	_ =	shalt  }
0x4c: {  	_ =	shalt  }
0x4d: {  	_ =	shalt  }
0x4e: {  	_ =	shalt  }
0x4f: {  	_ =	shalt  }
0x50: {  	_ =	shalt  }
0x51: {  	_ =	shalt  }
0x52: {  	_ =	shalt  }
0x53: {  	_ =	shalt  }
0x54: {  	_ =	shalt  }
0x55: {  	_ =	shalt  }
0x56: {  	_ =	shalt  }
0x57: {  	_ =	shalt  }
0x58: {  	_ =	shalt  }
0x59: {  	_ =	shalt  }
0x5a: {  	_ =	shalt  }
0x5b: {  	_ =	shalt  }
0x5c: {  	_ =	shalt  }
0x5d: {  	_ =	shalt  }
0x5e: {  	_ =	shalt  }
0x5f: {  	_ =	shalt  }
0x60: {  	_ =	shalt  }
0x61: {  	_ =	shalt  }
0x62: {  	_ =	shalt  }
0x63: {  	_ =	shalt  }
0x64: {  	_ =	shalt  }
0x65: {  	_ =	shalt  }
0x66: {  	_ =	shalt  }
0x67: {  	_ =	shalt  }
0x68: {  	_ =	shalt  }
0x69: {  	_ =	shalt  }
0x6a: {  	_ =	shalt  }
0x6b: {  	_ =	shalt  }
0x6c: {  	_ =	shalt  }
0x6d: {  	_ =	shalt  }
0x6e: {  	_ =	shalt  }
0x6f: {  	_ =	shalt  }
0x70: {  	_ =	shalt  }
0x71: {  	_ =	shalt  }
0x72: {  	_ =	shalt  }
0x73: {  	_ =	shalt  }
0x74: {  	_ =	shalt  }
0x75: {  	_ =	shalt  }
0x76: {  	_ =	shalt  }
0x77: {  	_ =	shalt  }
0x78: {  	_ =	shalt  }
0x79: {  	_ =	shalt  }
0x7a: {  	_ =	shalt  }
0x7b: {  	_ =	shalt  }
0x7c: {  	_ =	shalt  }
0x7d: {  	_ =	shalt  }
0x7e: {  	_ =	shalt  }
0x7f: {  	_ =	shalt  }
0x80: {  	_ =	shalt  }
0x81: {  	_ =	shalt  }
0x82: {  	_ =	shalt  }
0x83: {  	_ =	shalt  }
0x84: {  	_ =	shalt  }
0x85: {  	_ =	shalt  }
0x86: {  	_ =	shalt  }
0x87: {  	_ =	shalt  }
.Lfunc_end0:
.L_simem_size_0:
called_computation.1_lowered:
.L_overlay_start_0:
0x88: {  	s2 =	sld [smem:$0x3FD9]  }
0x89: {  	s3 =	sld [smem:$0x3FFE];
	_ =	sdelay $0x1  }
0x8a: {  	s1 =	srdreg.scid  }
0x8b: {  	s0 =	sand.u32 $0x1, s1  }
0x8c: {  	s17 =	sshll.u32 s0, $0xA;
	s2 =	sadd.s32 s3, s2  }
0x8d: {  	s2 =	sadd.s32 s2, s17  }
0x8e: {  	[smem:$0x3FBE] =	sst s2  }
0x8f: {  	_ = 	snop  }
0x90: {  	s2 =	sld [smem:$0x3FD0];
	(tm) =	ssettm $0x1  }
0x91: {  	s18 =	sld [smem:$0x3FFB];
	_ =	sdelay $0x3  }
0x92: {  	_ =	strace s18  }
0x93: {  	s3 =	sld [smem:$0x3FFC];
	_ =	sdelay $0x3  }
0x94: {  	_ =	strace s3  }
0x95: {  	s3 =	sld [smem:$0x3FFD];
	_ =	sdelay $0x3  }
0x96: {  	_ =	strace s3  }
0x97: {  	_ =	strace $0x8FFFFFFF  }
0x98: {  	s19 =	sld [smem:$0x3FDB];
	_ =	sdelay $0x1  }
0x99: {  	s4 =	simm.s32 $_scs_section_size  }
0x9a: {  	s5 =	simm.s32 $_size__tile_overlayer_lowered;
	s6 =	simm.s32 $_tile_overlayer_lowered  }
0x9b: {  	s22 =	simm.s32 $0x1BFF;
	s21 =	sshll.u32 s6, $0x1;
	s3 =	sadd.s32 s4, s19  }
0x9c: {  	s7 =	simm.s32 $0x0;
	s20 =	sshll.u32 s5, $0x1;
	s5 =	sadd.s32 s21, s3  }
0x9d: {  	[timem:s7], [sflag:s22] =	dma.local [hbm:s5], s20  }
0x9e: {  	_ =	swait.ge [sflag:s22], s20  }
0x9f: {  	s4 =	ssub.s32 $0x0, s20;
	[sflag:s22] =	ssyncset.done $0x0  }
0xa0: {  	[sflag:s22] =	ssyncadd.s32 s4;
	_ =	sdelay $0x1  }
0xa1: {  	s23 =	simm.s32 $0x1B8B  }
0xa2: {  	_ =	swait.ge [sflag:s23], $0x1  }
0xa3: {  	[sflag:s23] =	ssyncset.done $0x0  }
0xa4: {  	s25 =	simm.s32 $0x1B8E;
	s24 =	sld [smem:$0x3FFE];
	[sflag:s23] =	ssyncadd.s32 $0xFFFFFFFF  }
0xa5: {  	s26 =	simm.s32 $execute0_lowered;
	[smem:$0x3FD2] =	sst s25  }
0xa6: {  	s5 =	sshll.u32 s26, $0x1;
	_ =	strace $0x80000049;
	[dreg:$0x1] =	wrdreg $0xFFFFFFFF  }
0xa7: {  	s28 =	simm.s32 $_size_execute0_lowered;
	s3 =	sadd.s32 s3, s5;
	[dreg:$0x0] =	wrdreg $0x0  }
0xa8: {  	s5 =	sshll.u32 s28, $0x1;
	[dreg:$0x2] =	wrdreg s3  }
0xa9: {  	[dreg:$0x3] =	wrdreg s5  }
0xaa: {  	[dreg:$0x4] =	wrdreg $0xC0  }
0xab: {  	_ =	task [dreg:s7], $0x5FFFF  }
0xac: {  	[dreg:$0x1] =	wrdreg $0xFFFFFFFF  }
0xad: {  	[dreg:$0x0] =	wrdreg $0x60  }
0xae: {  	[dreg:$0x2] =	wrdreg s24  }
0xaf: {  	[dreg:$0x3] =	wrdreg s2  }
0xb0: {  	[dreg:$0x4] =	wrdreg $0xA8000  }
0xb1: {  	[dreg:$0x5] =	wrdreg $0x9  }
0xb2: {  	_ =	task.clear_ibuf [dreg:s7], $0x6FFFF;
	_ =	strace $0x90000049  }
0xb3: {  	s29 =	simm.s32 $0x9;
	_ =	strace $0x8000004B  }
0xb4: {  	_ =	swait.ge [sflag:s29], $0x1  }
0xb5: {  	[sflag:s29] =	ssyncadd.s32 $0xFFFFFFFF  }
0xb6: {  	_ =	strace $0x9000004B  }
0xb7: {  	_ =	sfence  }
0xb8: {  	s30 =	sld [smem:$0x0];
	_ =	sdelay $0x2  }
0xb9: {  	s31 =	sshll.u32 s1, $0xD;
	s1 =	sshrl.u32 s1, $0x2  }
0xba: {  	s3 =	sand.u32 $0x4000, s31;
	s1 =	sadd.s32 s1, s30  }
0xbb: {  	s0 =	sor.u32 s3, s0;
	s1 =	sshll.u32 s1, $0x11  }
0xbc: {  	s0 =	sor.u32 s1, s0  }
0xbd: {  	s0 =	sadd.s32 $0x8F2B, s0  }
0xbe: {  	[sflag:s0] =	ssyncadd.remote.s32 $0x1  }
0xbf: {  	_ =	sfence.sel $0xFFFF  }
0xc0: {  	[dreg:$0x0] =	wrdreg $0xFFFFFFFF;
	(pc) =	sbr.abs _section_cstart, $3  }
0xc1: {  	[dreg:$0x1] =	wrdreg $0xFFFFFFFF  }
0xc2: {  	_ =	task.clear_ibuf [dreg:s7], $0x2FFFF;
	_ =	strace $0x9FFFFFFF  }
0xc3: {  	(tm) =	ssettm $0x7FFFFFFF  }
tec
execute0_lowered:
.L_overlay_start_1:
0x0: {  	(tag) =	ssettag $0x1  }
0x1: {  	s1 =	rddreg [dreg:$0x0]  }
0x2: {  	s2 =	rddreg [dreg:$0x1]  }
0x3: {  	s3 =	rddreg [dreg:$0x2];
	s4 =	simm.s32 $0x0;
	s0 =	srdreg.scid  }
0x4: {  	s13 =	stileid.u32;
	s15 =	simm.s32 $0x5;
	s16 =	simm.s32 $0x800  }
0x5: {  	s17 =	simm.s32 $0x1000;
	s18 =	simm.s32 $0x1C00;
	s19 =	simm.s32 $0x1  }
0x6: {  	s20 =	simm.s32 $0x80;
	s21 =	simm.s32 $0x2800;
	s22 =	simm.s32 $0x6800  }
0x7: {  	s23 =	simm.s32 $0x2;
	s24 =	simm.s32 $0x3;
	s25 =	simm.s32 $0x4  }
0x8: {  	s29 =	simm.s32 $0x0;
	[smem:$0x7FF] =	sst s4;
	s12 =	smul.u32 $0x42000, s13  }
0x9: {  	s6 =	sand.u32 $0x1, s0;
	s7 =	sadd.s32 $0x310000, s1;
	s10 =	smul.u32 $0xC800, s13  }
.Ltmp0:
0xa: {  	s8 =	sadd.s32 $0x329000, s1;
	s0 =	ssub.s32 $0x2, s6;
	(pc) =	sbr.rel .LBB2_1-.Ltmp0, $4  }
0xb: {  	s9 =	sadd.s32 $0xC6000, s1;
	s11 =	smul.u32 $0x210, s13;
	s5 =	sshrl.u32 s0, $0x1  }
0xc: {  	s31 =	sshll.u32 s13, $0x6;
	s30 =	sshrl.u32 s12, $0x2;
	s0 =	ssub.s32 s0, s5  }
0xd: {  	_ =	strace $0x8000004A;
	s5 =	sadd.s32 s30, s3;
	s0 =	smax.u32 s0, $0x1  }
0xe: {  	v0 =	vimm.s32 $0x0;
	v1 =	vlaneseq.u32;
	s12 =	sor.u32 $0x1C05, s31;
	s14 =	sshrl.u32 s5, $0x3;
	[dreg:$0x5] =	wrdreg s0  }
.LBB2_11:
0xf: {  	s4 =	rddreg [dreg:$0x4]  }
0x10: {  	s0 =	rddreg [dreg:$0x5];
	s4 =	sadd.s32 $0x1, s4  }
0x11: {  	p0 =	sne.s32 s4, s0  }
.Ltmp1:
0x12: {  	_ = 	snop;
	(pc) =	sbr.rel @!p0 .LBB2_12-.Ltmp1, $1  }
0x13: {  	_ =	sdelay $0x3  }
.LBB2_1:
.Ltmp2:
0x14: {  	(pc) =	sbr.rel .LBB2_2-.Ltmp2, $2  }
0x15: {  	_ =	sdelay $0x2  }
0x16: {  	[dreg:$0x4] =	wrdreg s4;
	s26 =	simm.s32 $0x0  }
.LBB2_10:
0x17: {  	s0 =	sadd.s32 s11, s28;
	s26 =	sadd.s32 $0x1, s26  }
0x18: {  	s0 =	sshll.u32 s0, $0x4;
	p0 =	sne.s32 s26, $0x3  }
.Ltmp3:
0x19: {  	[bflag:$0x0] =	sbarrier.arrive $0xFFFF;
	s0 =	sadd.s32 s9, s0;
	(pc) =	sbr.rel @!p0 .LBB2_11-.Ltmp3, $4  }
0x1a: {  	[hbm:s0], [sflag:s12] =	dma.local [spmem:s14], $0x2100  }
0x1b: {  	_ =	swait.ge [sflag:s15], $0x2100  }
0x1c: {  	[sflag:s15] =	ssyncset.done $0x0  }
0x1d: {  	[sflag:s15] =	ssyncadd.s32 $0xFFFFDF00  }
.LBB2_2:
0x1e: {  	[spmem:s14], [sflag:s12] =	dma.local [hbm:s2], $0x2100  }
.Ltmp4:
0x1f: {  	s0 =	sshll.u32 s26, $0x1;
	_ =	swait.ge [sflag:s15], $0x2100;
	(pc) =	sbr.rel .LBB2_3-.Ltmp4, $4  }
0x20: {  	s0 =	sor.u32 s6, s0;
	[sflag:s15] =	ssyncset.done $0x0  }
0x21: {  	s28 =	smul.u32 $0x2100, s0;
	[sflag:s15] =	ssyncadd.s32 $0xFFFFDF00  }
0x22: {  	[bflag:$0x0] =	sbarrier.arrive $0xFFFF  }
0x23: {  	s30 =	simm.s32 $0x0;
	v2 =	vmov s28  }
.LBB2_8:
0x24: {  	[sflag:s25] =	ssyncadd.s32 $0xFFFFC000  }
.LBB2_9:
0x25: {  	s30 =	sadd.s32 $0x1, s30  }
0x26: {  	p0 =	sne.s32 s30, $0x19  }
.Ltmp5:
0x27: {  	_ = 	snop;
	(pc) =	sbr.rel @!p0 .LBB2_10-.Ltmp5, $1  }
0x28: {  	_ =	sdelay $0x3  }
.LBB2_3:
0x29: {  	s0 =	sshll.u32 s30, $0xB  }
0x2a: {  	s0 =	sadd.s32 s10, s0  }
0x2b: {  	s0 =	sshrl.u32 s0, $0x3  }
0x2c: {  	s5 =	sadd.s32 s7, s0  }
0x2d: {  	[tilespmem:s29], [sflag:$0x5] =	stream.linear.gather [hbm4b:s5+s29], $0x800, $0x38;
	[tilespmem:$0x1B400] =	vst v63  }
0x2e: {  	_ =	swait.ge [sflag:s15], $0x800  }
0x2f: {  	[sflag:s15] =	ssyncset.done $0x0  }
0x30: {  	s0 =	sadd.s32 s8, s0;
	[sflag:s15] =	ssyncadd.s32 $0xFFFFF800  }
0x31: {  	[tilespmem:s16], [sflag:$0x5] =	stream.linear.gather [hbm4b:s0+s29], $0x800, $0x38;
	[tilespmem:$0x1B400] =	vst v63  }
0x32: {  	_ =	swait.ge [sflag:s15], $0x800  }
0x33: {  	[sflag:s15] =	ssyncset.done $0x0  }
0x34: {  	s5 =	simm.s32 $0x0;
	[sflag:s15] =	ssyncadd.s32 $0xFFFFF800  }
0x35: {  	v3 =	vld [tilespmem:s5+$0x800];
	_ =	sdelay $0x4  }
0x36: {  	v3 =	vsub.s32 v3, v2  }
0x37: {  	vm0 =	vlt.u32 v3, $0x2100  }
0x38: {  	v4 =	vsel vm0, $0x1, v0  }
0x39: {  	(xrf0) =	vadd.scan.msk.s32 $0xffff, v4;
	_ =	sdelay $0x1  }
0x3a: {  	s31 =	simm.s32 $0x80;
	s13 =	simm.s32 $0x0;
	s0 =	simm.s32 $0x40  }
.LBB2_4:
0x3b: {  	p0 =	sne.s32 s31, $0x1FC0;
	v4 =	vmov s13  }
0x3c: {  	v4 =	vadd.s32 $0xFFFFFFFF, v4  }
0x3d: {  	v4 =	vbroadcast v4, $0x0  }
0x3e: {  	v5, _, _ =	vpop (xrf0)  }
0x3f: {  	v6 =	vld [tilespmem:s5+$0x0];
	v4 =	vadd.s32 v5, v4  }
0x40: {  	(v2sf) =	vpush v4, $0xF;
	_ =	sdelay $0x3  }
0x41: {  	[tilespmem:v4+s17+$0x0] =	vst.idx.msk vm0, v6  }
0x42: {  	s5 =	sshra.s32 s0, $0x2;
	s0 =	smov.u32 s31;
	[tilespmem:v4+s18+$0x0] =	vst.idx.msk vm0, v3  }
0x43: {  	v3 =	vld [tilespmem:s5+$0x800];
	_ =	sdelay $0x4  }
0x44: {  	v3 =	vsub.s32 v3, v2  }
.Ltmp6:
0x45: {  	vm0 =	vlt.u32 v3, $0x2100;
	(pc) =	sbr.rel @p0 .LBB2_4-.Ltmp6, $4  }
0x46: {  	v4 =	vsel vm0, $0x1, v0  }
0x47: {  	(xrf0) =	vadd.scan.msk.s32 $0xffff, v4  }
0x48: {  	s13 =	spop (v2sf)  }
0x49: {  	s31 =	sadd.s32 $0x40, s31;
	s13 =	sadd.s32 $0x1, s13  }
0x4a: {  	v4 =	vmov s13  }
0x4b: {  	v4 =	vadd.s32 $0xFFFFFFFF, v4  }
0x4c: {  	v4 =	vbroadcast v4, $0x0  }
0x4d: {  	v5, _, _ =	vpop (xrf0)  }
0x4e: {  	v6 =	vld [tilespmem:s5+$0x0];
	v4 =	vadd.s32 v5, v4  }
0x4f: {  	(v2sf) =	vpush v4, $0xF;
	_ =	sdelay $0x3  }
0x50: {  	[tilespmem:v4+s17+$0x0] =	vst.idx.msk vm0, v6  }
0x51: {  	s0 =	sshra.s32 s0, $0x2;
	[tilespmem:v4+s18+$0x0] =	vst.idx.msk vm0, v3  }
0x52: {  	v3 =	vld [tilespmem:s0+$0x800];
	_ =	sdelay $0x4  }
0x53: {  	v3 =	vsub.s32 v3, v2  }
0x54: {  	vm15 =	vlt.u32 v3, $0x2100  }
0x55: {  	v43 =	vsel vm15, $0x1, v0  }
0x56: {  	(xrf0) =	vadd.scan.msk.s32 $0xffff, v43  }
0x57: {  	s4 =	spop (v2sf)  }
0x58: {  	s5 =	sadd.s32 $0x1, s4  }
0x59: {  	v44 =	vmov s5  }
0x5a: {  	v4 =	vadd.s32 $0xFFFFFFFF, v44  }
0x5b: {  	v4 =	vbroadcast v4, $0x0  }
0x5c: {  	v45, _, _ =	vpop (xrf0)  }
0x5d: {  	v4 =	vadd.s32 v45, v4  }
0x5e: {  	(v2sf) =	vpush v4, $0xF;
	_ =	sdelay $0xe  }
0x5f: {  	v46 =	vld [tilespmem:s0+$0x0];
	s5 =	spop (v2sf)  }
0x60: {  	s13 =	sadd.s32 $0x1, s5  }
0x61: {  	v47 =	vadd.s32 s13, v1  }
0x62: {  	s4 =	sadd.s32 $0x11, s5  }
0x63: {  	v7 =	vadd.s32 s4, v1  }
0x64: {  	[tilespmem:v4+s17+$0x0] =	vst.idx.msk vm15, v46;
	s13 =	sadd.s32 $0x21, s5  }
0x65: {  	s31 =	simm.s32 $0x1000;
	[tilespmem:v4+s18+$0x0] =	vst.idx.msk vm15, v3;
	v3 =	vand.u32 $0x7F, v47;
	v48 =	vadd.s32 s13, v1  }
0x66: {  	s0 =	simm.s32 $0x1C00;
	s4 =	sadd.s32 $0x31, s5;
	[tilespmem:v47+s31+$0x0] =	vst.idx.msk $0xffff, v3;
	v3 =	vor.u32 $0x2100, v3  }
0x67: {  	v49 =	vadd.s32 s4, v1;
	[tilespmem:v47+s0+$0x0] =	vst.idx.msk $0xffff, v3;
	v3 =	vand.u32 $0x7F, v7  }
0x68: {  	s4 =	sadd.s32 $0x41, s5;
	[tilespmem:v7+s31+$0x0] =	vst.idx.msk $0xffff, v3;
	v3 =	vor.u32 $0x2100, v3  }
0x69: {  	v50 =	vadd.s32 s4, v1;
	[tilespmem:v7+s0+$0x0] =	vst.idx.msk $0xffff, v3;
	v3 =	vand.u32 $0x7F, v48  }
0x6a: {  	s4 =	sadd.s32 $0x51, s5;
	[tilespmem:v48+s31+$0x0] =	vst.idx.msk $0xffff, v3;
	v3 =	vor.u32 $0x2100, v3  }
0x6b: {  	v51 =	vadd.s32 s4, v1;
	[tilespmem:v48+s0+$0x0] =	vst.idx.msk $0xffff, v3;
	v3 =	vand.u32 $0x7F, v49  }
0x6c: {  	s4 =	sadd.s32 $0x61, s5;
	[tilespmem:v49+s31+$0x0] =	vst.idx.msk $0xffff, v3;
	v3 =	vor.u32 $0x2100, v3  }
0x6d: {  	v52 =	vadd.s32 s4, v1;
	[tilespmem:v49+s0+$0x0] =	vst.idx.msk $0xffff, v3;
	v3 =	vand.u32 $0x7F, v50  }
0x6e: {  	s4 =	sadd.s32 $0x71, s5;
	[tilespmem:v50+s31+$0x0] =	vst.idx.msk $0xffff, v3;
	v3 =	vor.u32 $0x2100, v3  }
0x6f: {  	v53 =	vadd.s32 s4, v1;
	[tilespmem:v50+s0+$0x0] =	vst.idx.msk $0xffff, v3;
	v3 =	vand.u32 $0x7F, v51  }
0x70: {  	s4 =	sadd.s32 $0x81, s5;
	[tilespmem:v51+s31+$0x0] =	vst.idx.msk $0xffff, v3;
	v3 =	vor.u32 $0x2100, v3  }
0x71: {  	v54 =	vadd.s32 s4, v1;
	[tilespmem:v51+s0+$0x0] =	vst.idx.msk $0xffff, v3;
	v3 =	vand.u32 $0x7F, v52  }
0x72: {  	s4 =	sadd.s32 $0x91, s5;
	[tilespmem:v52+s31+$0x0] =	vst.idx.msk $0xffff, v3;
	v3 =	vor.u32 $0x2100, v3  }
0x73: {  	v55 =	vadd.s32 s4, v1;
	[tilespmem:v52+s0+$0x0] =	vst.idx.msk $0xffff, v3;
	v3 =	vand.u32 $0x7F, v53  }
0x74: {  	s4 =	sadd.s32 $0xA1, s5;
	[tilespmem:v53+s31+$0x0] =	vst.idx.msk $0xffff, v3;
	v3 =	vor.u32 $0x2100, v3  }
0x75: {  	v56 =	vadd.s32 s4, v1;
	[tilespmem:v53+s0+$0x0] =	vst.idx.msk $0xffff, v3;
	v3 =	vand.u32 $0x7F, v54  }
0x76: {  	s4 =	sadd.s32 $0xB1, s5;
	[tilespmem:v54+s31+$0x0] =	vst.idx.msk $0xffff, v3;
	v3 =	vor.u32 $0x2100, v3  }
0x77: {  	v57 =	vadd.s32 s4, v1;
	s4 =	sadd.s32 $0xC1, s5;
	[tilespmem:v54+s0+$0x0] =	vst.idx.msk $0xffff, v3;
	v3 =	vand.u32 $0x7F, v55  }
0x78: {  	v58 =	vadd.s32 s4, v1;
	s4 =	sadd.s32 $0xD1, s5;
	[tilespmem:v55+s31+$0x0] =	vst.idx.msk $0xffff, v3;
	v3 =	vor.u32 $0x2100, v3  }
0x79: {  	v59 =	vadd.s32 s4, v1;
	s4 =	sadd.s32 $0xE1, s5;
	[tilespmem:v55+s0+$0x0] =	vst.idx.msk $0xffff, v3;
	v3 =	vand.u32 $0x7F, v56  }
0x7a: {  	s13 =	sadd.s32 $0xF1, s5;
	v60 =	vadd.s32 s4, v1;
	s4 =	sadd.s32 $0x100, s5;
	s5 =	sand.u32 $0xFF, s5;
	[tilespmem:v56+s31+$0x0] =	vst.idx.msk $0xffff, v3;
	v3 =	vor.u32 $0x2100, v3  }
0x7b: {  	v61 =	vadd.s32 s13, v1;
	s13 =	sshra.s32 s4, $0x1F;
	p0 =	slt.s32 s4, $0x1;
	p1 =	sne.s32 s5, $0x0;
	[tilespmem:v56+s0+$0x0] =	vst.idx.msk $0xffff, v3;
	v3 =	vand.u32 $0x7F, v57  }
0x7c: {  	s13 =	sshrl.u32 s13, $0x18;
	p0 =	por !p0, !p1;
	[tilespmem:v57+s31+$0x0] =	vst.idx.msk $0xffff, v3;
	v3 =	vor.u32 $0x2100, v3  }
0x7d: {  	s5 =	simm.s32 $0x1;
	s4 =	sadd.s32 s13, s4;
	p0 =	por !p0, !p0;
	[tilespmem:v57+s0+$0x0] =	vst.idx.msk $0xffff, v3;
	v3 =	vand.u32 $0x7F, v58  }
0x7e: {  	s4 =	sshra.s32 s4, $0x8;
	s5 =	simm.s32 @!p0 $0x0;
	[tilespmem:v58+s31+$0x0] =	vst.idx.msk $0xffff, v3;
	v3 =	vor.u32 $0x2100, v3  }
0x7f: {  	s5 =	ssub.s32 s4, s5;
	[tilespmem:v58+s0+$0x0] =	vst.idx.msk $0xffff, v3;
	v3 =	vand.u32 $0x7F, v59  }
0x80: {  	p0 =	slt.s32 s5, $0x1;
	[tilespmem:v59+s31+$0x0] =	vst.idx.msk $0xffff, v3;
	v3 =	vor.u32 $0x2100, v3  }
.Ltmp7:
0x81: {  	[tilespmem:v59+s0+$0x0] =	vst.idx.msk $0xffff, v3;
	v3 =	vand.u32 $0x7F, v60;
	(pc) =	sbr.rel @p0 .LBB2_9-.Ltmp7, $4  }
0x82: {  	v62 =	vor.u32 $0x2100, v3;
	[tilespmem:v60+s31+$0x0] =	vst.idx.msk $0xffff, v3  }
0x83: {  	v3 =	vand.u32 $0x7F, v61;
	[tilespmem:v60+s0+$0x0] =	vst.idx.msk $0xffff, v62  }
0x84: {  	v63 =	vor.u32 $0x2100, v3;
	[tilespmem:v61+s31+$0x0] =	vst.idx.msk $0xffff, v3  }
0x85: {  	[tilespmem:v61+s0+$0x0] =	vst.idx.msk $0xffff, v63  }
0x86: {  	[tilespmem:s21], [sflag:$0x1] =	stream.indirect.gather [hbm4b:s1+s20], $0x80, s31, s20, $0xb8;
	[tilespmem:$0x1B400] =	vst v63  }
0x87: {  	s4 =	sadd.s32 $0x80, s31  }
0x88: {  	[tilespmem:s22], [sflag:$0x2] =	stream.indirect.gather [hbm4b:s1+s20], $0x80, s4, s20, $0xb8;
	[tilespmem:$0x1B400] =	vst v63  }
0x89: {  	_ =	swait.ge [sflag:s19], $0x4000  }
0x8a: {  	[sflag:s19] =	ssyncset.done $0x0  }
0x8b: {  	[sflag:s19] =	ssyncadd.s32 $0xFFFFC000  }
0x8c: {  	[spmem:s3] =	stream.indirect.scatter.add.f32 [tilespmem:s21], [sflag:$0x3], $0x80, s0, s20, $0xb8;
	[tilespmem:$0x1B400] =	vst v63  }
0x8d: {  	_ =	swait.ge [sflag:s23], $0x4000  }
0x8e: {  	[sflag:s23] =	ssyncset.done $0x0  }
0x8f: {  	s13 =	sadd.s32 $0x80, s0;
	p0 =	sne.s32 s5, $0x1;
	[sflag:s23] =	ssyncadd.s32 $0xFFFFC000  }
0x90: {  	[spmem:s3] =	stream.indirect.scatter.add.f32 [tilespmem:s22], [sflag:$0x4], $0x80, s13, s20, $0xb8;
	[tilespmem:$0x1B400] =	vst v63  }
.Ltmp8:
0x91: {  	_ =	swait.ge [sflag:s24], $0x4000;
	(pc) =	sbr.rel @!p0 .LBB2_8-.Ltmp8, $4  }
0x92: {  	[sflag:s24] =	ssyncset.done $0x0  }
0x93: {  	[sflag:s24] =	ssyncadd.s32 $0xFFFFC000  }
0x94: {  	_ =	swait.ge [sflag:s25], $0x4000  }
0x95: {  	s5 =	sadd.s32 $0xFFFFFFFF, s5;
	[sflag:s25] =	ssyncset.done $0x0  }
.LBB2_7:
0x96: {  	[sflag:s25] =	ssyncadd.s32 $0xFFFFC000;
	s31 =	sadd.s32 $0x100, s31;
	s0 =	sadd.s32 $0x100, s0  }
0x97: {  	[tilespmem:s21], [sflag:$0x1] =	stream.indirect.gather [hbm4b:s1+s20], $0x80, s31, s20, $0xb8;
	[tilespmem:$0x1B400] =	vst v63  }
0x98: {  	p0 =	sne.s32 s5, $0x1;
	s5 =	sadd.s32 $0xFFFFFFFF, s5;
	s4 =	sadd.s32 $0x80, s31  }
0x99: {  	[tilespmem:s22], [sflag:$0x2] =	stream.indirect.gather [hbm4b:s1+s20], $0x80, s4, s20, $0xb8;
	[tilespmem:$0x1B400] =	vst v63  }
0x9a: {  	_ =	swait.ge [sflag:s19], $0x4000  }
0x9b: {  	[sflag:s19] =	ssyncset.done $0x0  }
0x9c: {  	[sflag:s19] =	ssyncadd.s32 $0xFFFFC000  }
0x9d: {  	[spmem:s3] =	stream.indirect.scatter.add.f32 [tilespmem:s21], [sflag:$0x3], $0x80, s0, s20, $0xb8;
	[tilespmem:$0x1B400] =	vst v63  }
0x9e: {  	_ =	swait.ge [sflag:s23], $0x4000  }
0x9f: {  	[sflag:s23] =	ssyncset.done $0x0  }
0xa0: {  	s4 =	sadd.s32 $0x80, s0;
	[sflag:s23] =	ssyncadd.s32 $0xFFFFC000  }
0xa1: {  	[spmem:s3] =	stream.indirect.scatter.add.f32 [tilespmem:s22], [sflag:$0x4], $0x80, s4, s20, $0xb8;
	[tilespmem:$0x1B400] =	vst v63  }
.Ltmp9:
0xa2: {  	_ =	swait.ge [sflag:s24], $0x4000;
	(pc) =	sbr.rel @p0 .LBB2_7-.Ltmp9, $4  }
0xa3: {  	[sflag:s24] =	ssyncset.done $0x0  }
0xa4: {  	[sflag:s24] =	ssyncadd.s32 $0xFFFFC000  }
0xa5: {  	_ =	swait.ge [sflag:s25], $0x4000  }
0xa6: {  	[sflag:s25] =	ssyncset.done $0x0  }
.Ltmp10:
0xa7: {  	_ = 	snop;
	(pc) =	sbr.rel .LBB2_8-.Ltmp10, $1  }
0xa8: {  	_ =	sdelay $0x3  }
.LBB2_12:
0xa9: {  	_ =	sfence.sel $0x180000  }
0xaa: {  	[bflag:$0x0] =	sbarrier.arrive $0xFFFF  }
0xab: {  	_ =	strace $0x9000004A  }
0xac: {  	s0 =	stileid.u32;
	[bflag:$0x2] =	sbarrier.arrive $0xFFFF  }
0xad: {  	p0 =	sne.s32 s0, $0x0;
	s0 =	rddreg [dreg:$0x3]  }
0xae: {  	s0 =	sadd.s32 @!p0 $0x100000, s0  }
0xaf: {  	[sflag:s0] =	ssyncadd.tile.s32 @!p0 $0x1;
	_ =	shalt  }
.Lfunc_end2:
_tile_overlayer_lowered:
.L_overlay_start_2:
0xb0: {  	(tag) =	ssettag $0x2  }
0xb1: {  	s0 =	rddreg [dreg:$0x0];
	s2 =	stileid.u32  }
0xb2: {  	s1 =	rddreg [dreg:$0x1];
	p0 =	sne.s32 s2, $0x0  }
0xb3: {  	s3 =	rddreg [dreg:$0x2];
	[bflag:$0x3] =	sbarrier.arrive $0xFFFF;
	s2 =	simm.s32 @!p0 $0x1C05  }
0xb4: {  	[timem:s3], [sflag:s2] =	dma.local @!p0 [hbm:s0], s1  }
0xb5: {  	s0 =	simm.s32 @!p0 $0x5  }
0xb6: {  	_ =	swait.ge @!p0 [sflag:s0], s1  }
0xb7: {  	s1 =	ssub.s32 @!p0 $0x0, s1;
	[sflag:s0] =	ssyncset.done @!p0 $0x0  }
0xb8: {  	[sflag:s0] =	ssyncadd.s32 @!p0 s1  }
0xb9: {  	[bflag:$0x3] =	sbarrier.arrive $0xFFFF  }
0xba: {  	_ =	shalt  }

// kernel: kernel.7.cloned.1.call-start
scs
__scs_entry_jumppad:
0x0: {  	(pc) =	sbr.rel $0x88, $3  }
0x1: {  	(tag) =	ssettag $0x0;
	lr =	simm.s32 $0x1  }
0x2: {  	[smem:$0x3F97] =	sst lr;
	_ =	strace $0xD0000000  }
0x3: {  	_ = 	snop  }
0x4: {  	_ = 	snop  }
0x5: {  	_ = 	snop  }
0x6: {  	_ = 	snop  }
0x7: {  	_ = 	snop  }
__scs_overlays_trampoline_lowered:
0x8: {  	[smem:$0x3FA6] =	sst s0  }
0x9: {  	[smem:$0x3FA7] =	sst s1  }
0xa: {  	[smem:$0x3FA8] =	sst s2  }
0xb: {  	[smem:$0x3FA9] =	sst s3  }
0xc: {  	[smem:$0x3FAA] =	sst s4  }
0xd: {  	[smem:$0x3FAB] =	sst s5  }
0xe: {  	[smem:$0x3FAC] =	sst s6  }
0xf: {  	[smem:$0x3FAD] =	sst s7  }
0x10: {  	[smem:$0x3FAE] =	sst s8  }
0x11: {  	[smem:$0x3FAF] =	sst s9;
	s0 =	simm.s32 @!p0 $0x0  }
0x12: {  	s1 =	sld [smem:$0x3F95];
	s0 =	simm.s32 @p0 $0x1  }
0x13: {  	[smem:$0x3FB0] =	sst s0;
	s0 =	simm.s32 @!p1 $0x0  }
0x14: {  	s2 =	sld [smem:$0x3F94];
	s0 =	simm.s32 @p1 $0x1  }
0x15: {  	[smem:$0x3FB1] =	sst s0;
	s0 =	simm.s32 @!p2 $0x0  }
0x16: {  	s3 =	sld [smem:$0x3FDB];
	s0 =	simm.s32 @p2 $0x1  }
0x17: {  	s4 =	simm.s32 $0x1BF5;
	[smem:$0x3FB3] =	sst s0  }
0x18: {  	s0 =	sld [smem:$0x3F96];
	_ =	swait.ge [sflag:s4], $0x0  }
0x19: {  	s7 =	sld [smem:$0x3F97]  }
0x1a: {  	s8 =	sadd.s32 $0xFFFFE003, lr  }
0x1b: {  	s9 =	sadd.s32 $0xFFFFFEF7, lr;
	s5 =	simm.s32 $0xFFFFFFFF;
	p2 =	slt.u32 s8, $0xFFFFF086  }
0x1c: {  	p1 =	slt.u32 s9, $0xF7A;
	s5 =	simm.s32 @!p2 $0x0  }
0x1d: {  	s5 =	simm.s32 @p1 $0x1;
	p0 =	seq.s32 s7, s2  }
0x1e: {  	s7 =	smul.u32 @!p0 $0xF7A, s2;
	p2 =	seq.s32 @!p0 s5, $0x0  }
0x1f: {  	s9 =	smul.u32 $0xF7A, s1;
	s8 =	simm.s32 @!p0 $0x1BF5;
	p2 =	por !p2, p0  }
0x20: {  	[sflag:s8] =	ssyncset.s32 @!p0 $0xFFFFF086;
	s6 =	sadd.s32 @!p0 s3, s7;
	s7 =	simm.s32 @!p0 $0x108  }
0x21: {  	s3 =	sadd.s32 s3, s9;
	s6 =	sadd.s32 @!p0 $0x88, s6;
	s7 =	simm.s32 @p2 $0x1082  }
0x22: {  	[simem:s7], [sflag:s8] =	dma.local @!p0 [hbm:s6], $0xF7A  }
0x23: {  	s9 =	sor.u32 $0xD0000000, s2;
	s6 =	simm.s32 $0x108;
	_ =	swait.ge @!p0 [sflag:s8], $0x0  }
0x24: {  	s3 =	sadd.s32 $0x88, s3;
	s6 =	simm.s32 @!p1 $0x1082;
	[sflag:s4] =	ssyncset.s32 $0xFFFFF086  }
0x25: {  	[simem:s6], [sflag:s4] =	dma.local [hbm:s3], $0xF7A  }
0x26: {  	[smem:$0x3F97] =	sst s1;
	(tag) =	ssettag s2;
	_ =	strace s9  }
0x27: {  	s1 =	sld [smem:$0x3FA7]  }
0x28: {  	s2 =	sld [smem:$0x3FA8]  }
0x29: {  	s4 =	sld [smem:$0x3FAA]  }
0x2a: {  	p0 =	seq.s32 s5, $0x0;
	s5 =	sld [smem:$0x3FAB]  }
0x2b: {  	s6 =	sld [smem:$0x3FAC]  }
0x2c: {  	s7 =	sld [smem:$0x3FAD]  }
0x2d: {  	s3 =	simm.s32 $0x108;
	s8 =	sld [smem:$0x3FAE]  }
0x2e: {  	s3 =	simm.s32 @!p0 $0x1082;
	s9 =	sld [smem:$0x3FAF]  }
0x2f: {  	lr =	sadd.s32 s0, s3;
	s0 =	sld [smem:$0x3FA6]  }
0x30: {  	s3 =	sld [smem:$0x3FA9]  }
0x31: {  	[smem:$0x3FB2] =	sst s10  }
0x32: {  	s10 =	sld [smem:$0x3FB0];
	_ =	sdelay $0x3  }
0x33: {  	p0 =	seq.s32 s10, $0x1;
	s10 =	sld [smem:$0x3FB2];
	_ =	sdelay $0x3  }
0x34: {  	[smem:$0x3FB2] =	sst s10  }
0x35: {  	s10 =	sld [smem:$0x3FB1];
	_ =	sdelay $0x3  }
0x36: {  	p1 =	seq.s32 s10, $0x1;
	s10 =	sld [smem:$0x3FB2];
	_ =	sdelay $0x3  }
0x37: {  	[smem:$0x3FB2] =	sst s10  }
0x38: {  	s10 =	sld [smem:$0x3FB3]  }
0x39: {  	_ = 	snop;
	(pc) =	sbr.ind lr, $3  }
0x3a: {  	_ = 	snop  }
0x3b: {  	_ = 	snop  }
0x3c: {  	p2 =	seq.s32 s10, $0x1;
	s10 =	sld [smem:$0x3FB2]  }
0x3d: {  	_ =	shalt  }
0x3e: {  	_ =	shalt  }
0x3f: {  	_ =	shalt  }
0x40: {  	_ =	shalt  }
0x41: {  	_ =	shalt  }
0x42: {  	_ =	shalt  }
0x43: {  	_ =	shalt  }
0x44: {  	_ =	shalt  }
0x45: {  	_ =	shalt  }
0x46: {  	_ =	shalt  }
0x47: {  	_ =	shalt  }
0x48: {  	_ =	shalt  }
0x49: {  	_ =	shalt  }
0x4a: {  	_ =	shalt  }
0x4b: {  	_ =	shalt  }
0x4c: {  	_ =	shalt  }
0x4d: {  	_ =	shalt  }
0x4e: {  	_ =	shalt  }
0x4f: {  	_ =	shalt  }
0x50: {  	_ =	shalt  }
0x51: {  	_ =	shalt  }
0x52: {  	_ =	shalt  }
0x53: {  	_ =	shalt  }
0x54: {  	_ =	shalt  }
0x55: {  	_ =	shalt  }
0x56: {  	_ =	shalt  }
0x57: {  	_ =	shalt  }
0x58: {  	_ =	shalt  }
0x59: {  	_ =	shalt  }
0x5a: {  	_ =	shalt  }
0x5b: {  	_ =	shalt  }
0x5c: {  	_ =	shalt  }
0x5d: {  	_ =	shalt  }
0x5e: {  	_ =	shalt  }
0x5f: {  	_ =	shalt  }
0x60: {  	_ =	shalt  }
0x61: {  	_ =	shalt  }
0x62: {  	_ =	shalt  }
0x63: {  	_ =	shalt  }
0x64: {  	_ =	shalt  }
0x65: {  	_ =	shalt  }
0x66: {  	_ =	shalt  }
0x67: {  	_ =	shalt  }
0x68: {  	_ =	shalt  }
0x69: {  	_ =	shalt  }
0x6a: {  	_ =	shalt  }
0x6b: {  	_ =	shalt  }
0x6c: {  	_ =	shalt  }
0x6d: {  	_ =	shalt  }
0x6e: {  	_ =	shalt  }
0x6f: {  	_ =	shalt  }
0x70: {  	_ =	shalt  }
0x71: {  	_ =	shalt  }
0x72: {  	_ =	shalt  }
0x73: {  	_ =	shalt  }
0x74: {  	_ =	shalt  }
0x75: {  	_ =	shalt  }
0x76: {  	_ =	shalt  }
0x77: {  	_ =	shalt  }
0x78: {  	_ =	shalt  }
0x79: {  	_ =	shalt  }
0x7a: {  	_ =	shalt  }
0x7b: {  	_ =	shalt  }
0x7c: {  	_ =	shalt  }
0x7d: {  	_ =	shalt  }
0x7e: {  	_ =	shalt  }
0x7f: {  	_ =	shalt  }
0x80: {  	_ =	shalt  }
0x81: {  	_ =	shalt  }
0x82: {  	_ =	shalt  }
0x83: {  	_ =	shalt  }
0x84: {  	_ =	shalt  }
0x85: {  	_ =	shalt  }
0x86: {  	_ =	shalt  }
0x87: {  	_ =	shalt  }
.Lfunc_end0:
.L_simem_size_0:
called_computation_lowered:
.L_overlay_start_0:
0x88: {  	s2 =	sld [smem:$0x3FD9]  }
0x89: {  	s3 =	sld [smem:$0x3FFE];
	_ =	sdelay $0x1  }
0x8a: {  	s1 =	srdreg.scid  }
0x8b: {  	s0 =	sand.u32 $0x1, s1  }
0x8c: {  	s17 =	sshll.u32 s0, $0xA;
	s2 =	sadd.s32 s3, s2  }
0x8d: {  	s2 =	sadd.s32 s2, s17  }
0x8e: {  	[smem:$0x3FBE] =	sst s2  }
0x8f: {  	_ = 	snop  }
0x90: {  	s2 =	sld [smem:$0x3FD0];
	(tm) =	ssettm $0x1  }
0x91: {  	s18 =	sld [smem:$0x3FFB];
	_ =	sdelay $0x3  }
0x92: {  	_ =	strace s18  }
0x93: {  	s3 =	sld [smem:$0x3FFC];
	_ =	sdelay $0x3  }
0x94: {  	_ =	strace s3  }
0x95: {  	s3 =	sld [smem:$0x3FFD];
	_ =	sdelay $0x3  }
0x96: {  	_ =	strace s3  }
0x97: {  	_ =	strace $0x8FFFFFFF  }
0x98: {  	s19 =	sld [smem:$0x3FDB];
	_ =	sdelay $0x1  }
0x99: {  	s4 =	simm.s32 $_scs_section_size  }
0x9a: {  	s5 =	simm.s32 $_size__tile_overlayer_lowered;
	s6 =	simm.s32 $_tile_overlayer_lowered  }
0x9b: {  	s22 =	simm.s32 $0x1BFF;
	s21 =	sshll.u32 s6, $0x1;
	s3 =	sadd.s32 s4, s19  }
0x9c: {  	s7 =	simm.s32 $0x0;
	s20 =	sshll.u32 s5, $0x1;
	s5 =	sadd.s32 s21, s3  }
0x9d: {  	[timem:s7], [sflag:s22] =	dma.local [hbm:s5], s20  }
0x9e: {  	_ =	swait.ge [sflag:s22], s20  }
0x9f: {  	s4 =	ssub.s32 $0x0, s20;
	[sflag:s22] =	ssyncset.done $0x0  }
0xa0: {  	[sflag:s22] =	ssyncadd.s32 s4;
	_ =	sdelay $0x1  }
0xa1: {  	s23 =	simm.s32 $0x1B8B  }
0xa2: {  	_ =	swait.ge [sflag:s23], $0x1  }
0xa3: {  	[sflag:s23] =	ssyncset.done $0x0  }
0xa4: {  	s25 =	simm.s32 $0x1B8E;
	s24 =	sld [smem:$0x3FFE];
	[sflag:s23] =	ssyncadd.s32 $0xFFFFFFFF  }
0xa5: {  	s26 =	simm.s32 $execute0_lowered;
	[smem:$0x3FD2] =	sst s25  }
0xa6: {  	s5 =	sshll.u32 s26, $0x1;
	_ =	strace $0x80000046;
	[dreg:$0x1] =	wrdreg $0xFFFFFFFF  }
0xa7: {  	s28 =	simm.s32 $_size_execute0_lowered;
	s3 =	sadd.s32 s3, s5;
	[dreg:$0x0] =	wrdreg $0x0  }
0xa8: {  	s5 =	sshll.u32 s28, $0x1;
	[dreg:$0x2] =	wrdreg s3  }
0xa9: {  	[dreg:$0x3] =	wrdreg s5  }
0xaa: {  	[dreg:$0x4] =	wrdreg $0xC0  }
0xab: {  	_ =	task [dreg:s7], $0x5FFFF  }
0xac: {  	[dreg:$0x1] =	wrdreg $0xFFFFFFFF  }
0xad: {  	[dreg:$0x0] =	wrdreg $0x60  }
0xae: {  	[dreg:$0x2] =	wrdreg s24  }
0xaf: {  	[dreg:$0x3] =	wrdreg s2  }
0xb0: {  	[dreg:$0x4] =	wrdreg $0xDA000  }
0xb1: {  	[dreg:$0x5] =	wrdreg $0x9  }
0xb2: {  	_ =	task.clear_ibuf [dreg:s7], $0x6FFFF;
	_ =	strace $0x90000046  }
0xb3: {  	s29 =	simm.s32 $0x9;
	_ =	strace $0x80000048  }
0xb4: {  	_ =	swait.ge [sflag:s29], $0x1  }
0xb5: {  	[sflag:s29] =	ssyncadd.s32 $0xFFFFFFFF  }
0xb6: {  	_ =	strace $0x90000048  }
0xb7: {  	_ =	sfence  }
0xb8: {  	s30 =	sld [smem:$0x0];
	_ =	sdelay $0x2  }
0xb9: {  	s31 =	sshll.u32 s1, $0xD;
	s1 =	sshrl.u32 s1, $0x2  }
0xba: {  	s3 =	sand.u32 $0x4000, s31;
	s1 =	sadd.s32 s1, s30  }
0xbb: {  	s0 =	sor.u32 s3, s0;
	s1 =	sshll.u32 s1, $0x11  }
0xbc: {  	s0 =	sor.u32 s1, s0  }
0xbd: {  	s0 =	sadd.s32 $0x8F2B, s0  }
0xbe: {  	[sflag:s0] =	ssyncadd.remote.s32 $0x1  }
0xbf: {  	_ =	sfence.sel $0xFFFF  }
0xc0: {  	[dreg:$0x0] =	wrdreg $0xFFFFFFFF;
	(pc) =	sbr.abs _section_cstart, $3  }
0xc1: {  	[dreg:$0x1] =	wrdreg $0xFFFFFFFF  }
0xc2: {  	_ =	task.clear_ibuf [dreg:s7], $0x2FFFF;
	_ =	strace $0x9FFFFFFF  }
0xc3: {  	(tm) =	ssettm $0x7FFFFFFF  }
tec
execute0_lowered:
.L_overlay_start_1:
0x0: {  	(tag) =	ssettag $0x1  }
0x1: {  	s1 =	rddreg [dreg:$0x0]  }
0x2: {  	s3 =	rddreg [dreg:$0x2];
	s5 =	simm.s32 $0x0  }
0x3: {  	s0 =	srdreg.scid;
	s6 =	stileid.u32;
	s15 =	simm.s32 $0x5  }
0x4: {  	s16 =	simm.s32 $0x800;
	s17 =	simm.s32 $0x1000;
	s18 =	simm.s32 $0x3400  }
0x5: {  	s19 =	simm.s32 $0x1;
	s20 =	simm.s32 $0x80;
	s21 =	simm.s32 $0x5800  }
0x6: {  	s22 =	simm.s32 $0x5A00;
	s23 =	simm.s32 $0x5880;
	s24 =	simm.s32 $0x9A00  }
0x7: {  	s25 =	simm.s32 $0x5900;
	s28 =	simm.s32 $0x5980;
	s29 =	simm.s32 $0x3  }
0x8: {  	s30 =	simm.s32 $0x4;
	[smem:$0x7FF] =	sst s5;
	s0 =	sand.u32 $0x1, s0  }
0x9: {  	s7 =	sadd.s32 $0x310000, s1;
	s2 =	smul.u32 $0x48000, s6;
	s8 =	sadd.s32 $0x329000, s1  }
0xa: {  	s4 =	sadd.s32 $0x342000, s1;
	s10 =	smul.u32 $0xC800, s6;
	_ =	strace $0x80000047  }
.Ltmp0:
0xb: {  	v0 =	vlaneseq.u32;
	[dreg:$0x5] =	wrdreg s0;
	s0 =	ssub.s32 $0x2, s0;
	(pc) =	sbr.rel .LBB2_1-.Ltmp0, $4  }
0xc: {  	s11 =	smul.u32 $0x90, s6;
	s31 =	sshll.u32 s6, $0x6;
	v1 =	vshrl.u32 v0, $0x2;
	s26 =	sshrl.u32 s0, $0x1  }
0xd: {  	v2 =	vimm.s32 $0x0;
	v3 =	vand.u32 $0x3, v0;
	[dreg:$0x6] =	wrdreg s4;
	v4 =	vor.u32 $0x4, v1;
	s2 =	sshrl.u32 s2, $0x2;
	s0 =	ssub.s32 s0, s26  }
0xe: {  	s12 =	sor.u32 $0x1C05, s31;
	v5 =	vor.u32 $0x8, v1;
	v6 =	vor.u32 $0xC, v1;
	v7 =	vor.u32 $0x10, v1;
	s2 =	sadd.s32 s2, s3;
	s0 =	smax.u32 s0, $0x1  }
0xf: {  	v8 =	vor.u32 $0x14, v1;
	v9 =	vor.u32 $0x18, v1;
	v10 =	vor.u32 $0x1C, v1;
	s26 =	simm.s32 $0x2;
	s14 =	sshrl.u32 s2, $0x3;
	[dreg:$0x7] =	wrdreg s0  }
.LBB2_11:
0x10: {  	s5 =	rddreg [dreg:$0x4]  }
0x11: {  	s0 =	rddreg [dreg:$0x7];
	s5 =	sadd.s32 $0x1, s5  }
0x12: {  	p0 =	sne.s32 s5, s0  }
.Ltmp1:
0x13: {  	_ = 	snop;
	(pc) =	sbr.rel @!p0 .LBB2_12-.Ltmp1, $1  }
0x14: {  	_ =	sdelay $0x3  }
.LBB2_1:
.Ltmp2:
0x15: {  	(pc) =	sbr.rel .LBB2_2-.Ltmp2, $2  }
0x16: {  	_ =	sdelay $0x2  }
0x17: {  	[dreg:$0x4] =	wrdreg s5;
	s31 =	simm.s32 $0x0  }
.LBB2_10:
0x18: {  	s0 =	sadd.s32 s11, s0;
	[bflag:$0x0] =	sbarrier.arrive $0xFFFF;
	s31 =	sadd.s32 $0x1, s31  }
0x19: {  	s0 =	sshll.u32 s0, $0x6;
	s2 =	rddreg [dreg:$0x6];
	p0 =	sne.s32 s31, $0xB  }
.Ltmp3:
0x1a: {  	s0 =	sadd.s32 s2, s0;
	(pc) =	sbr.rel @!p0 .LBB2_11-.Ltmp3, $4  }
0x1b: {  	[hbm:s0], [sflag:s12] =	dma.local [spmem:s14], $0x2400  }
0x1c: {  	_ =	swait.ge [sflag:s15], $0x2400  }
0x1d: {  	[sflag:s15] =	ssyncset.done $0x0  }
0x1e: {  	[sflag:s15] =	ssyncadd.s32 $0xFFFFDC00  }
.LBB2_2:
0x1f: {  	s0 =	sshll.u32 s31, $0x1;
	s2 =	rddreg [dreg:$0x1]  }
0x20: {  	[spmem:s14], [sflag:s12] =	dma.local [hbm:s2], $0x2400  }
.Ltmp4:
0x21: {  	s2 =	rddreg [dreg:$0x5];
	_ =	swait.ge [sflag:s15], $0x2400;
	(pc) =	sbr.rel .LBB2_3-.Ltmp4, $4  }
0x22: {  	s0 =	sor.u32 s2, s0;
	[sflag:s15] =	ssyncset.done $0x0  }
0x23: {  	s0 =	smul.u32 $0x900, s0;
	[sflag:s15] =	ssyncadd.s32 $0xFFFFDC00  }
0x24: {  	[bflag:$0x0] =	sbarrier.arrive $0xFFFF  }
0x25: {  	s5 =	simm.s32 $0x0;
	s13 =	simm.s32 $0x0;
	v11 =	vmov s0  }
.LBB2_8:
0x26: {  	[tilespmem:$0x58F0] =	vst v12;
	v63 =	vor.u32 v3, v13  }
0x27: {  	[tilespmem:$0x59F0] =	vst v63  }
0x28: {  	[tilespmem:s24], [sflag:$0x2] =	stream.indirect.gather [hbm4b:s1+s20], $0x80, s23, s20, $0xb8;
	[tilespmem:$0x1FE00] =	vst v63  }
0x29: {  	_ =	swait.ge [sflag:s19], $0x4000  }
0x2a: {  	[sflag:s19] =	ssyncset.done $0x0  }
0x2b: {  	[sflag:s19] =	ssyncadd.s32 $0xFFFFC000  }
0x2c: {  	[spmem:s3] =	stream.indirect.scatter.add.f32 [tilespmem:s22], [sflag:$0x3], $0x80, s25, s20, $0xb8;
	[tilespmem:$0x1FE00] =	vst v63  }
0x2d: {  	_ =	swait.ge [sflag:s26], $0x4000  }
0x2e: {  	[sflag:s26] =	ssyncset.done $0x0  }
0x2f: {  	[sflag:s26] =	ssyncadd.s32 $0xFFFFC000  }
0x30: {  	[spmem:s3] =	stream.indirect.scatter.add.f32 [tilespmem:s24], [sflag:$0x4], $0x80, s28, s20, $0xb8;
	[tilespmem:$0x1FE00] =	vst v63  }
0x31: {  	_ =	swait.ge [sflag:s29], $0x4000  }
0x32: {  	[sflag:s29] =	ssyncset.done $0x0  }
0x33: {  	[sflag:s29] =	ssyncadd.s32 $0xFFFFC000  }
0x34: {  	_ =	swait.ge [sflag:s30], $0x4000  }
0x35: {  	[sflag:s30] =	ssyncset.done $0x0  }
0x36: {  	[sflag:s30] =	ssyncadd.s32 $0xFFFFC000  }
.LBB2_9:
0x37: {  	s13 =	sadd.s32 $0x1, s13  }
0x38: {  	p0 =	sne.s32 s13, $0x19  }
.Ltmp5:
0x39: {  	_ = 	snop;
	(pc) =	sbr.rel @!p0 .LBB2_10-.Ltmp5, $1  }
0x3a: {  	_ =	sdelay $0x3  }
.LBB2_3:
0x3b: {  	s2 =	sshll.u32 s13, $0xB  }
0x3c: {  	s2 =	sadd.s32 s10, s2  }
0x3d: {  	s2 =	sshrl.u32 s2, $0x3  }
0x3e: {  	s4 =	sadd.s32 s7, s2  }
0x3f: {  	[tilespmem:s5], [sflag:$0x5] =	stream.linear.gather [hbm4b:s4+s5], $0x800, $0x38;
	[tilespmem:$0x1FE00] =	vst v63  }
0x40: {  	_ =	swait.ge [sflag:s15], $0x800  }
0x41: {  	[sflag:s15] =	ssyncset.done $0x0  }
0x42: {  	s2 =	sadd.s32 s8, s2;
	[sflag:s15] =	ssyncadd.s32 $0xFFFFF800  }
0x43: {  	[tilespmem:s16], [sflag:$0x5] =	stream.linear.gather [hbm4b:s2+s5], $0x800, $0x38;
	[tilespmem:$0x1FE00] =	vst v63  }
0x44: {  	_ =	swait.ge [sflag:s15], $0x800  }
0x45: {  	[sflag:s15] =	ssyncset.done $0x0  }
0x46: {  	s2 =	simm.s32 $0x0;
	[sflag:s15] =	ssyncadd.s32 $0xFFFFF800  }
0x47: {  	v12 =	vld [tilespmem:s2+$0x800];
	_ =	sdelay $0x4  }
0x48: {  	v12 =	vsub.s32 v12, v11  }
0x49: {  	vm0 =	vlt.u32 v12, $0x900  }
0x4a: {  	v13 =	vsel vm0, $0x1, v2  }
0x4b: {  	(xrf0) =	vadd.scan.msk.s32 $0xffff, v13;
	_ =	sdelay $0x2  }
0x4c: {  	v13 =	vmov s5  }
0x4d: {  	v13 =	vadd.s32 $0xFFFFFFFF, v13  }
0x4e: {  	v13 =	vbroadcast v13, $0x0  }
0x4f: {  	v14, _, _ =	vpop (xrf0)  }
0x50: {  	v13 =	vadd.s32 v14, v13  }
0x51: {  	s6 =	simm.s32 $0x80;
	s4 =	simm.s32 $0x40;
	v14 =	vshll.u32 v13, $0x2;
	(v2sf) =	vpush v13, $0xF  }
.LBB2_4:
0x52: {  	p0 =	sne.s32 s6, $0x1FC0;
	v13 =	vand.u32 $0x1F, v13;
	v14 =	vand.u32 $0xFFFFFF80, v14  }
0x53: {  	v15 =	vld [tilespmem:s2+$0x0];
	v13 =	vor.u32 v13, v14;
	_ =	sdelay $0x4  }
0x54: {  	[tilespmem:v13+s17+$0x0] =	vst.idx.msk vm0, v15  }
0x55: {  	s2 =	sshra.s32 s4, $0x2;
	s4 =	smov.u32 s6;
	[tilespmem:v13+s18+$0x0] =	vst.idx.msk vm0, v12  }
0x56: {  	v12 =	vld [tilespmem:s2+$0x800];
	_ =	sdelay $0x4  }
0x57: {  	v12 =	vsub.s32 v12, v11  }
0x58: {  	vm0 =	vlt.u32 v12, $0x900;
	s9 =	spop (v2sf)  }
0x59: {  	v13 =	vsel vm0, $0x1, v2;
	s9 =	sadd.s32 $0x1, s9  }
0x5a: {  	(xrf0) =	vadd.scan.msk.s32 $0xffff, v13;
	_ =	sdelay $0x2  }
0x5b: {  	v13 =	vmov s9  }
.Ltmp6:
0x5c: {  	v13 =	vadd.s32 $0xFFFFFFFF, v13;
	(pc) =	sbr.rel @p0 .LBB2_4-.Ltmp6, $4  }
0x5d: {  	v13 =	vbroadcast v13, $0x0  }
0x5e: {  	v14, _, _ =	vpop (xrf0)  }
0x5f: {  	v13 =	vadd.s32 v14, v13  }
0x60: {  	s6 =	sadd.s32 $0x40, s6;
	v14 =	vshll.u32 v13, $0x2;
	(v2sf) =	vpush v13, $0xF  }
0x61: {  	v13 =	vand.u32 $0x1F, v13;
	v14 =	vand.u32 $0xFFFFFF80, v14  }
0x62: {  	v15 =	vld [tilespmem:s2+$0x0];
	v13 =	vor.u32 v13, v14;
	_ =	sdelay $0x4  }
0x63: {  	[tilespmem:v13+s17+$0x0] =	vst.idx.msk vm0, v15  }
0x64: {  	s2 =	sshra.s32 s4, $0x2;
	[tilespmem:v13+s18+$0x0] =	vst.idx.msk vm0, v12  }
0x65: {  	v12 =	vld [tilespmem:s2+$0x800];
	_ =	sdelay $0x4  }
0x66: {  	v12 =	vsub.s32 v12, v11  }
0x67: {  	vm15 =	vlt.u32 v12, $0x900  }
0x68: {  	v50 =	vsel vm15, $0x1, v2  }
0x69: {  	(xrf0) =	vadd.scan.msk.s32 $0xffff, v50  }
0x6a: {  	s9 =	spop (v2sf)  }
0x6b: {  	s4 =	sadd.s32 $0x1, s9  }
0x6c: {  	v51 =	vmov s4  }
0x6d: {  	v13 =	vadd.s32 $0xFFFFFFFF, v51  }
0x6e: {  	v13 =	vbroadcast v13, $0x0  }
0x6f: {  	v52, _, _ =	vpop (xrf0)  }
0x70: {  	v13 =	vadd.s32 v52, v13  }
0x71: {  	(v2sf) =	vpush v13, $0xF;
	_ =	sdelay $0xe  }
0x72: {  	s4 =	spop (v2sf)  }
0x73: {  	v14 =	vshll.u32 v13, $0x2;
	s6 =	sadd.s32 $0x1, s4  }
0x74: {  	v13 =	vand.u32 $0x1F, v13;
	v14 =	vand.u32 $0xFFFFFF80, v14;
	v53 =	vadd.s32 s6, v0  }
0x75: {  	v16 =	vld [tilespmem:s2+$0x0];
	v13 =	vor.u32 v13, v14;
	s6 =	sadd.s32 $0x11, s4;
	v54 =	vshll.u32 v53, $0x2  }
0x76: {  	v15 =	vand.u32 $0x1F, v53;
	v17 =	vadd.s32 s6, v0;
	v14 =	vand.u32 $0xFFFFFF80, v54  }
0x77: {  	s9 =	sadd.s32 $0x21, s4;
	v18 =	vshll.u32 v17, $0x2;
	v14 =	vor.u32 v15, v14  }
0x78: {  	s2 =	sadd.s32 $0x40, s4;
	v19 =	vadd.s32 s9, v0;
	s6 =	sadd.s32 $0x31, s4;
	s4 =	sand.u32 $0x3F, s4;
	v17 =	vand.u32 $0x1F, v17;
	v18 =	vand.u32 $0xFFFFFF80, v18  }
0x79: {  	s9 =	sshra.s32 s2, $0x1F;
	p0 =	slt.s32 s2, $0x1;
	v20 =	vshll.u32 v19, $0x2;
	p1 =	sne.s32 s4, $0x0;
	v18 =	vor.u32 v17, v18  }
0x7a: {  	[tilespmem:v13+s17+$0x0] =	vst.idx.msk vm15, v16;
	v55 =	vand.u32 $0x1F, v19;
	s9 =	sshrl.u32 s9, $0x1A;
	v56 =	vand.u32 $0xFFFFFF80, v20;
	v57 =	vadd.s32 s6, v0;
	p0 =	por !p0, !p1  }
0x7b: {  	[tilespmem:v13+s18+$0x0] =	vst.idx.msk vm15, v12;
	s2 =	sadd.s32 s9, s2;
	s4 =	simm.s32 $0x1;
	v58 =	vor.u32 v55, v56;
	v59 =	vshll.u32 v57, $0x2;
	p0 =	por !p0, !p0  }
0x7c: {  	v60 =	vand.u32 $0x1F, v57;
	s2 =	sshra.s32 s2, $0x6;
	v13 =	vand.u32 $0xFFFFFF80, v59;
	s4 =	simm.s32 @!p0 $0x0;
	[tilespmem:v14+s17+$0x0] =	vst.idx.msk $0xffff, v15;
	v15 =	vor.u32 $0x900, v15  }
0x7d: {  	v13 =	vor.u32 v60, v13;
	s2 =	ssub.s32 s2, s4;
	[tilespmem:v14+s18+$0x0] =	vst.idx.msk $0xffff, v15  }
0x7e: {  	v61 =	vor.u32 $0x900, v17;
	p0 =	slt.s32 s2, $0x1;
	[tilespmem:v18+s17+$0x0] =	vst.idx.msk $0xffff, v17  }
.Ltmp7:
0x7f: {  	[tilespmem:v18+s18+$0x0] =	vst.idx.msk $0xffff, v61;
	(pc) =	sbr.rel @p0 .LBB2_9-.Ltmp7, $4  }
0x80: {  	v62 =	vor.u32 $0x900, v55;
	[tilespmem:v58+s17+$0x0] =	vst.idx.msk $0xffff, v55  }
0x81: {  	[tilespmem:v58+s18+$0x0] =	vst.idx.msk $0xffff, v62  }
0x82: {  	v63 =	vor.u32 $0x900, v60;
	[tilespmem:v13+s17+$0x0] =	vst.idx.msk $0xffff, v60  }
0x83: {  	s4 =	simm.s32 $0x1;
	[tilespmem:v13+s18+$0x0] =	vst.idx.msk $0xffff, v63  }
0x84: {  	s6 =	sshll.u32 s4, $0x7  }
0x85: {  	s9 =	sadd.s32 $0xFFFFFF80, s6  }
0x86: {  	v12 =	vor.u32 s9, v1;
	_ =	sdelay $0x4  }
0x87: {  	v13 =	vld.idx.msk [tilespmem:v12+s17+$0x0], $0xffff  }
0x88: {  	v12 =	vld.idx.msk [tilespmem:v12+s18+$0x0], $0xffff;
	_ =	sdelay $0x2  }
0x89: {  	v14 =	vor.u32 s9, v4  }
0x8a: {  	v13 =	vshll.u32 v13, $0x2  }
0x8b: {  	v12 =	vshll.u32 v12, $0x2;
	v13 =	vor.u32 v3, v13  }
0x8c: {  	v12 =	vor.u32 v3, v12;
	[tilespmem:$0x5800] =	vst v13  }
0x8d: {  	[tilespmem:$0x5900] =	vst v12  }
0x8e: {  	v12 =	vld.idx.msk [tilespmem:v14+s17+$0x0], $0xffff  }
0x8f: {  	v13 =	vld.idx.msk [tilespmem:v14+s18+$0x0], $0xffff;
	_ =	sdelay $0x2  }
0x90: {  	v14 =	vor.u32 s9, v5  }
0x91: {  	v12 =	vshll.u32 v12, $0x2  }
0x92: {  	v13 =	vshll.u32 v13, $0x2;
	v12 =	vor.u32 v3, v12  }
0x93: {  	[tilespmem:$0x5810] =	vst v12;
	v12 =	vor.u32 v3, v13  }
0x94: {  	[tilespmem:$0x5910] =	vst v12  }
0x95: {  	v12 =	vld.idx.msk [tilespmem:v14+s17+$0x0], $0xffff  }
0x96: {  	v13 =	vld.idx.msk [tilespmem:v14+s18+$0x0], $0xffff;
	_ =	sdelay $0x2  }
0x97: {  	v14 =	vor.u32 s9, v6  }
0x98: {  	v12 =	vshll.u32 v12, $0x2  }
0x99: {  	v13 =	vshll.u32 v13, $0x2;
	v12 =	vor.u32 v3, v12  }
0x9a: {  	[tilespmem:$0x5820] =	vst v12;
	v12 =	vor.u32 v3, v13  }
0x9b: {  	[tilespmem:$0x5920] =	vst v12  }
0x9c: {  	v12 =	vld.idx.msk [tilespmem:v14+s17+$0x0], $0xffff  }
0x9d: {  	v13 =	vld.idx.msk [tilespmem:v14+s18+$0x0], $0xffff;
	_ =	sdelay $0x2  }
0x9e: {  	v14 =	vor.u32 s9, v7  }
0x9f: {  	v12 =	vshll.u32 v12, $0x2  }
0xa0: {  	v13 =	vshll.u32 v13, $0x2;
	v12 =	vor.u32 v3, v12  }
0xa1: {  	[tilespmem:$0x5830] =	vst v12;
	v12 =	vor.u32 v3, v13  }
0xa2: {  	[tilespmem:$0x5930] =	vst v12  }
0xa3: {  	v12 =	vld.idx.msk [tilespmem:v14+s17+$0x0], $0xffff  }
0xa4: {  	v13 =	vld.idx.msk [tilespmem:v14+s18+$0x0], $0xffff;
	_ =	sdelay $0x2  }
0xa5: {  	v14 =	vor.u32 s9, v8  }
0xa6: {  	v12 =	vshll.u32 v12, $0x2  }
0xa7: {  	v13 =	vshll.u32 v13, $0x2;
	v12 =	vor.u32 v3, v12  }
0xa8: {  	[tilespmem:$0x5840] =	vst v12;
	v12 =	vor.u32 v3, v13  }
0xa9: {  	[tilespmem:$0x5940] =	vst v12  }
0xaa: {  	v12 =	vld.idx.msk [tilespmem:v14+s17+$0x0], $0xffff  }
0xab: {  	v13 =	vld.idx.msk [tilespmem:v14+s18+$0x0], $0xffff;
	_ =	sdelay $0x2  }
0xac: {  	v14 =	vor.u32 s9, v9  }
0xad: {  	v12 =	vshll.u32 v12, $0x2  }
0xae: {  	v13 =	vshll.u32 v13, $0x2;
	v12 =	vor.u32 v3, v12  }
0xaf: {  	[tilespmem:$0x5850] =	vst v12;
	v12 =	vor.u32 v3, v13  }
0xb0: {  	[tilespmem:$0x5950] =	vst v12  }
0xb1: {  	v12 =	vld.idx.msk [tilespmem:v14+s17+$0x0], $0xffff  }
0xb2: {  	v13 =	vld.idx.msk [tilespmem:v14+s18+$0x0], $0xffff;
	_ =	sdelay $0x2  }
0xb3: {  	v14 =	vor.u32 s9, v10  }
0xb4: {  	v12 =	vshll.u32 v12, $0x2  }
0xb5: {  	v13 =	vshll.u32 v13, $0x2;
	v12 =	vor.u32 v3, v12  }
0xb6: {  	[tilespmem:$0x5860] =	vst v12;
	v12 =	vor.u32 v3, v13  }
0xb7: {  	[tilespmem:$0x5960] =	vst v12  }
0xb8: {  	v12 =	vld.idx.msk [tilespmem:v14+s17+$0x0], $0xffff  }
0xb9: {  	v13 =	vld.idx.msk [tilespmem:v14+s18+$0x0], $0xffff;
	_ =	sdelay $0x3  }
0xba: {  	v14 =	vor.u32 s6, v1;
	v12 =	vshll.u32 v12, $0x2  }
0xbb: {  	v13 =	vshll.u32 v13, $0x2;
	v12 =	vor.u32 v3, v12  }
0xbc: {  	[tilespmem:$0x5870] =	vst v12;
	v12 =	vor.u32 v3, v13  }
0xbd: {  	[tilespmem:$0x5970] =	vst v12  }
0xbe: {  	[tilespmem:s22], [sflag:$0x1] =	stream.indirect.gather [hbm4b:s1+s20], $0x80, s21, s20, $0xb8;
	[tilespmem:$0x1FE00] =	vst v63  }
0xbf: {  	v12 =	vld.idx.msk [tilespmem:v14+s17+$0x0], $0xffff  }
0xc0: {  	v13 =	vld.idx.msk [tilespmem:v14+s18+$0x0], $0xffff;
	_ =	sdelay $0x2  }
0xc1: {  	v14 =	vor.u32 s6, v4  }
0xc2: {  	v12 =	vshll.u32 v12, $0x2  }
0xc3: {  	v13 =	vshll.u32 v13, $0x2;
	v12 =	vor.u32 v3, v12  }
0xc4: {  	[tilespmem:$0x5880] =	vst v12;
	v12 =	vor.u32 v3, v13  }
0xc5: {  	[tilespmem:$0x5980] =	vst v12  }
0xc6: {  	v12 =	vld.idx.msk [tilespmem:v14+s17+$0x0], $0xffff  }
0xc7: {  	v13 =	vld.idx.msk [tilespmem:v14+s18+$0x0], $0xffff;
	_ =	sdelay $0x2  }
0xc8: {  	v14 =	vor.u32 s6, v5  }
0xc9: {  	v12 =	vshll.u32 v12, $0x2  }
0xca: {  	v13 =	vshll.u32 v13, $0x2;
	v12 =	vor.u32 v3, v12  }
0xcb: {  	[tilespmem:$0x5890] =	vst v12;
	v12 =	vor.u32 v3, v13  }
0xcc: {  	[tilespmem:$0x5990] =	vst v12  }
0xcd: {  	v12 =	vld.idx.msk [tilespmem:v14+s17+$0x0], $0xffff  }
0xce: {  	v13 =	vld.idx.msk [tilespmem:v14+s18+$0x0], $0xffff;
	_ =	sdelay $0x2  }
0xcf: {  	v14 =	vor.u32 s6, v6  }
0xd0: {  	v12 =	vshll.u32 v12, $0x2  }
0xd1: {  	v13 =	vshll.u32 v13, $0x2;
	v12 =	vor.u32 v3, v12  }
0xd2: {  	[tilespmem:$0x58A0] =	vst v12;
	v12 =	vor.u32 v3, v13  }
0xd3: {  	[tilespmem:$0x59A0] =	vst v12  }
0xd4: {  	v12 =	vld.idx.msk [tilespmem:v14+s17+$0x0], $0xffff  }
0xd5: {  	v13 =	vld.idx.msk [tilespmem:v14+s18+$0x0], $0xffff;
	_ =	sdelay $0x2  }
0xd6: {  	v14 =	vor.u32 s6, v7  }
0xd7: {  	v12 =	vshll.u32 v12, $0x2  }
0xd8: {  	v13 =	vshll.u32 v13, $0x2;
	v12 =	vor.u32 v3, v12  }
0xd9: {  	[tilespmem:$0x58B0] =	vst v12;
	v12 =	vor.u32 v3, v13  }
0xda: {  	[tilespmem:$0x59B0] =	vst v12  }
0xdb: {  	v12 =	vld.idx.msk [tilespmem:v14+s17+$0x0], $0xffff  }
0xdc: {  	v13 =	vld.idx.msk [tilespmem:v14+s18+$0x0], $0xffff;
	_ =	sdelay $0x2  }
0xdd: {  	v14 =	vor.u32 s6, v8  }
0xde: {  	v12 =	vshll.u32 v12, $0x2  }
0xdf: {  	v13 =	vshll.u32 v13, $0x2;
	v12 =	vor.u32 v3, v12  }
0xe0: {  	[tilespmem:$0x58C0] =	vst v12;
	v12 =	vor.u32 v3, v13  }
0xe1: {  	[tilespmem:$0x59C0] =	vst v12  }
0xe2: {  	v12 =	vld.idx.msk [tilespmem:v14+s17+$0x0], $0xffff  }
0xe3: {  	v13 =	vld.idx.msk [tilespmem:v14+s18+$0x0], $0xffff;
	_ =	sdelay $0x2  }
0xe4: {  	v14 =	vor.u32 s6, v9  }
0xe5: {  	v12 =	vshll.u32 v12, $0x2  }
0xe6: {  	v13 =	vshll.u32 v13, $0x2;
	v12 =	vor.u32 v3, v12  }
0xe7: {  	[tilespmem:$0x58D0] =	vst v12;
	v12 =	vor.u32 v3, v13  }
0xe8: {  	[tilespmem:$0x59D0] =	vst v12  }
0xe9: {  	v12 =	vld.idx.msk [tilespmem:v14+s17+$0x0], $0xffff  }
0xea: {  	v13 =	vld.idx.msk [tilespmem:v14+s18+$0x0], $0xffff;
	_ =	sdelay $0x2  }
0xeb: {  	v14 =	vor.u32 s6, v10  }
0xec: {  	v12 =	vshll.u32 v12, $0x2  }
0xed: {  	v13 =	vshll.u32 v13, $0x2;
	v12 =	vor.u32 v3, v12  }
0xee: {  	[tilespmem:$0x58E0] =	vst v12;
	v12 =	vor.u32 v3, v13  }
0xef: {  	[tilespmem:$0x59E0] =	vst v12  }
0xf0: {  	v12 =	vld.idx.msk [tilespmem:v14+s17+$0x0], $0xffff  }
0xf1: {  	p0 =	sne.s32 s2, $0x1;
	v13 =	vld.idx.msk [tilespmem:v14+s18+$0x0], $0xffff  }
.Ltmp8:
0xf2: {  	_ = 	snop;
	(pc) =	sbr.rel @!p0 .LBB2_8-.Ltmp8, $3  }
0xf3: {  	_ =	sdelay $0x1  }
0xf4: {  	v12 =	vshll.u32 v12, $0x2  }
0xf5: {  	s2 =	sadd.s32 $0xFFFFFFFF, s2;
	v13 =	vshll.u32 v13, $0x2;
	v12 =	vor.u32 v3, v12  }
.LBB2_7:
0xf6: {  	p0 =	sne.s32 s2, $0x1;
	s2 =	sadd.s32 $0xFFFFFFFF, s2;
	[tilespmem:$0x58F0] =	vst v12;
	v12 =	vor.u32 v3, v13;
	s4 =	sadd.s32 $0x2, s4  }
0xf7: {  	[tilespmem:$0x59F0] =	vst v12  }
0xf8: {  	[tilespmem:s24], [sflag:$0x2] =	stream.indirect.gather [hbm4b:s1+s20], $0x80, s23, s20, $0xb8;
	[tilespmem:$0x1FE00] =	vst v63  }
0xf9: {  	_ =	swait.ge [sflag:s19], $0x4000  }
0xfa: {  	[sflag:s19] =	ssyncset.done $0x0  }
0xfb: {  	[sflag:s19] =	ssyncadd.s32 $0xFFFFC000  }
0xfc: {  	[spmem:s3] =	stream.indirect.scatter.add.f32 [tilespmem:s22], [sflag:$0x3], $0x80, s25, s20, $0xb8;
	[tilespmem:$0x1FE00] =	vst v63  }
0xfd: {  	_ =	swait.ge [sflag:s26], $0x4000  }
0xfe: {  	[sflag:s26] =	ssyncset.done $0x0  }
0xff: {  	s6 =	sshll.u32 s4, $0x7;
	[sflag:s26] =	ssyncadd.s32 $0xFFFFC000  }
0x100: {  	[spmem:s3] =	stream.indirect.scatter.add.f32 [tilespmem:s24], [sflag:$0x4], $0x80, s28, s20, $0xb8;
	[tilespmem:$0x1FE00] =	vst v63  }
0x101: {  	s9 =	sadd.s32 $0xFFFFFF80, s6;
	_ =	swait.ge [sflag:s29], $0x4000  }
0x102: {  	v12 =	vor.u32 s9, v1;
	[sflag:s29] =	ssyncset.done $0x0  }
0x103: {  	[sflag:s29] =	ssyncadd.s32 $0xFFFFC000  }
0x104: {  	_ =	swait.ge [sflag:s30], $0x4000  }
0x105: {  	[sflag:s30] =	ssyncset.done $0x0  }
0x106: {  	[sflag:s30] =	ssyncadd.s32 $0xFFFFC000  }
0x107: {  	v13 =	vld.idx.msk [tilespmem:v12+s17+$0x0], $0xffff  }
0x108: {  	v12 =	vld.idx.msk [tilespmem:v12+s18+$0x0], $0xffff;
	_ =	sdelay $0x3  }
0x109: {  	v14 =	vor.u32 s9, v4  }
0x10a: {  	v13 =	vshll.u32 v13, $0x2  }
0x10b: {  	v13 =	vor.u32 v3, v13;
	v12 =	vshll.u32 v12, $0x2  }
0x10c: {  	v12 =	vor.u32 v3, v12;
	[tilespmem:$0x5800] =	vst v13  }
0x10d: {  	[tilespmem:$0x5900] =	vst v12  }
0x10e: {  	v12 =	vld.idx.msk [tilespmem:v14+s17+$0x0], $0xffff  }
0x10f: {  	v13 =	vld.idx.msk [tilespmem:v14+s18+$0x0], $0xffff;
	_ =	sdelay $0x3  }
0x110: {  	v14 =	vor.u32 s9, v5  }
0x111: {  	v12 =	vshll.u32 v12, $0x2  }
0x112: {  	v12 =	vor.u32 v3, v12;
	v13 =	vshll.u32 v13, $0x2  }
0x113: {  	[tilespmem:$0x5810] =	vst v12;
	v12 =	vor.u32 v3, v13  }
0x114: {  	[tilespmem:$0x5910] =	vst v12  }
0x115: {  	v12 =	vld.idx.msk [tilespmem:v14+s17+$0x0], $0xffff  }
0x116: {  	v13 =	vld.idx.msk [tilespmem:v14+s18+$0x0], $0xffff;
	_ =	sdelay $0x3  }
0x117: {  	v14 =	vor.u32 s9, v6  }
0x118: {  	v12 =	vshll.u32 v12, $0x2  }
0x119: {  	v12 =	vor.u32 v3, v12;
	v13 =	vshll.u32 v13, $0x2  }
0x11a: {  	[tilespmem:$0x5820] =	vst v12;
	v12 =	vor.u32 v3, v13  }
0x11b: {  	[tilespmem:$0x5920] =	vst v12  }
0x11c: {  	v12 =	vld.idx.msk [tilespmem:v14+s17+$0x0], $0xffff  }
0x11d: {  	v13 =	vld.idx.msk [tilespmem:v14+s18+$0x0], $0xffff;
	_ =	sdelay $0x3  }
0x11e: {  	v14 =	vor.u32 s9, v7  }
0x11f: {  	v12 =	vshll.u32 v12, $0x2  }
0x120: {  	v12 =	vor.u32 v3, v12;
	v13 =	vshll.u32 v13, $0x2  }
0x121: {  	[tilespmem:$0x5830] =	vst v12;
	v12 =	vor.u32 v3, v13  }
0x122: {  	[tilespmem:$0x5930] =	vst v12  }
0x123: {  	v12 =	vld.idx.msk [tilespmem:v14+s17+$0x0], $0xffff  }
0x124: {  	v13 =	vld.idx.msk [tilespmem:v14+s18+$0x0], $0xffff;
	_ =	sdelay $0x3  }
0x125: {  	v14 =	vor.u32 s9, v8  }
0x126: {  	v12 =	vshll.u32 v12, $0x2  }
0x127: {  	v12 =	vor.u32 v3, v12;
	v13 =	vshll.u32 v13, $0x2  }
0x128: {  	[tilespmem:$0x5840] =	vst v12;
	v12 =	vor.u32 v3, v13  }
0x129: {  	[tilespmem:$0x5940] =	vst v12  }
0x12a: {  	v12 =	vld.idx.msk [tilespmem:v14+s17+$0x0], $0xffff  }
0x12b: {  	v13 =	vld.idx.msk [tilespmem:v14+s18+$0x0], $0xffff;
	_ =	sdelay $0x3  }
0x12c: {  	v14 =	vor.u32 s9, v9  }
0x12d: {  	v12 =	vshll.u32 v12, $0x2  }
0x12e: {  	v12 =	vor.u32 v3, v12;
	v13 =	vshll.u32 v13, $0x2  }
0x12f: {  	[tilespmem:$0x5850] =	vst v12;
	v12 =	vor.u32 v3, v13  }
0x130: {  	[tilespmem:$0x5950] =	vst v12  }
0x131: {  	v12 =	vld.idx.msk [tilespmem:v14+s17+$0x0], $0xffff  }
0x132: {  	v13 =	vld.idx.msk [tilespmem:v14+s18+$0x0], $0xffff;
	_ =	sdelay $0x3  }
0x133: {  	v14 =	vor.u32 s9, v10  }
0x134: {  	v12 =	vshll.u32 v12, $0x2  }
0x135: {  	v12 =	vor.u32 v3, v12;
	v13 =	vshll.u32 v13, $0x2  }
0x136: {  	[tilespmem:$0x5860] =	vst v12;
	v12 =	vor.u32 v3, v13  }
0x137: {  	[tilespmem:$0x5960] =	vst v12  }
0x138: {  	v12 =	vld.idx.msk [tilespmem:v14+s17+$0x0], $0xffff  }
0x139: {  	v13 =	vld.idx.msk [tilespmem:v14+s18+$0x0], $0xffff;
	_ =	sdelay $0x4  }
0x13a: {  	v14 =	vor.u32 s6, v1;
	v12 =	vshll.u32 v12, $0x2  }
0x13b: {  	v12 =	vor.u32 v3, v12;
	v13 =	vshll.u32 v13, $0x2  }
0x13c: {  	[tilespmem:$0x5870] =	vst v12;
	v12 =	vor.u32 v3, v13  }
0x13d: {  	[tilespmem:$0x5970] =	vst v12  }
0x13e: {  	[tilespmem:s22], [sflag:$0x1] =	stream.indirect.gather [hbm4b:s1+s20], $0x80, s21, s20, $0xb8;
	[tilespmem:$0x1FE00] =	vst v63  }
0x13f: {  	v12 =	vld.idx.msk [tilespmem:v14+s17+$0x0], $0xffff  }
0x140: {  	v13 =	vld.idx.msk [tilespmem:v14+s18+$0x0], $0xffff;
	_ =	sdelay $0x3  }
0x141: {  	v14 =	vor.u32 s6, v4  }
0x142: {  	v12 =	vshll.u32 v12, $0x2  }
0x143: {  	v12 =	vor.u32 v3, v12;
	v13 =	vshll.u32 v13, $0x2  }
0x144: {  	[tilespmem:$0x5880] =	vst v12;
	v12 =	vor.u32 v3, v13  }
0x145: {  	[tilespmem:$0x5980] =	vst v12  }
0x146: {  	v12 =	vld.idx.msk [tilespmem:v14+s17+$0x0], $0xffff  }
0x147: {  	v13 =	vld.idx.msk [tilespmem:v14+s18+$0x0], $0xffff;
	_ =	sdelay $0x3  }
0x148: {  	v14 =	vor.u32 s6, v5  }
0x149: {  	v12 =	vshll.u32 v12, $0x2  }
0x14a: {  	v12 =	vor.u32 v3, v12;
	v13 =	vshll.u32 v13, $0x2  }
0x14b: {  	[tilespmem:$0x5890] =	vst v12;
	v12 =	vor.u32 v3, v13  }
0x14c: {  	[tilespmem:$0x5990] =	vst v12  }
0x14d: {  	v12 =	vld.idx.msk [tilespmem:v14+s17+$0x0], $0xffff  }
0x14e: {  	v13 =	vld.idx.msk [tilespmem:v14+s18+$0x0], $0xffff;
	_ =	sdelay $0x3  }
0x14f: {  	v14 =	vor.u32 s6, v6  }
0x150: {  	v12 =	vshll.u32 v12, $0x2  }
0x151: {  	v12 =	vor.u32 v3, v12;
	v13 =	vshll.u32 v13, $0x2  }
0x152: {  	[tilespmem:$0x58A0] =	vst v12;
	v12 =	vor.u32 v3, v13  }
0x153: {  	[tilespmem:$0x59A0] =	vst v12  }
0x154: {  	v12 =	vld.idx.msk [tilespmem:v14+s17+$0x0], $0xffff  }
0x155: {  	v13 =	vld.idx.msk [tilespmem:v14+s18+$0x0], $0xffff;
	_ =	sdelay $0x3  }
0x156: {  	v14 =	vor.u32 s6, v7  }
0x157: {  	v12 =	vshll.u32 v12, $0x2  }
0x158: {  	v12 =	vor.u32 v3, v12;
	v13 =	vshll.u32 v13, $0x2  }
0x159: {  	[tilespmem:$0x58B0] =	vst v12;
	v12 =	vor.u32 v3, v13  }
0x15a: {  	[tilespmem:$0x59B0] =	vst v12  }
0x15b: {  	v12 =	vld.idx.msk [tilespmem:v14+s17+$0x0], $0xffff  }
0x15c: {  	v13 =	vld.idx.msk [tilespmem:v14+s18+$0x0], $0xffff;
	_ =	sdelay $0x3  }
0x15d: {  	v14 =	vor.u32 s6, v8  }
0x15e: {  	v12 =	vshll.u32 v12, $0x2  }
0x15f: {  	v12 =	vor.u32 v3, v12;
	v13 =	vshll.u32 v13, $0x2  }
0x160: {  	[tilespmem:$0x58C0] =	vst v12;
	v12 =	vor.u32 v3, v13  }
0x161: {  	[tilespmem:$0x59C0] =	vst v12  }
0x162: {  	v12 =	vld.idx.msk [tilespmem:v14+s17+$0x0], $0xffff  }
0x163: {  	v13 =	vld.idx.msk [tilespmem:v14+s18+$0x0], $0xffff;
	_ =	sdelay $0x3  }
0x164: {  	v14 =	vor.u32 s6, v9  }
0x165: {  	v12 =	vshll.u32 v12, $0x2  }
0x166: {  	v12 =	vor.u32 v3, v12;
	v13 =	vshll.u32 v13, $0x2  }
0x167: {  	[tilespmem:$0x58D0] =	vst v12;
	v12 =	vor.u32 v3, v13  }
0x168: {  	[tilespmem:$0x59D0] =	vst v12  }
0x169: {  	v12 =	vld.idx.msk [tilespmem:v14+s17+$0x0], $0xffff  }
0x16a: {  	v13 =	vld.idx.msk [tilespmem:v14+s18+$0x0], $0xffff;
	_ =	sdelay $0x3  }
0x16b: {  	v14 =	vor.u32 s6, v10  }
0x16c: {  	v12 =	vshll.u32 v12, $0x2  }
0x16d: {  	v12 =	vor.u32 v3, v12;
	v13 =	vshll.u32 v13, $0x2  }
0x16e: {  	[tilespmem:$0x58E0] =	vst v12;
	v12 =	vor.u32 v3, v13  }
0x16f: {  	[tilespmem:$0x59E0] =	vst v12  }
0x170: {  	v12 =	vld.idx.msk [tilespmem:v14+s17+$0x0], $0xffff  }
0x171: {  	v13 =	vld.idx.msk [tilespmem:v14+s18+$0x0], $0xffff;
	_ =	sdelay $0x1  }
.Ltmp9:
0x172: {  	(pc) =	sbr.rel @p0 .LBB2_7-.Ltmp9, $3  }
0x173: {  	_ =	sdelay $0x1  }
0x174: {  	v12 =	vshll.u32 v12, $0x2  }
0x175: {  	v12 =	vor.u32 v3, v12;
	v13 =	vshll.u32 v13, $0x2  }
.Ltmp10:
0x176: {  	_ = 	snop;
	(pc) =	sbr.rel .LBB2_8-.Ltmp10, $1  }
0x177: {  	_ =	sdelay $0x3  }
.LBB2_12:
0x178: {  	_ =	sfence.sel $0x180000  }
0x179: {  	[bflag:$0x0] =	sbarrier.arrive $0xFFFF  }
0x17a: {  	_ =	strace $0x90000047  }
0x17b: {  	s0 =	stileid.u32;
	[bflag:$0x2] =	sbarrier.arrive $0xFFFF  }
0x17c: {  	p0 =	sne.s32 s0, $0x0;
	s0 =	rddreg [dreg:$0x3]  }
0x17d: {  	s0 =	sadd.s32 @!p0 $0x100000, s0  }
0x17e: {  	[sflag:s0] =	ssyncadd.tile.s32 @!p0 $0x1;
	_ =	shalt  }
.Lfunc_end2:
_tile_overlayer_lowered:
.L_overlay_start_2:
0x17f: {  	(tag) =	ssettag $0x2  }
0x180: {  	s0 =	rddreg [dreg:$0x0];
	s2 =	stileid.u32  }
0x181: {  	s1 =	rddreg [dreg:$0x1];
	p0 =	sne.s32 s2, $0x0  }
0x182: {  	s3 =	rddreg [dreg:$0x2];
	[bflag:$0x3] =	sbarrier.arrive $0xFFFF;
	s2 =	simm.s32 @!p0 $0x1C05  }
0x183: {  	[timem:s3], [sflag:s2] =	dma.local @!p0 [hbm:s0], s1  }
0x184: {  	s0 =	simm.s32 @!p0 $0x5  }
0x185: {  	_ =	swait.ge @!p0 [sflag:s0], s1  }
0x186: {  	s1 =	ssub.s32 @!p0 $0x0, s1;
	[sflag:s0] =	ssyncset.done @!p0 $0x0  }
0x187: {  	[sflag:s0] =	ssyncadd.s32 @!p0 s1  }
0x188: {  	[bflag:$0x3] =	sbarrier.arrive $0xFFFF  }
0x189: {  	_ =	shalt  }

</sc_bundles>
